<compile_context>
chip_gen: v7x
topology: tpu7x:2x2x1
jax: 0.10.2.dev20260603
libtpu: 0.0.44.dev20260713+nightly
codegen_flags: <defaults>
</compile_context>

<pallas_src>
import functools

import jax
import jax.numpy as jnp
from jax import lax
from jax.experimental import pallas as pl
from jax.experimental.pallas import tpu as pltpu
from jax.experimental.pallas import tpu_sc as plsc

N = 1_600_000
B = 512
NELEM = 118
NC, NS, L = 2, 16, 16
NW = NC * NS
CHUNK = N // NW
BLK = 10_000
NBLK = CHUNK // BLK
ITERS = BLK // L
UNROLL = 5
ROWS = B // L
STRIDE = 17
ACCW = B * STRIDE + L

_mesh = plsc.VectorSubcoreMesh(
    core_axis_name="c", subcore_axis_name="s", num_cores=NC, num_subcores=NS
)


@functools.partial(
    pl.kernel,
    out_type=jax.ShapeDtypeStruct((NC, B), jnp.float32),
    mesh=_mesh,
    compiler_params=pltpu.CompilerParams(needs_layout_passes=False),
    scratch_types=[
        pltpu.VMEM((BLK,), jnp.float32),
        pltpu.VMEM((BLK,), jnp.float32),
        pltpu.VMEM((BLK,), jnp.int32),
        pltpu.VMEM((BLK,), jnp.int32),
        pltpu.VMEM((BLK,), jnp.int32),
        pltpu.VMEM((BLK,), jnp.int32),
        pltpu.VMEM((ACCW,), jnp.float32),
        pltpu.VMEM((ACCW,), jnp.float32),
        pltpu.VMEM((ACCW,), jnp.float32),
        pltpu.VMEM((ACCW,), jnp.float32),
        pltpu.VMEM((ACCW,), jnp.float32),
        pltpu.VMEM((B,), jnp.float32),
        pltpu.VMEM((128,), jnp.float32),
        pltpu.VMEM((L,), jnp.float32),
        pltpu.VMEM((L,), jnp.float32),
        pltpu.VMEM((2 * L,), jnp.float32),
        pltpu.VMEM((NS, 2 * L), jnp.float32),
        pltpu.VMEM_SHARED((NS, B), jnp.float32),
        pltpu.SemaphoreType.DMA,
        pltpu.SemaphoreType.DMA,
        pltpu.SemaphoreType.DMA,
    ],
)
def _seg_kernel(off_hbm, typ_hbm, bid_hbm, bias_hbm, std_hbm, tot_hbm, out_hbm,
                off0, off1, typ0, typ1, bid0, bid1,
                acc0, acc1, acc2, acc3, acc4, loc,
                biasv, stdv, totv, fbuf, mbuf, shared, sem0, sem1, sem2):
    accs = [acc0, acc1, acc2, acc3, acc4]
    c = lax.axis_index("c")
    s = lax.axis_index("s")
    w = c * NS + s
    bufs = [(off0, typ0, bid0, sem0), (off1, typ1, bid1, sem1)]

    def start_block(b):
        base = pl.multiple_of(w * CHUNK + b * BLK, 16)
        ob, tb, bb, sem = bufs[b % 2]
        return [
            pltpu.async_copy(off_hbm.at[pl.ds(base, BLK)], ob, sem),
            pltpu.async_copy(typ_hbm.at[pl.ds(base, BLK)], tb, sem),
            pltpu.async_copy(bid_hbm.at[pl.ds(base, BLK)], bb, sem),
        ]

    handles = start_block(0)

    pltpu.sync_copy(bias_hbm, biasv)
    pltpu.sync_copy(std_hbm, stdv.at[pl.ds(0, 1)])
    pltpu.sync_copy(tot_hbm, totv.at[pl.ds(0, 1)])

    zeros = jnp.zeros((L,), jnp.float32)
    iv = lax.iota(jnp.int32, L)

    def zacc(i, carry):
        for a in accs:
            a[pl.ds(i * L, L)] = zeros
        return carry
    lax.fori_loop(0, ACCW // L, zacc, 0)

    std_s = stdv[...][0]
    lane17 = iv * STRIDE

    for b in range(NBLK):
        nxt = start_block(b + 1) if b + 1 < NBLK else None
        for h in handles:
            h.wait()
        ob, tb, bb, _sem = bufs[b % 2]

        def body(i, carry):
            base = i * (UNROLL * L)
            for u, a in enumerate(accs):
                o = ob[pl.ds(base + u * L, L)]
                t = tb[pl.ds(base + u * L, L)]
                bi = bb[pl.ds(base + u * L, L)]
                bias = plsc.load_gather(biasv, [t])
                e = o * std_s + bias
                plsc.addupdate_scatter(a, [bi * STRIDE + iv], e)
            return carry
        lax.fori_loop(0, ITERS // UNROLL, body, 0)
        handles = nxt

    def reduce_row(j, carry):
        v = zeros
        for a in accs:
            for l in range(L):
                v = v + plsc.load_gather(a, [lane17 + (j * (L * STRIDE) + l)])
        loc[pl.ds(j * L, L)] = v
        return carry
    lax.fori_loop(0, ROWS, reduce_row, 0)

    pltpu.sync_copy(loc, shared.at[s])
    plsc.subcore_barrier()

    merge = [
        pltpu.async_copy(shared.at[t, pl.ds(2 * L * s, 2 * L)], mbuf.at[t], sem2)
        for t in range(NS)
    ]
    for h in merge:
        h.wait()
    tot_v = zeros + totv[...][0] * jnp.where(c == 0, 1.0, 0.0)
    v0 = tot_v
    v1 = tot_v
    for t in range(NS):
        v0 = v0 + mbuf[t, pl.ds(0, L)]
        v1 = v1 + mbuf[t, pl.ds(L, L)]
    fbuf[pl.ds(0, L)] = v0
    fbuf[pl.ds(L, L)] = v1
    pltpu.sync_copy(fbuf, out_hbm.at[c, pl.ds(2 * L * s, 2 * L)])


def kernel(atomic_offset_energy, atom_type, batch_ids, cell,
           potential_bias, potential_std, potential_total):
    bias128 = jnp.zeros((128,), jnp.float32).at[:NELEM].set(potential_bias)
    partial = _seg_kernel(atomic_offset_energy, atom_type, batch_ids,
                          bias128, potential_std, potential_total)
    return partial[0] + partial[1]

# --- scband reference (transcript-rebuilt; emitter-appended) ---
"""Pipeline reference for scband-potential-final-net-11819749998876 (READ-ONLY COPY).

The authoritative reference and input builder live on the scoring server;
editing this copy changes nothing except your own understanding.
"""

import jax, jax.numpy as jnp
import numpy as np

ELEMENTS_LENGTH = 118


def setup_inputs(seed: int = 0) -> dict:
    key = jax.random.key(seed)
    k1, k2, k3, k4, k5 = jax.random.split(key, 5)
    N = 1600000
    B = 512
    atomic_offset_energy = jax.random.normal(k1, (N,), dtype=jnp.float32)
    atom_type = jax.random.randint(k2, (N,), 0, ELEMENTS_LENGTH, dtype=jnp.int32)
    batch_ids = jnp.sort(jax.random.randint(k3, (N,), 0, B, dtype=jnp.int32))
    cell = jax.random.normal(k4, (B, 3, 3), dtype=jnp.float32)
    # learned/registered buffers of PotentialFinalNet
    potential_bias = jax.random.normal(k5, (ELEMENTS_LENGTH,), dtype=jnp.float32) * 0.1
    potential_std = jnp.ones((1,), dtype=jnp.float32)
    potential_total = jnp.zeros((1,), dtype=jnp.float32)
    return {
        "atomic_offset_energy": atomic_offset_energy,
        "atom_type": atom_type,
        "batch_ids": batch_ids,
        "cell": cell,
        "potential_bias": potential_bias,
        "potential_std": potential_std,
        "potential_total": potential_total,
    }


def reference(atomic_offset_energy, atom_type, batch_ids, cell,
              potential_bias, potential_std, potential_total):
    # nbatch = data[GLOBAL][CELL].shape[0]
    nbatch = cell.shape[0]
    # atomic_offset_energy * potential_std
    off = atomic_offset_energy * potential_std
    # potential_bias[atom_type]  (embedding-style gather)
    bias = jnp.take(potential_bias, atom_type, axis=0)
    atomic_energy = bias + off
    # scatter(..., reduce='sum', dim_size=nbatch) -> segment_sum
    total_energy = jax.ops.segment_sum(atomic_energy, batch_ids,
                                       num_segments=nbatch) + potential_total
    return total_energy

if __name__ == "__main__":
    import jax
    _d = setup_inputs()
    print(jax.jit(kernel)(*tuple(_d.values())))

</pallas_src>

<mosaic_0001>
#map = affine_map<(d0, d1) -> (0)>
#map1 = affine_map<(d0, d1) -> (0, 0)>
module attributes {stable_mosaic.version = 14 : i64} {
  func.func @_seg_kernel(%arg0: i32, %arg1: i32, %arg2: memref<1600000xf32, #tpu.memory_space<hbm>>, %arg3: memref<1600000xi32, #tpu.memory_space<hbm>>, %arg4: memref<1600000xi32, #tpu.memory_space<hbm>>, %arg5: memref<128xf32, #tpu.memory_space<hbm>>, %arg6: memref<1xf32, #tpu.memory_space<hbm>>, %arg7: memref<1xf32, #tpu.memory_space<hbm>>, %arg8: memref<2x512xf32, #tpu.memory_space<hbm>>, %arg9: memref<10000xf32, #tpu.memory_space<vmem>>, %arg10: memref<10000xf32, #tpu.memory_space<vmem>>, %arg11: memref<10000xi32, #tpu.memory_space<vmem>>, %arg12: memref<10000xi32, #tpu.memory_space<vmem>>, %arg13: memref<10000xi32, #tpu.memory_space<vmem>>, %arg14: memref<10000xi32, #tpu.memory_space<vmem>>, %arg15: memref<8720xf32, #tpu.memory_space<vmem>>, %arg16: memref<8720xf32, #tpu.memory_space<vmem>>, %arg17: memref<8720xf32, #tpu.memory_space<vmem>>, %arg18: memref<8720xf32, #tpu.memory_space<vmem>>, %arg19: memref<8720xf32, #tpu.memory_space<vmem>>, %arg20: memref<512xf32, #tpu.memory_space<vmem>>, %arg21: memref<128xf32, #tpu.memory_space<vmem>>, %arg22: memref<16xf32, #tpu.memory_space<vmem>>, %arg23: memref<16xf32, #tpu.memory_space<vmem>>, %arg24: memref<32xf32, #tpu.memory_space<vmem>>, %arg25: memref<16x32xf32, #tpu.memory_space<vmem>>, %arg26: memref<16x512xf32, #tpu.memory_space<vmem_shared>>, %arg27: memref<!tpu.dma_semaphore, #tpu.memory_space<semaphore_mem>>, %arg28: memref<!tpu.dma_semaphore, #tpu.memory_space<semaphore_mem>>, %arg29: memref<!tpu.dma_semaphore, #tpu.memory_space<semaphore_mem>>) attributes {dimension_semantics = [#tpu.dimension_semantics<core_parallel>, #tpu.dimension_semantics<subcore_parallel>], iteration_bounds = array<i64: 2, 16>, scalar_prefetch = 0 : i64, scratch_operands = 21 : i64, tpu.core_type = #tpu.core_type<sc_vector_subcore>, window_params = [{transform_indices = #map}, {transform_indices = #map}, {transform_indices = #map}, {transform_indices = #map}, {transform_indices = #map}, {transform_indices = #map}, {transform_indices = #map1}]} {
    %mul3A = arith.constant 16 : i32
    %mul3A_0 = arith.muli %arg0, %mul3A : i32
    %add3A = arith.addi %mul3A_0, %arg1 : i32
    %mul3A_1 = arith.constant 50000 : i32
    %mul3A_2 = arith.muli %add3A, %mul3A_1 : i32
    %add3A_3 = arith.constant 0 : i32
    %add3A_4 = arith.addi %mul3A_2, %add3A_3 : i32
    %multiple_of3A = tpu.assume_multiple %add3A_4, 16 : i32
    %dma_start3A = tpu.memref_slice %arg2[%multiple_of3A] : memref<1600000xf32, #tpu.memory_space<hbm>> -> memref<10000xf32, #tpu.memory_space<hbm>>
    %dma_start3A_5 = tpu.memref_slice %arg2[%multiple_of3A] : memref<1600000xf32, #tpu.memory_space<hbm>> -> memref<10000xf32, #tpu.memory_space<hbm>>
    tpu.enqueue_dma source(%dma_start3A_5 : memref<10000xf32, #tpu.memory_space<hbm>>) target(%arg9 : memref<10000xf32, #tpu.memory_space<vmem>>) target_semaphore(%arg27 : memref<!tpu.dma_semaphore, #tpu.memory_space<semaphore_mem>>)
    %dma_start3A_6 = tpu.memref_slice %arg3[%multiple_of3A] : memref<1600000xi32, #tpu.memory_space<hbm>> -> memref<10000xi32, #tpu.memory_space<hbm>>
    %dma_start3A_7 = tpu.memref_slice %arg3[%multiple_of3A] : memref<1600000xi32, #tpu.memory_space<hbm>> -> memref<10000xi32, #tpu.memory_space<hbm>>
    tpu.enqueue_dma source(%dma_start3A_7 : memref<10000xi32, #tpu.memory_space<hbm>>) target(%arg11 : memref<10000xi32, #tpu.memory_space<vmem>>) target_semaphore(%arg27 : memref<!tpu.dma_semaphore, #tpu.memory_space<semaphore_mem>>)
    %dma_start3A_8 = tpu.memref_slice %arg4[%multiple_of3A] : memref<1600000xi32, #tpu.memory_space<hbm>> -> memref<10000xi32, #tpu.memory_space<hbm>>
    %dma_start3A_9 = tpu.memref_slice %arg4[%multiple_of3A] : memref<1600000xi32, #tpu.memory_space<hbm>> -> memref<10000xi32, #tpu.memory_space<hbm>>
    tpu.enqueue_dma source(%dma_start3A_9 : memref<10000xi32, #tpu.memory_space<hbm>>) target(%arg13 : memref<10000xi32, #tpu.memory_space<vmem>>) target_semaphore(%arg27 : memref<!tpu.dma_semaphore, #tpu.memory_space<semaphore_mem>>)
    "tpu.region"() ({
      %run_scoped3A = tpu.sem_alloc : memref<!tpu.dma_semaphore, #tpu.memory_space<semaphore_mem>>
      tpu.enqueue_dma source(%arg5 : memref<128xf32, #tpu.memory_space<hbm>>) target(%arg21 : memref<128xf32, #tpu.memory_space<vmem>>) target_semaphore(%run_scoped3A : memref<!tpu.dma_semaphore, #tpu.memory_space<semaphore_mem>>)
      tpu.wait_dma2 semaphore(%run_scoped3A : memref<!tpu.dma_semaphore, #tpu.memory_space<semaphore_mem>>) src(%arg5 : memref<128xf32, #tpu.memory_space<hbm>>) dst(%arg21 : memref<128xf32, #tpu.memory_space<vmem>>)
      tpu.yield
    }) : () -> ()
    "tpu.region"() ({
      %run_scoped3A = tpu.sem_alloc : memref<!tpu.dma_semaphore, #tpu.memory_space<semaphore_mem>>
      %dma_start3A_719 = arith.constant 0 : i32
      %dma_start3A_720 = tpu.memref_slice %arg22[%dma_start3A_719] : memref<16xf32, #tpu.memory_space<vmem>> -> memref<1xf32, #tpu.memory_space<vmem>>
      %dma_start3A_721 = arith.constant 0 : i32
      %dma_start3A_722 = tpu.memref_slice %arg22[%dma_start3A_721] : memref<16xf32, #tpu.memory_space<vmem>> -> memref<1xf32, #tpu.memory_space<vmem>>
      tpu.enqueue_dma source(%arg6 : memref<1xf32, #tpu.memory_space<hbm>>) target(%dma_start3A_722 : memref<1xf32, #tpu.memory_space<vmem>>) target_semaphore(%run_scoped3A : memref<!tpu.dma_semaphore, #tpu.memory_space<semaphore_mem>>)
      %dma_wait3A_723 = arith.constant 0 : i32
      %dma_wait3A_724 = tpu.memref_slice %arg22[%dma_wait3A_723] : memref<16xf32, #tpu.memory_space<vmem>> -> memref<1xf32, #tpu.memory_space<vmem>>
      %dma_wait3A_725 = arith.constant 0 : i32
      %dma_wait3A_726 = tpu.memref_slice %arg22[%dma_wait3A_725] : memref<16xf32, #tpu.memory_space<vmem>> -> memref<1xf32, #tpu.memory_space<vmem>>
      tpu.wait_dma2 semaphore(%run_scoped3A : memref<!tpu.dma_semaphore, #tpu.memory_space<semaphore_mem>>) src(%arg6 : memref<1xf32, #tpu.memory_space<hbm>>) dst(%dma_wait3A_726 : memref<1xf32, #tpu.memory_space<vmem>>)
      tpu.yield
    }) : () -> ()
    "tpu.region"() ({
      %run_scoped3A = tpu.sem_alloc : memref<!tpu.dma_semaphore, #tpu.memory_space<semaphore_mem>>
      %dma_start3A_719 = arith.constant 0 : i32
      %dma_start3A_720 = tpu.memref_slice %arg23[%dma_start3A_719] : memref<16xf32, #tpu.memory_space<vmem>> -> memref<1xf32, #tpu.memory_space<vmem>>
      %dma_start3A_721 = arith.constant 0 : i32
      %dma_start3A_722 = tpu.memref_slice %arg23[%dma_start3A_721] : memref<16xf32, #tpu.memory_space<vmem>> -> memref<1xf32, #tpu.memory_space<vmem>>
      tpu.enqueue_dma source(%arg7 : memref<1xf32, #tpu.memory_space<hbm>>) target(%dma_start3A_722 : memref<1xf32, #tpu.memory_space<vmem>>) target_semaphore(%run_scoped3A : memref<!tpu.dma_semaphore, #tpu.memory_space<semaphore_mem>>)
      %dma_wait3A_723 = arith.constant 0 : i32
      %dma_wait3A_724 = tpu.memref_slice %arg23[%dma_wait3A_723] : memref<16xf32, #tpu.memory_space<vmem>> -> memref<1xf32, #tpu.memory_space<vmem>>
      %dma_wait3A_725 = arith.constant 0 : i32
      %dma_wait3A_726 = tpu.memref_slice %arg23[%dma_wait3A_725] : memref<16xf32, #tpu.memory_space<vmem>> -> memref<1xf32, #tpu.memory_space<vmem>>
      tpu.wait_dma2 semaphore(%run_scoped3A : memref<!tpu.dma_semaphore, #tpu.memory_space<semaphore_mem>>) src(%arg7 : memref<1xf32, #tpu.memory_space<hbm>>) dst(%dma_wait3A_726 : memref<1xf32, #tpu.memory_space<vmem>>)
      tpu.yield
    }) : () -> ()
    %broadcast_in_dim3A = arith.constant 0.000000e+00 : f32
    %broadcast_in_dim3A_10 = vector.broadcast %broadcast_in_dim3A : f32 to vector<16xf32>
    %iota3A = tpu.iota {dimensions = array<i32: 0>} : vector<16xi32>
    %scan3A = arith.constant 0 : i32
    %scan3A_11 = arith.constant 0 : i32
    %scan3A_12 = arith.constant 545 : i32
    %scan3A_13 = arith.addi %scan3A_11, %scan3A_12 : i32
    %scan3A_14 = arith.constant 1 : i32
    scf.for %scan3A_719 = %scan3A_11 to %scan3A_13 step %scan3A_14  : i32 {
      %mul3A_720 = arith.constant 16 : i32
      %mul3A_721 = arith.muli %scan3A_719, %mul3A_720 : i32
      %swap3A_722 = arith.index_cast %mul3A_721 : i32 to index
      %swap3A_723 = tpu.vector_load %arg15[%swap3A_722] {strides = array<i32>} : memref<8720xf32, #tpu.memory_space<vmem>>, vector<16xf32>,
      tpu.vector_store %arg15[%swap3A_722], %broadcast_in_dim3A_10 {strides = array<i32>} : memref<8720xf32, #tpu.memory_space<vmem>>, vector<16xf32>,
      %mul3A_724 = arith.constant 16 : i32
      %mul3A_725 = arith.muli %scan3A_719, %mul3A_724 : i32
      %swap3A_726 = arith.index_cast %mul3A_725 : i32 to index
      %swap3A_727 = tpu.vector_load %arg16[%swap3A_726] {strides = array<i32>} : memref<8720xf32, #tpu.memory_space<vmem>>, vector<16xf32>,
      tpu.vector_store %arg16[%swap3A_726], %broadcast_in_dim3A_10 {strides = array<i32>} : memref<8720xf32, #tpu.memory_space<vmem>>, vector<16xf32>,
      %mul3A_728 = arith.constant 16 : i32
      %mul3A_729 = arith.muli %scan3A_719, %mul3A_728 : i32
      %swap3A_730 = arith.index_cast %mul3A_729 : i32 to index
      %swap3A_731 = tpu.vector_load %arg17[%swap3A_730] {strides = array<i32>} : memref<8720xf32, #tpu.memory_space<vmem>>, vector<16xf32>,
      tpu.vector_store %arg17[%swap3A_730], %broadcast_in_dim3A_10 {strides = array<i32>} : memref<8720xf32, #tpu.memory_space<vmem>>, vector<16xf32>,
      %mul3A_732 = arith.constant 16 : i32
      %mul3A_733 = arith.muli %scan3A_719, %mul3A_732 : i32
      %swap3A_734 = arith.index_cast %mul3A_733 : i32 to index
      %swap3A_735 = tpu.vector_load %arg18[%swap3A_734] {strides = array<i32>} : memref<8720xf32, #tpu.memory_space<vmem>>, vector<16xf32>,
      tpu.vector_store %arg18[%swap3A_734], %broadcast_in_dim3A_10 {strides = array<i32>} : memref<8720xf32, #tpu.memory_space<vmem>>, vector<16xf32>,
      %mul3A_736 = arith.constant 16 : i32
      %mul3A_737 = arith.muli %scan3A_719, %mul3A_736 : i32
      %swap3A_738 = arith.index_cast %mul3A_737 : i32 to index
      %swap3A_739 = tpu.vector_load %arg19[%swap3A_738] {strides = array<i32>} : memref<8720xf32, #tpu.memory_space<vmem>>, vector<16xf32>,
      tpu.vector_store %arg19[%swap3A_738], %broadcast_in_dim3A_10 {strides = array<i32>} : memref<8720xf32, #tpu.memory_space<vmem>>, vector<16xf32>,
    }
    %scan3A_15 = arith.constant 545 : i32
    %get3A = arith.constant 0 : index
    %get3A_16 = tpu.vector_load %arg22[%get3A] {strides = array<i32>} : memref<16xf32, #tpu.memory_space<vmem>>, vector<16xf32>,
    %slice3A = vector.extract_strided_slice %get3A_16 {offsets = [0], sizes = [1], strides = [1]} : vector<16xf32> to vector<1xf32>
    %squeeze3A = vector.extract %slice3A[0] : f32 from vector<1xf32>
    %mul3A_17 = arith.constant 17 : i32
    %mul3A_18 = vector.broadcast %mul3A_17 : i32 to vector<16xi32>
    %mul3A_19 = arith.muli %iota3A, %mul3A_18 : vector<16xi32>
    %mul3A_20 = arith.constant 50000 : i32
    %mul3A_21 = arith.muli %add3A, %mul3A_20 : i32
    %add3A_22 = arith.constant 10000 : i32
    %add3A_23 = arith.addi %mul3A_21, %add3A_22 : i32
    %multiple_of3A_24 = tpu.assume_multiple %add3A_23, 16 : i32
    %dma_start3A_25 = tpu.memref_slice %arg2[%multiple_of3A_24] : memref<1600000xf32, #tpu.memory_space<hbm>> -> memref<10000xf32, #tpu.memory_space<hbm>>
    %dma_start3A_26 = tpu.memref_slice %arg2[%multiple_of3A_24] : memref<1600000xf32, #tpu.memory_space<hbm>> -> memref<10000xf32, #tpu.memory_space<hbm>>
    tpu.enqueue_dma source(%dma_start3A_26 : memref<10000xf32, #tpu.memory_space<hbm>>) target(%arg10 : memref<10000xf32, #tpu.memory_space<vmem>>) target_semaphore(%arg28 : memref<!tpu.dma_semaphore, #tpu.memory_space<semaphore_mem>>)
    %dma_start3A_27 = tpu.memref_slice %arg3[%multiple_of3A_24] : memref<1600000xi32, #tpu.memory_space<hbm>> -> memref<10000xi32, #tpu.memory_space<hbm>>
    %dma_start3A_28 = tpu.memref_slice %arg3[%multiple_of3A_24] : memref<1600000xi32, #tpu.memory_space<hbm>> -> memref<10000xi32, #tpu.memory_space<hbm>>
    tpu.enqueue_dma source(%dma_start3A_28 : memref<10000xi32, #tpu.memory_space<hbm>>) target(%arg12 : memref<10000xi32, #tpu.memory_space<vmem>>) target_semaphore(%arg28 : memref<!tpu.dma_semaphore, #tpu.memory_space<semaphore_mem>>)
    %dma_start3A_29 = tpu.memref_slice %arg4[%multiple_of3A_24] : memref<1600000xi32, #tpu.memory_space<hbm>> -> memref<10000xi32, #tpu.memory_space<hbm>>
    %dma_start3A_30 = tpu.memref_slice %arg4[%multiple_of3A_24] : memref<1600000xi32, #tpu.memory_space<hbm>> -> memref<10000xi32, #tpu.memory_space<hbm>>
    tpu.enqueue_dma source(%dma_start3A_30 : memref<10000xi32, #tpu.memory_space<hbm>>) target(%arg14 : memref<10000xi32, #tpu.memory_space<vmem>>) target_semaphore(%arg28 : memref<!tpu.dma_semaphore, #tpu.memory_space<semaphore_mem>>)
    %dma_wait3A = tpu.memref_slice %arg2[%multiple_of3A] : memref<1600000xf32, #tpu.memory_space<hbm>> -> memref<10000xf32, #tpu.memory_space<hbm>>
    %dma_wait3A_31 = tpu.memref_slice %arg2[%multiple_of3A] : memref<1600000xf32, #tpu.memory_space<hbm>> -> memref<10000xf32, #tpu.memory_space<hbm>>
    tpu.wait_dma2 semaphore(%arg27 : memref<!tpu.dma_semaphore, #tpu.memory_space<semaphore_mem>>) src(%dma_wait3A_31 : memref<10000xf32, #tpu.memory_space<hbm>>) dst(%arg9 : memref<10000xf32, #tpu.memory_space<vmem>>)
    %dma_wait3A_32 = tpu.memref_slice %arg3[%multiple_of3A] : memref<1600000xi32, #tpu.memory_space<hbm>> -> memref<10000xi32, #tpu.memory_space<hbm>>
    %dma_wait3A_33 = tpu.memref_slice %arg3[%multiple_of3A] : memref<1600000xi32, #tpu.memory_space<hbm>> -> memref<10000xi32, #tpu.memory_space<hbm>>
    tpu.wait_dma2 semaphore(%arg27 : memref<!tpu.dma_semaphore, #tpu.memory_space<semaphore_mem>>) src(%dma_wait3A_33 : memref<10000xi32, #tpu.memory_space<hbm>>) dst(%arg11 : memref<10000xi32, #tpu.memory_space<vmem>>)
    %dma_wait3A_34 = tpu.memref_slice %arg4[%multiple_of3A] : memref<1600000xi32, #tpu.memory_space<hbm>> -> memref<10000xi32, #tpu.memory_space<hbm>>
    %dma_wait3A_35 = tpu.memref_slice %arg4[%multiple_of3A] : memref<1600000xi32, #tpu.memory_space<hbm>> -> memref<10000xi32, #tpu.memory_space<hbm>>
    tpu.wait_dma2 semaphore(%arg27 : memref<!tpu.dma_semaphore, #tpu.memory_space<semaphore_mem>>) src(%dma_wait3A_35 : memref<10000xi32, #tpu.memory_space<hbm>>) dst(%arg13 : memref<10000xi32, #tpu.memory_space<vmem>>)
    %scan3A_36 = arith.constant 0 : i32
    %scan3A_37 = arith.constant 0 : i32
    %scan3A_38 = arith.constant 125 : i32
    %scan3A_39 = arith.addi %scan3A_37, %scan3A_38 : i32
    %scan3A_40 = arith.constant 1 : i32
    scf.for %scan3A_719 = %scan3A_37 to %scan3A_39 step %scan3A_40  : i32 {
      %mul3A_720 = arith.constant 80 : i32
      %mul3A_721 = arith.muli %scan3A_719, %mul3A_720 : i32
      %add3A_722 = arith.constant 0 : i32
      %add3A_723 = arith.addi %mul3A_721, %add3A_722 : i32
      %get3A_724 = arith.index_cast %add3A_723 : i32 to index
      %get3A_725 = tpu.vector_load %arg9[%get3A_724] {strides = array<i32>} : memref<10000xf32, #tpu.memory_space<vmem>>, vector<16xf32>,
      %add3A_726 = arith.constant 0 : i32
      %add3A_727 = arith.addi %mul3A_721, %add3A_726 : i32
      %get3A_728 = arith.index_cast %add3A_727 : i32 to index
      %get3A_729 = tpu.vector_load %arg11[%get3A_728] {strides = array<i32>} : memref<10000xi32, #tpu.memory_space<vmem>>, vector<16xi32>,
      %add3A_730 = arith.constant 0 : i32
      %add3A_731 = arith.addi %mul3A_721, %add3A_730 : i32
      %get3A_732 = arith.index_cast %add3A_731 : i32 to index
      %get3A_733 = tpu.vector_load %arg13[%get3A_732] {strides = array<i32>} : memref<10000xi32, #tpu.memory_space<vmem>>, vector<16xi32>,
      %gather3A = tpu.vector_load_idx %arg21[%get3A_729] : memref<128xf32, #tpu.memory_space<vmem>>[vector<16xi32>], vector<16xf32>,
      %mul3A_734 = vector.broadcast %squeeze3A : f32 to vector<16xf32>
      %mul3A_735 = arith.mulf %get3A_725, %mul3A_734 : vector<16xf32>
      %add3A_736 = arith.addf %mul3A_735, %gather3A : vector<16xf32>
      %mul3A_737 = arith.constant 17 : i32
      %mul3A_738 = vector.broadcast %mul3A_737 : i32 to vector<16xi32>
      %mul3A_739 = arith.muli %get3A_733, %mul3A_738 : vector<16xi32>
      %add3A_740 = arith.addi %mul3A_739, %iota3A : vector<16xi32>
      tpu.vector_store_idx %arg15[%add3A_740], %add3A_736 {add = true} : memref<8720xf32, #tpu.memory_space<vmem>>[vector<16xi32>], vector<16xf32>,
      %add3A_741 = arith.constant 16 : i32
      %add3A_742 = arith.addi %mul3A_721, %add3A_741 : i32
      %get3A_743 = arith.index_cast %add3A_742 : i32 to index
      %get3A_744 = tpu.vector_load %arg9[%get3A_743] {strides = array<i32>} : memref<10000xf32, #tpu.memory_space<vmem>>, vector<16xf32>,
      %add3A_745 = arith.constant 16 : i32
      %add3A_746 = arith.addi %mul3A_721, %add3A_745 : i32
      %get3A_747 = arith.index_cast %add3A_746 : i32 to index
      %get3A_748 = tpu.vector_load %arg11[%get3A_747] {strides = array<i32>} : memref<10000xi32, #tpu.memory_space<vmem>>, vector<16xi32>,
      %add3A_749 = arith.constant 16 : i32
      %add3A_750 = arith.addi %mul3A_721, %add3A_749 : i32
      %get3A_751 = arith.index_cast %add3A_750 : i32 to index
      %get3A_752 = tpu.vector_load %arg13[%get3A_751] {strides = array<i32>} : memref<10000xi32, #tpu.memory_space<vmem>>, vector<16xi32>,
      %gather3A_753 = tpu.vector_load_idx %arg21[%get3A_748] : memref<128xf32, #tpu.memory_space<vmem>>[vector<16xi32>], vector<16xf32>,
      %mul3A_754 = vector.broadcast %squeeze3A : f32 to vector<16xf32>
      %mul3A_755 = arith.mulf %get3A_744, %mul3A_754 : vector<16xf32>
      %add3A_756 = arith.addf %mul3A_755, %gather3A_753 : vector<16xf32>
      %mul3A_757 = arith.constant 17 : i32
      %mul3A_758 = vector.broadcast %mul3A_757 : i32 to vector<16xi32>
      %mul3A_759 = arith.muli %get3A_752, %mul3A_758 : vector<16xi32>
      %add3A_760 = arith.addi %mul3A_759, %iota3A : vector<16xi32>
      tpu.vector_store_idx %arg16[%add3A_760], %add3A_756 {add = true} : memref<8720xf32, #tpu.memory_space<vmem>>[vector<16xi32>], vector<16xf32>,
      %add3A_761 = arith.constant 32 : i32
      %add3A_762 = arith.addi %mul3A_721, %add3A_761 : i32
      %get3A_763 = arith.index_cast %add3A_762 : i32 to index
      %get3A_764 = tpu.vector_load %arg9[%get3A_763] {strides = array<i32>} : memref<10000xf32, #tpu.memory_space<vmem>>, vector<16xf32>,
      %add3A_765 = arith.constant 32 : i32
      %add3A_766 = arith.addi %mul3A_721, %add3A_765 : i32
      %get3A_767 = arith.index_cast %add3A_766 : i32 to index
      %get3A_768 = tpu.vector_load %arg11[%get3A_767] {strides = array<i32>} : memref<10000xi32, #tpu.memory_space<vmem>>, vector<16xi32>,
      %add3A_769 = arith.constant 32 : i32
      %add3A_770 = arith.addi %mul3A_721, %add3A_769 : i32
      %get3A_771 = arith.index_cast %add3A_770 : i32 to index
      %get3A_772 = tpu.vector_load %arg13[%get3A_771] {strides = array<i32>} : memref<10000xi32, #tpu.memory_space<vmem>>, vector<16xi32>,
      %gather3A_773 = tpu.vector_load_idx %arg21[%get3A_768] : memref<128xf32, #tpu.memory_space<vmem>>[vector<16xi32>], vector<16xf32>,
      %mul3A_774 = vector.broadcast %squeeze3A : f32 to vector<16xf32>
      %mul3A_775 = arith.mulf %get3A_764, %mul3A_774 : vector<16xf32>
      %add3A_776 = arith.addf %mul3A_775, %gather3A_773 : vector<16xf32>
      %mul3A_777 = arith.constant 17 : i32
      %mul3A_778 = vector.broadcast %mul3A_777 : i32 to vector<16xi32>
      %mul3A_779 = arith.muli %get3A_772, %mul3A_778 : vector<16xi32>
      %add3A_780 = arith.addi %mul3A_779, %iota3A : vector<16xi32>
      tpu.vector_store_idx %arg17[%add3A_780], %add3A_776 {add = true} : memref<8720xf32, #tpu.memory_space<vmem>>[vector<16xi32>], vector<16xf32>,
      %add3A_781 = arith.constant 48 : i32
      %add3A_782 = arith.addi %mul3A_721, %add3A_781 : i32
      %get3A_783 = arith.index_cast %add3A_782 : i32 to index
      %get3A_784 = tpu.vector_load %arg9[%get3A_783] {strides = array<i32>} : memref<10000xf32, #tpu.memory_space<vmem>>, vector<16xf32>,
      %add3A_785 = arith.constant 48 : i32
      %add3A_786 = arith.addi %mul3A_721, %add3A_785 : i32
      %get3A_787 = arith.index_cast %add3A_786 : i32 to index
      %get3A_788 = tpu.vector_load %arg11[%get3A_787] {strides = array<i32>} : memref<10000xi32, #tpu.memory_space<vmem>>, vector<16xi32>,
      %add3A_789 = arith.constant 48 : i32
      %add3A_790 = arith.addi %mul3A_721, %add3A_789 : i32
      %get3A_791 = arith.index_cast %add3A_790 : i32 to index
      %get3A_792 = tpu.vector_load %arg13[%get3A_791] {strides = array<i32>} : memref<10000xi32, #tpu.memory_space<vmem>>, vector<16xi32>,
      %gather3A_793 = tpu.vector_load_idx %arg21[%get3A_788] : memref<128xf32, #tpu.memory_space<vmem>>[vector<16xi32>], vector<16xf32>,
      %mul3A_794 = vector.broadcast %squeeze3A : f32 to vector<16xf32>
      %mul3A_795 = arith.mulf %get3A_784, %mul3A_794 : vector<16xf32>
      %add3A_796 = arith.addf %mul3A_795, %gather3A_793 : vector<16xf32>
      %mul3A_797 = arith.constant 17 : i32
      %mul3A_798 = vector.broadcast %mul3A_797 : i32 to vector<16xi32>
      %mul3A_799 = arith.muli %get3A_792, %mul3A_798 : vector<16xi32>
      %add3A_800 = arith.addi %mul3A_799, %iota3A : vector<16xi32>
      tpu.vector_store_idx %arg18[%add3A_800], %add3A_796 {add = true} : memref<8720xf32, #tpu.memory_space<vmem>>[vector<16xi32>], vector<16xf32>,
      %add3A_801 = arith.constant 64 : i32
      %add3A_802 = arith.addi %mul3A_721, %add3A_801 : i32
      %get3A_803 = arith.index_cast %add3A_802 : i32 to index
      %get3A_804 = tpu.vector_load %arg9[%get3A_803] {strides = array<i32>} : memref<10000xf32, #tpu.memory_space<vmem>>, vector<16xf32>,
      %add3A_805 = arith.constant 64 : i32
      %add3A_806 = arith.addi %mul3A_721, %add3A_805 : i32
      %get3A_807 = arith.index_cast %add3A_806 : i32 to index
      %get3A_808 = tpu.vector_load %arg11[%get3A_807] {strides = array<i32>} : memref<10000xi32, #tpu.memory_space<vmem>>, vector<16xi32>,
      %add3A_809 = arith.constant 64 : i32
      %add3A_810 = arith.addi %mul3A_721, %add3A_809 : i32
      %get3A_811 = arith.index_cast %add3A_810 : i32 to index
      %get3A_812 = tpu.vector_load %arg13[%get3A_811] {strides = array<i32>} : memref<10000xi32, #tpu.memory_space<vmem>>, vector<16xi32>,
      %gather3A_813 = tpu.vector_load_idx %arg21[%get3A_808] : memref<128xf32, #tpu.memory_space<vmem>>[vector<16xi32>], vector<16xf32>,
      %mul3A_814 = vector.broadcast %squeeze3A : f32 to vector<16xf32>
      %mul3A_815 = arith.mulf %get3A_804, %mul3A_814 : vector<16xf32>
      %add3A_816 = arith.addf %mul3A_815, %gather3A_813 : vector<16xf32>
      %mul3A_817 = arith.constant 17 : i32
      %mul3A_818 = vector.broadcast %mul3A_817 : i32 to vector<16xi32>
      %mul3A_819 = arith.muli %get3A_812, %mul3A_818 : vector<16xi32>
      %add3A_820 = arith.addi %mul3A_819, %iota3A : vector<16xi32>
      tpu.vector_store_idx %arg19[%add3A_820], %add3A_816 {add = true} : memref<8720xf32, #tpu.memory_space<vmem>>[vector<16xi32>], vector<16xf32>,
    }
    %scan3A_41 = arith.constant 125 : i32
    %mul3A_42 = arith.constant 50000 : i32
    %mul3A_43 = arith.muli %add3A, %mul3A_42 : i32
    %add3A_44 = arith.constant 20000 : i32
    %add3A_45 = arith.addi %mul3A_43, %add3A_44 : i32
    %multiple_of3A_46 = tpu.assume_multiple %add3A_45, 16 : i32
    %dma_start3A_47 = tpu.memref_slice %arg2[%multiple_of3A_46] : memref<1600000xf32, #tpu.memory_space<hbm>> -> memref<10000xf32, #tpu.memory_space<hbm>>
    %dma_start3A_48 = tpu.memref_slice %arg2[%multiple_of3A_46] : memref<1600000xf32, #tpu.memory_space<hbm>> -> memref<10000xf32, #tpu.memory_space<hbm>>
    tpu.enqueue_dma source(%dma_start3A_48 : memref<10000xf32, #tpu.memory_space<hbm>>) target(%arg9 : memref<10000xf32, #tpu.memory_space<vmem>>) target_semaphore(%arg27 : memref<!tpu.dma_semaphore, #tpu.memory_space<semaphore_mem>>)
    %dma_start3A_49 = tpu.memref_slice %arg3[%multiple_of3A_46] : memref<1600000xi32, #tpu.memory_space<hbm>> -> memref<10000xi32, #tpu.memory_space<hbm>>
    %dma_start3A_50 = tpu.memref_slice %arg3[%multiple_of3A_46] : memref<1600000xi32, #tpu.memory_space<hbm>> -> memref<10000xi32, #tpu.memory_space<hbm>>
    tpu.enqueue_dma source(%dma_start3A_50 : memref<10000xi32, #tpu.memory_space<hbm>>) target(%arg11 : memref<10000xi32, #tpu.memory_space<vmem>>) target_semaphore(%arg27 : memref<!tpu.dma_semaphore, #tpu.memory_space<semaphore_mem>>)
    %dma_start3A_51 = tpu.memref_slice %arg4[%multiple_of3A_46] : memref<1600000xi32, #tpu.memory_space<hbm>> -> memref<10000xi32, #tpu.memory_space<hbm>>
    %dma_start3A_52 = tpu.memref_slice %arg4[%multiple_of3A_46] : memref<1600000xi32, #tpu.memory_space<hbm>> -> memref<10000xi32, #tpu.memory_space<hbm>>
    tpu.enqueue_dma source(%dma_start3A_52 : memref<10000xi32, #tpu.memory_space<hbm>>) target(%arg13 : memref<10000xi32, #tpu.memory_space<vmem>>) target_semaphore(%arg27 : memref<!tpu.dma_semaphore, #tpu.memory_space<semaphore_mem>>)
    %dma_wait3A_53 = tpu.memref_slice %arg2[%multiple_of3A_24] : memref<1600000xf32, #tpu.memory_space<hbm>> -> memref<10000xf32, #tpu.memory_space<hbm>>
    %dma_wait3A_54 = tpu.memref_slice %arg2[%multiple_of3A_24] : memref<1600000xf32, #tpu.memory_space<hbm>> -> memref<10000xf32, #tpu.memory_space<hbm>>
    tpu.wait_dma2 semaphore(%arg28 : memref<!tpu.dma_semaphore, #tpu.memory_space<semaphore_mem>>) src(%dma_wait3A_54 : memref<10000xf32, #tpu.memory_space<hbm>>) dst(%arg10 : memref<10000xf32, #tpu.memory_space<vmem>>)
    %dma_wait3A_55 = tpu.memref_slice %arg3[%multiple_of3A_24] : memref<1600000xi32, #tpu.memory_space<hbm>> -> memref<10000xi32, #tpu.memory_space<hbm>>
    %dma_wait3A_56 = tpu.memref_slice %arg3[%multiple_of3A_24] : memref<1600000xi32, #tpu.memory_space<hbm>> -> memref<10000xi32, #tpu.memory_space<hbm>>
    tpu.wait_dma2 semaphore(%arg28 : memref<!tpu.dma_semaphore, #tpu.memory_space<semaphore_mem>>) src(%dma_wait3A_56 : memref<10000xi32, #tpu.memory_space<hbm>>) dst(%arg12 : memref<10000xi32, #tpu.memory_space<vmem>>)
    %dma_wait3A_57 = tpu.memref_slice %arg4[%multiple_of3A_24] : memref<1600000xi32, #tpu.memory_space<hbm>> -> memref<10000xi32, #tpu.memory_space<hbm>>
    %dma_wait3A_58 = tpu.memref_slice %arg4[%multiple_of3A_24] : memref<1600000xi32, #tpu.memory_space<hbm>> -> memref<10000xi32, #tpu.memory_space<hbm>>
    tpu.wait_dma2 semaphore(%arg28 : memref<!tpu.dma_semaphore, #tpu.memory_space<semaphore_mem>>) src(%dma_wait3A_58 : memref<10000xi32, #tpu.memory_space<hbm>>) dst(%arg14 : memref<10000xi32, #tpu.memory_space<vmem>>)
    %scan3A_59 = arith.constant 0 : i32
    %scan3A_60 = arith.constant 0 : i32
    %scan3A_61 = arith.constant 125 : i32
    %scan3A_62 = arith.addi %scan3A_60, %scan3A_61 : i32
    %scan3A_63 = arith.constant 1 : i32
    scf.for %scan3A_719 = %scan3A_60 to %scan3A_62 step %scan3A_63  : i32 {
      %mul3A_720 = arith.constant 80 : i32
      %mul3A_721 = arith.muli %scan3A_719, %mul3A_720 : i32
      %add3A_722 = arith.constant 0 : i32
      %add3A_723 = arith.addi %mul3A_721, %add3A_722 : i32
      %get3A_724 = arith.index_cast %add3A_723 : i32 to index
      %get3A_725 = tpu.vector_load %arg10[%get3A_724] {strides = array<i32>} : memref<10000xf32, #tpu.memory_space<vmem>>, vector<16xf32>,
      %add3A_726 = arith.constant 0 : i32
      %add3A_727 = arith.addi %mul3A_721, %add3A_726 : i32
      %get3A_728 = arith.index_cast %add3A_727 : i32 to index
      %get3A_729 = tpu.vector_load %arg12[%get3A_728] {strides = array<i32>} : memref<10000xi32, #tpu.memory_space<vmem>>, vector<16xi32>,
      %add3A_730 = arith.constant 0 : i32
      %add3A_731 = arith.addi %mul3A_721, %add3A_730 : i32
      %get3A_732 = arith.index_cast %add3A_731 : i32 to index
      %get3A_733 = tpu.vector_load %arg14[%get3A_732] {strides = array<i32>} : memref<10000xi32, #tpu.memory_space<vmem>>, vector<16xi32>,
      %gather3A = tpu.vector_load_idx %arg21[%get3A_729] : memref<128xf32, #tpu.memory_space<vmem>>[vector<16xi32>], vector<16xf32>,
      %mul3A_734 = vector.broadcast %squeeze3A : f32 to vector<16xf32>
      %mul3A_735 = arith.mulf %get3A_725, %mul3A_734 : vector<16xf32>
      %add3A_736 = arith.addf %mul3A_735, %gather3A : vector<16xf32>
      %mul3A_737 = arith.constant 17 : i32
      %mul3A_738 = vector.broadcast %mul3A_737 : i32 to vector<16xi32>
      %mul3A_739 = arith.muli %get3A_733, %mul3A_738 : vector<16xi32>
      %add3A_740 = arith.addi %mul3A_739, %iota3A : vector<16xi32>
      tpu.vector_store_idx %arg15[%add3A_740], %add3A_736 {add = true} : memref<8720xf32, #tpu.memory_space<vmem>>[vector<16xi32>], vector<16xf32>,
      %add3A_741 = arith.constant 16 : i32
      %add3A_742 = arith.addi %mul3A_721, %add3A_741 : i32
      %get3A_743 = arith.index_cast %add3A_742 : i32 to index
      %get3A_744 = tpu.vector_load %arg10[%get3A_743] {strides = array<i32>} : memref<10000xf32, #tpu.memory_space<vmem>>, vector<16xf32>,
      %add3A_745 = arith.constant 16 : i32
      %add3A_746 = arith.addi %mul3A_721, %add3A_745 : i32
      %get3A_747 = arith.index_cast %add3A_746 : i32 to index
      %get3A_748 = tpu.vector_load %arg12[%get3A_747] {strides = array<i32>} : memref<10000xi32, #tpu.memory_space<vmem>>, vector<16xi32>,
      %add3A_749 = arith.constant 16 : i32
      %add3A_750 = arith.addi %mul3A_721, %add3A_749 : i32
      %get3A_751 = arith.index_cast %add3A_750 : i32 to index
      %get3A_752 = tpu.vector_load %arg14[%get3A_751] {strides = array<i32>} : memref<10000xi32, #tpu.memory_space<vmem>>, vector<16xi32>,
      %gather3A_753 = tpu.vector_load_idx %arg21[%get3A_748] : memref<128xf32, #tpu.memory_space<vmem>>[vector<16xi32>], vector<16xf32>,
      %mul3A_754 = vector.broadcast %squeeze3A : f32 to vector<16xf32>
      %mul3A_755 = arith.mulf %get3A_744, %mul3A_754 : vector<16xf32>
      %add3A_756 = arith.addf %mul3A_755, %gather3A_753 : vector<16xf32>
      %mul3A_757 = arith.constant 17 : i32
      %mul3A_758 = vector.broadcast %mul3A_757 : i32 to vector<16xi32>
      %mul3A_759 = arith.muli %get3A_752, %mul3A_758 : vector<16xi32>
      %add3A_760 = arith.addi %mul3A_759, %iota3A : vector<16xi32>
      tpu.vector_store_idx %arg16[%add3A_760], %add3A_756 {add = true} : memref<8720xf32, #tpu.memory_space<vmem>>[vector<16xi32>], vector<16xf32>,
      %add3A_761 = arith.constant 32 : i32
      %add3A_762 = arith.addi %mul3A_721, %add3A_761 : i32
      %get3A_763 = arith.index_cast %add3A_762 : i32 to index
      %get3A_764 = tpu.vector_load %arg10[%get3A_763] {strides = array<i32>} : memref<10000xf32, #tpu.memory_space<vmem>>, vector<16xf32>,
      %add3A_765 = arith.constant 32 : i32
      %add3A_766 = arith.addi %mul3A_721, %add3A_765 : i32
      %get3A_767 = arith.index_cast %add3A_766 : i32 to index
      %get3A_768 = tpu.vector_load %arg12[%get3A_767] {strides = array<i32>} : memref<10000xi32, #tpu.memory_space<vmem>>, vector<16xi32>,
      %add3A_769 = arith.constant 32 : i32
      %add3A_770 = arith.addi %mul3A_721, %add3A_769 : i32
      %get3A_771 = arith.index_cast %add3A_770 : i32 to index
      %get3A_772 = tpu.vector_load %arg14[%get3A_771] {strides = array<i32>} : memref<10000xi32, #tpu.memory_space<vmem>>, vector<16xi32>,
      %gather3A_773 = tpu.vector_load_idx %arg21[%get3A_768] : memref<128xf32, #tpu.memory_space<vmem>>[vector<16xi32>], vector<16xf32>,
      %mul3A_774 = vector.broadcast %squeeze3A : f32 to vector<16xf32>
      %mul3A_775 = arith.mulf %get3A_764, %mul3A_774 : vector<16xf32>
      %add3A_776 = arith.addf %mul3A_775, %gather3A_773 : vector<16xf32>
      %mul3A_777 = arith.constant 17 : i32
      %mul3A_778 = vector.broadcast %mul3A_777 : i32 to vector<16xi32>
      %mul3A_779 = arith.muli %get3A_772, %mul3A_778 : vector<16xi32>
      %add3A_780 = arith.addi %mul3A_779, %iota3A : vector<16xi32>
      tpu.vector_store_idx %arg17[%add3A_780], %add3A_776 {add = true} : memref<8720xf32, #tpu.memory_space<vmem>>[vector<16xi32>], vector<16xf32>,
      %add3A_781 = arith.constant 48 : i32
      %add3A_782 = arith.addi %mul3A_721, %add3A_781 : i32
      %get3A_783 = arith.index_cast %add3A_782 : i32 to index
      %get3A_784 = tpu.vector_load %arg10[%get3A_783] {strides = array<i32>} : memref<10000xf32, #tpu.memory_space<vmem>>, vector<16xf32>,
      %add3A_785 = arith.constant 48 : i32
      %add3A_786 = arith.addi %mul3A_721, %add3A_785 : i32
      %get3A_787 = arith.index_cast %add3A_786 : i32 to index
      %get3A_788 = tpu.vector_load %arg12[%get3A_787] {strides = array<i32>} : memref<10000xi32, #tpu.memory_space<vmem>>, vector<16xi32>,
      %add3A_789 = arith.constant 48 : i32
      %add3A_790 = arith.addi %mul3A_721, %add3A_789 : i32
      %get3A_791 = arith.index_cast %add3A_790 : i32 to index
      %get3A_792 = tpu.vector_load %arg14[%get3A_791] {strides = array<i32>} : memref<10000xi32, #tpu.memory_space<vmem>>, vector<16xi32>,
      %gather3A_793 = tpu.vector_load_idx %arg21[%get3A_788] : memref<128xf32, #tpu.memory_space<vmem>>[vector<16xi32>], vector<16xf32>,
      %mul3A_794 = vector.broadcast %squeeze3A : f32 to vector<16xf32>
      %mul3A_795 = arith.mulf %get3A_784, %mul3A_794 : vector<16xf32>
      %add3A_796 = arith.addf %mul3A_795, %gather3A_793 : vector<16xf32>
      %mul3A_797 = arith.constant 17 : i32
      %mul3A_798 = vector.broadcast %mul3A_797 : i32 to vector<16xi32>
      %mul3A_799 = arith.muli %get3A_792, %mul3A_798 : vector<16xi32>
      %add3A_800 = arith.addi %mul3A_799, %iota3A : vector<16xi32>
      tpu.vector_store_idx %arg18[%add3A_800], %add3A_796 {add = true} : memref<8720xf32, #tpu.memory_space<vmem>>[vector<16xi32>], vector<16xf32>,
      %add3A_801 = arith.constant 64 : i32
      %add3A_802 = arith.addi %mul3A_721, %add3A_801 : i32
      %get3A_803 = arith.index_cast %add3A_802 : i32 to index
      %get3A_804 = tpu.vector_load %arg10[%get3A_803] {strides = array<i32>} : memref<10000xf32, #tpu.memory_space<vmem>>, vector<16xf32>,
      %add3A_805 = arith.constant 64 : i32
      %add3A_806 = arith.addi %mul3A_721, %add3A_805 : i32
      %get3A_807 = arith.index_cast %add3A_806 : i32 to index
      %get3A_808 = tpu.vector_load %arg12[%get3A_807] {strides = array<i32>} : memref<10000xi32, #tpu.memory_space<vmem>>, vector<16xi32>,
      %add3A_809 = arith.constant 64 : i32
      %add3A_810 = arith.addi %mul3A_721, %add3A_809 : i32
      %get3A_811 = arith.index_cast %add3A_810 : i32 to index
      %get3A_812 = tpu.vector_load %arg14[%get3A_811] {strides = array<i32>} : memref<10000xi32, #tpu.memory_space<vmem>>, vector<16xi32>,
      %gather3A_813 = tpu.vector_load_idx %arg21[%get3A_808] : memref<128xf32, #tpu.memory_space<vmem>>[vector<16xi32>], vector<16xf32>,
      %mul3A_814 = vector.broadcast %squeeze3A : f32 to vector<16xf32>
      %mul3A_815 = arith.mulf %get3A_804, %mul3A_814 : vector<16xf32>
      %add3A_816 = arith.addf %mul3A_815, %gather3A_813 : vector<16xf32>
      %mul3A_817 = arith.constant 17 : i32
      %mul3A_818 = vector.broadcast %mul3A_817 : i32 to vector<16xi32>
      %mul3A_819 = arith.muli %get3A_812, %mul3A_818 : vector<16xi32>
      %add3A_820 = arith.addi %mul3A_819, %iota3A : vector<16xi32>
      tpu.vector_store_idx %arg19[%add3A_820], %add3A_816 {add = true} : memref<8720xf32, #tpu.memory_space<vmem>>[vector<16xi32>], vector<16xf32>,
    }
    %scan3A_64 = arith.constant 125 : i32
    %mul3A_65 = arith.constant 50000 : i32
    %mul3A_66 = arith.muli %add3A, %mul3A_65 : i32
    %add3A_67 = arith.constant 30000 : i32
    %add3A_68 = arith.addi %mul3A_66, %add3A_67 : i32
    %multiple_of3A_69 = tpu.assume_multiple %add3A_68, 16 : i32
    %dma_start3A_70 = tpu.memref_slice %arg2[%multiple_of3A_69] : memref<1600000xf32, #tpu.memory_space<hbm>> -> memref<10000xf32, #tpu.memory_space<hbm>>
    %dma_start3A_71 = tpu.memref_slice %arg2[%multiple_of3A_69] : memref<1600000xf32, #tpu.memory_space<hbm>> -> memref<10000xf32, #tpu.memory_space<hbm>>
    tpu.enqueue_dma source(%dma_start3A_71 : memref<10000xf32, #tpu.memory_space<hbm>>) target(%arg10 : memref<10000xf32, #tpu.memory_space<vmem>>) target_semaphore(%arg28 : memref<!tpu.dma_semaphore, #tpu.memory_space<semaphore_mem>>)
    %dma_start3A_72 = tpu.memref_slice %arg3[%multiple_of3A_69] : memref<1600000xi32, #tpu.memory_space<hbm>> -> memref<10000xi32, #tpu.memory_space<hbm>>
    %dma_start3A_73 = tpu.memref_slice %arg3[%multiple_of3A_69] : memref<1600000xi32, #tpu.memory_space<hbm>> -> memref<10000xi32, #tpu.memory_space<hbm>>
    tpu.enqueue_dma source(%dma_start3A_73 : memref<10000xi32, #tpu.memory_space<hbm>>) target(%arg12 : memref<10000xi32, #tpu.memory_space<vmem>>) target_semaphore(%arg28 : memref<!tpu.dma_semaphore, #tpu.memory_space<semaphore_mem>>)
    %dma_start3A_74 = tpu.memref_slice %arg4[%multiple_of3A_69] : memref<1600000xi32, #tpu.memory_space<hbm>> -> memref<10000xi32, #tpu.memory_space<hbm>>
    %dma_start3A_75 = tpu.memref_slice %arg4[%multiple_of3A_69] : memref<1600000xi32, #tpu.memory_space<hbm>> -> memref<10000xi32, #tpu.memory_space<hbm>>
    tpu.enqueue_dma source(%dma_start3A_75 : memref<10000xi32, #tpu.memory_space<hbm>>) target(%arg14 : memref<10000xi32, #tpu.memory_space<vmem>>) target_semaphore(%arg28 : memref<!tpu.dma_semaphore, #tpu.memory_space<semaphore_mem>>)
    %dma_wait3A_76 = tpu.memref_slice %arg2[%multiple_of3A_46] : memref<1600000xf32, #tpu.memory_space<hbm>> -> memref<10000xf32, #tpu.memory_space<hbm>>
    %dma_wait3A_77 = tpu.memref_slice %arg2[%multiple_of3A_46] : memref<1600000xf32, #tpu.memory_space<hbm>> -> memref<10000xf32, #tpu.memory_space<hbm>>
    tpu.wait_dma2 semaphore(%arg27 : memref<!tpu.dma_semaphore, #tpu.memory_space<semaphore_mem>>) src(%dma_wait3A_77 : memref<10000xf32, #tpu.memory_space<hbm>>) dst(%arg9 : memref<10000xf32, #tpu.memory_space<vmem>>)
    %dma_wait3A_78 = tpu.memref_slice %arg3[%multiple_of3A_46] : memref<1600000xi32, #tpu.memory_space<hbm>> -> memref<10000xi32, #tpu.memory_space<hbm>>
    %dma_wait3A_79 = tpu.memref_slice %arg3[%multiple_of3A_46] : memref<1600000xi32, #tpu.memory_space<hbm>> -> memref<10000xi32, #tpu.memory_space<hbm>>
    tpu.wait_dma2 semaphore(%arg27 : memref<!tpu.dma_semaphore, #tpu.memory_space<semaphore_mem>>) src(%dma_wait3A_79 : memref<10000xi32, #tpu.memory_space<hbm>>) dst(%arg11 : memref<10000xi32, #tpu.memory_space<vmem>>)
    %dma_wait3A_80 = tpu.memref_slice %arg4[%multiple_of3A_46] : memref<1600000xi32, #tpu.memory_space<hbm>> -> memref<10000xi32, #tpu.memory_space<hbm>>
    %dma_wait3A_81 = tpu.memref_slice %arg4[%multiple_of3A_46] : memref<1600000xi32, #tpu.memory_space<hbm>> -> memref<10000xi32, #tpu.memory_space<hbm>>
    tpu.wait_dma2 semaphore(%arg27 : memref<!tpu.dma_semaphore, #tpu.memory_space<semaphore_mem>>) src(%dma_wait3A_81 : memref<10000xi32, #tpu.memory_space<hbm>>) dst(%arg13 : memref<10000xi32, #tpu.memory_space<vmem>>)
    %scan3A_82 = arith.constant 0 : i32
    %scan3A_83 = arith.constant 0 : i32
    %scan3A_84 = arith.constant 125 : i32
    %scan3A_85 = arith.addi %scan3A_83, %scan3A_84 : i32
    %scan3A_86 = arith.constant 1 : i32
    scf.for %scan3A_719 = %scan3A_83 to %scan3A_85 step %scan3A_86  : i32 {
      %mul3A_720 = arith.constant 80 : i32
      %mul3A_721 = arith.muli %scan3A_719, %mul3A_720 : i32
      %add3A_722 = arith.constant 0 : i32
      %add3A_723 = arith.addi %mul3A_721, %add3A_722 : i32
      %get3A_724 = arith.index_cast %add3A_723 : i32 to index
      %get3A_725 = tpu.vector_load %arg9[%get3A_724] {strides = array<i32>} : memref<10000xf32, #tpu.memory_space<vmem>>, vector<16xf32>,
      %add3A_726 = arith.constant 0 : i32
      %add3A_727 = arith.addi %mul3A_721, %add3A_726 : i32
      %get3A_728 = arith.index_cast %add3A_727 : i32 to index
      %get3A_729 = tpu.vector_load %arg11[%get3A_728] {strides = array<i32>} : memref<10000xi32, #tpu.memory_space<vmem>>, vector<16xi32>,
      %add3A_730 = arith.constant 0 : i32
      %add3A_731 = arith.addi %mul3A_721, %add3A_730 : i32
      %get3A_732 = arith.index_cast %add3A_731 : i32 to index
      %get3A_733 = tpu.vector_load %arg13[%get3A_732] {strides = array<i32>} : memref<10000xi32, #tpu.memory_space<vmem>>, vector<16xi32>,
      %gather3A = tpu.vector_load_idx %arg21[%get3A_729] : memref<128xf32, #tpu.memory_space<vmem>>[vector<16xi32>], vector<16xf32>,
      %mul3A_734 = vector.broadcast %squeeze3A : f32 to vector<16xf32>
      %mul3A_735 = arith.mulf %get3A_725, %mul3A_734 : vector<16xf32>
      %add3A_736 = arith.addf %mul3A_735, %gather3A : vector<16xf32>
      %mul3A_737 = arith.constant 17 : i32
      %mul3A_738 = vector.broadcast %mul3A_737 : i32 to vector<16xi32>
      %mul3A_739 = arith.muli %get3A_733, %mul3A_738 : vector<16xi32>
      %add3A_740 = arith.addi %mul3A_739, %iota3A : vector<16xi32>
      tpu.vector_store_idx %arg15[%add3A_740], %add3A_736 {add = true} : memref<8720xf32, #tpu.memory_space<vmem>>[vector<16xi32>], vector<16xf32>,
      %add3A_741 = arith.constant 16 : i32
      %add3A_742 = arith.addi %mul3A_721, %add3A_741 : i32
      %get3A_743 = arith.index_cast %add3A_742 : i32 to index
      %get3A_744 = tpu.vector_load %arg9[%get3A_743] {strides = array<i32>} : memref<10000xf32, #tpu.memory_space<vmem>>, vector<16xf32>,
      %add3A_745 = arith.constant 16 : i32
      %add3A_746 = arith.addi %mul3A_721, %add3A_745 : i32
      %get3A_747 = arith.index_cast %add3A_746 : i32 to index
      %get3A_748 = tpu.vector_load %arg11[%get3A_747] {strides = array<i32>} : memref<10000xi32, #tpu.memory_space<vmem>>, vector<16xi32>,
      %add3A_749 = arith.constant 16 : i32
      %add3A_750 = arith.addi %mul3A_721, %add3A_749 : i32
      %get3A_751 = arith.index_cast %add3A_750 : i32 to index
      %get3A_752 = tpu.vector_load %arg13[%get3A_751] {strides = array<i32>} : memref<10000xi32, #tpu.memory_space<vmem>>, vector<16xi32>,
      %gather3A_753 = tpu.vector_load_idx %arg21[%get3A_748] : memref<128xf32, #tpu.memory_space<vmem>>[vector<16xi32>], vector<16xf32>,
      %mul3A_754 = vector.broadcast %squeeze3A : f32 to vector<16xf32>
      %mul3A_755 = arith.mulf %get3A_744, %mul3A_754 : vector<16xf32>
      %add3A_756 = arith.addf %mul3A_755, %gather3A_753 : vector<16xf32>
      %mul3A_757 = arith.constant 17 : i32
      %mul3A_758 = vector.broadcast %mul3A_757 : i32 to vector<16xi32>
      %mul3A_759 = arith.muli %get3A_752, %mul3A_758 : vector<16xi32>
      %add3A_760 = arith.addi %mul3A_759, %iota3A : vector<16xi32>
      tpu.vector_store_idx %arg16[%add3A_760], %add3A_756 {add = true} : memref<8720xf32, #tpu.memory_space<vmem>>[vector<16xi32>], vector<16xf32>,
      %add3A_761 = arith.constant 32 : i32
      %add3A_762 = arith.addi %mul3A_721, %add3A_761 : i32
      %get3A_763 = arith.index_cast %add3A_762 : i32 to index
      %get3A_764 = tpu.vector_load %arg9[%get3A_763] {strides = array<i32>} : memref<10000xf32, #tpu.memory_space<vmem>>, vector<16xf32>,
      %add3A_765 = arith.constant 32 : i32
      %add3A_766 = arith.addi %mul3A_721, %add3A_765 : i32
      %get3A_767 = arith.index_cast %add3A_766 : i32 to index
      %get3A_768 = tpu.vector_load %arg11[%get3A_767] {strides = array<i32>} : memref<10000xi32, #tpu.memory_space<vmem>>, vector<16xi32>,
      %add3A_769 = arith.constant 32 : i32
      %add3A_770 = arith.addi %mul3A_721, %add3A_769 : i32
      %get3A_771 = arith.index_cast %add3A_770 : i32 to index
      %get3A_772 = tpu.vector_load %arg13[%get3A_771] {strides = array<i32>} : memref<10000xi32, #tpu.memory_space<vmem>>, vector<16xi32>,
      %gather3A_773 = tpu.vector_load_idx %arg21[%get3A_768] : memref<128xf32, #tpu.memory_space<vmem>>[vector<16xi32>], vector<16xf32>,
      %mul3A_774 = vector.broadcast %squeeze3A : f32 to vector<16xf32>
      %mul3A_775 = arith.mulf %get3A_764, %mul3A_774 : vector<16xf32>
      %add3A_776 = arith.addf %mul3A_775, %gather3A_773 : vector<16xf32>
      %mul3A_777 = arith.constant 17 : i32
      %mul3A_778 = vector.broadcast %mul3A_777 : i32 to vector<16xi32>
      %mul3A_779 = arith.muli %get3A_772, %mul3A_778 : vector<16xi32>
      %add3A_780 = arith.addi %mul3A_779, %iota3A : vector<16xi32>
      tpu.vector_store_idx %arg17[%add3A_780], %add3A_776 {add = true} : memref<8720xf32, #tpu.memory_space<vmem>>[vector<16xi32>], vector<16xf32>,
      %add3A_781 = arith.constant 48 : i32
      %add3A_782 = arith.addi %mul3A_721, %add3A_781 : i32
      %get3A_783 = arith.index_cast %add3A_782 : i32 to index
      %get3A_784 = tpu.vector_load %arg9[%get3A_783] {strides = array<i32>} : memref<10000xf32, #tpu.memory_space<vmem>>, vector<16xf32>,
      %add3A_785 = arith.constant 48 : i32
      %add3A_786 = arith.addi %mul3A_721, %add3A_785 : i32
      %get3A_787 = arith.index_cast %add3A_786 : i32 to index
      %get3A_788 = tpu.vector_load %arg11[%get3A_787] {strides = array<i32>} : memref<10000xi32, #tpu.memory_space<vmem>>, vector<16xi32>,
      %add3A_789 = arith.constant 48 : i32
      %add3A_790 = arith.addi %mul3A_721, %add3A_789 : i32
      %get3A_791 = arith.index_cast %add3A_790 : i32 to index
      %get3A_792 = tpu.vector_load %arg13[%get3A_791] {strides = array<i32>} : memref<10000xi32, #tpu.memory_space<vmem>>, vector<16xi32>,
      %gather3A_793 = tpu.vector_load_idx %arg21[%get3A_788] : memref<128xf32, #tpu.memory_space<vmem>>[vector<16xi32>], vector<16xf32>,
      %mul3A_794 = vector.broadcast %squeeze3A : f32 to vector<16xf32>
      %mul3A_795 = arith.mulf %get3A_784, %mul3A_794 : vector<16xf32>
      %add3A_796 = arith.addf %mul3A_795, %gather3A_793 : vector<16xf32>
      %mul3A_797 = arith.constant 17 : i32
      %mul3A_798 = vector.broadcast %mul3A_797 : i32 to vector<16xi32>
      %mul3A_799 = arith.muli %get3A_792, %mul3A_798 : vector<16xi32>
      %add3A_800 = arith.addi %mul3A_799, %iota3A : vector<16xi32>
      tpu.vector_store_idx %arg18[%add3A_800], %add3A_796 {add = true} : memref<8720xf32, #tpu.memory_space<vmem>>[vector<16xi32>], vector<16xf32>,
      %add3A_801 = arith.constant 64 : i32
      %add3A_802 = arith.addi %mul3A_721, %add3A_801 : i32
      %get3A_803 = arith.index_cast %add3A_802 : i32 to index
      %get3A_804 = tpu.vector_load %arg9[%get3A_803] {strides = array<i32>} : memref<10000xf32, #tpu.memory_space<vmem>>, vector<16xf32>,
      %add3A_805 = arith.constant 64 : i32
      %add3A_806 = arith.addi %mul3A_721, %add3A_805 : i32
      %get3A_807 = arith.index_cast %add3A_806 : i32 to index
      %get3A_808 = tpu.vector_load %arg11[%get3A_807] {strides = array<i32>} : memref<10000xi32, #tpu.memory_space<vmem>>, vector<16xi32>,
      %add3A_809 = arith.constant 64 : i32
      %add3A_810 = arith.addi %mul3A_721, %add3A_809 : i32
      %get3A_811 = arith.index_cast %add3A_810 : i32 to index
      %get3A_812 = tpu.vector_load %arg13[%get3A_811] {strides = array<i32>} : memref<10000xi32, #tpu.memory_space<vmem>>, vector<16xi32>,
      %gather3A_813 = tpu.vector_load_idx %arg21[%get3A_808] : memref<128xf32, #tpu.memory_space<vmem>>[vector<16xi32>], vector<16xf32>,
      %mul3A_814 = vector.broadcast %squeeze3A : f32 to vector<16xf32>
      %mul3A_815 = arith.mulf %get3A_804, %mul3A_814 : vector<16xf32>
      %add3A_816 = arith.addf %mul3A_815, %gather3A_813 : vector<16xf32>
      %mul3A_817 = arith.constant 17 : i32
      %mul3A_818 = vector.broadcast %mul3A_817 : i32 to vector<16xi32>
      %mul3A_819 = arith.muli %get3A_812, %mul3A_818 : vector<16xi32>
      %add3A_820 = arith.addi %mul3A_819, %iota3A : vector<16xi32>
      tpu.vector_store_idx %arg19[%add3A_820], %add3A_816 {add = true} : memref<8720xf32, #tpu.memory_space<vmem>>[vector<16xi32>], vector<16xf32>,
    }
    %scan3A_87 = arith.constant 125 : i32
    %mul3A_88 = arith.constant 50000 : i32
    %mul3A_89 = arith.muli %add3A, %mul3A_88 : i32
    %add3A_90 = arith.constant 40000 : i32
    %add3A_91 = arith.addi %mul3A_89, %add3A_90 : i32
    %multiple_of3A_92 = tpu.assume_multiple %add3A_91, 16 : i32
    %dma_start3A_93 = tpu.memref_slice %arg2[%multiple_of3A_92] : memref<1600000xf32, #tpu.memory_space<hbm>> -> memref<10000xf32, #tpu.memory_space<hbm>>
    %dma_start3A_94 = tpu.memref_slice %arg2[%multiple_of3A_92] : memref<1600000xf32, #tpu.memory_space<hbm>> -> memref<10000xf32, #tpu.memory_space<hbm>>
    tpu.enqueue_dma source(%dma_start3A_94 : memref<10000xf32, #tpu.memory_space<hbm>>) target(%arg9 : memref<10000xf32, #tpu.memory_space<vmem>>) target_semaphore(%arg27 : memref<!tpu.dma_semaphore, #tpu.memory_space<semaphore_mem>>)
    %dma_start3A_95 = tpu.memref_slice %arg3[%multiple_of3A_92] : memref<1600000xi32, #tpu.memory_space<hbm>> -> memref<10000xi32, #tpu.memory_space<hbm>>
    %dma_start3A_96 = tpu.memref_slice %arg3[%multiple_of3A_92] : memref<1600000xi32, #tpu.memory_space<hbm>> -> memref<10000xi32, #tpu.memory_space<hbm>>
    tpu.enqueue_dma source(%dma_start3A_96 : memref<10000xi32, #tpu.memory_space<hbm>>) target(%arg11 : memref<10000xi32, #tpu.memory_space<vmem>>) target_semaphore(%arg27 : memref<!tpu.dma_semaphore, #tpu.memory_space<semaphore_mem>>)
    %dma_start3A_97 = tpu.memref_slice %arg4[%multiple_of3A_92] : memref<1600000xi32, #tpu.memory_space<hbm>> -> memref<10000xi32, #tpu.memory_space<hbm>>
    %dma_start3A_98 = tpu.memref_slice %arg4[%multiple_of3A_92] : memref<1600000xi32, #tpu.memory_space<hbm>> -> memref<10000xi32, #tpu.memory_space<hbm>>
    tpu.enqueue_dma source(%dma_start3A_98 : memref<10000xi32, #tpu.memory_space<hbm>>) target(%arg13 : memref<10000xi32, #tpu.memory_space<vmem>>) target_semaphore(%arg27 : memref<!tpu.dma_semaphore, #tpu.memory_space<semaphore_mem>>)
    %dma_wait3A_99 = tpu.memref_slice %arg2[%multiple_of3A_69] : memref<1600000xf32, #tpu.memory_space<hbm>> -> memref<10000xf32, #tpu.memory_space<hbm>>
    %dma_wait3A_100 = tpu.memref_slice %arg2[%multiple_of3A_69] : memref<1600000xf32, #tpu.memory_space<hbm>> -> memref<10000xf32, #tpu.memory_space<hbm>>
    tpu.wait_dma2 semaphore(%arg28 : memref<!tpu.dma_semaphore, #tpu.memory_space<semaphore_mem>>) src(%dma_wait3A_100 : memref<10000xf32, #tpu.memory_space<hbm>>) dst(%arg10 : memref<10000xf32, #tpu.memory_space<vmem>>)
    %dma_wait3A_101 = tpu.memref_slice %arg3[%multiple_of3A_69] : memref<1600000xi32, #tpu.memory_space<hbm>> -> memref<10000xi32, #tpu.memory_space<hbm>>
    %dma_wait3A_102 = tpu.memref_slice %arg3[%multiple_of3A_69] : memref<1600000xi32, #tpu.memory_space<hbm>> -> memref<10000xi32, #tpu.memory_space<hbm>>
    tpu.wait_dma2 semaphore(%arg28 : memref<!tpu.dma_semaphore, #tpu.memory_space<semaphore_mem>>) src(%dma_wait3A_102 : memref<10000xi32, #tpu.memory_space<hbm>>) dst(%arg12 : memref<10000xi32, #tpu.memory_space<vmem>>)
    %dma_wait3A_103 = tpu.memref_slice %arg4[%multiple_of3A_69] : memref<1600000xi32, #tpu.memory_space<hbm>> -> memref<10000xi32, #tpu.memory_space<hbm>>
    %dma_wait3A_104 = tpu.memref_slice %arg4[%multiple_of3A_69] : memref<1600000xi32, #tpu.memory_space<hbm>> -> memref<10000xi32, #tpu.memory_space<hbm>>
    tpu.wait_dma2 semaphore(%arg28 : memref<!tpu.dma_semaphore, #tpu.memory_space<semaphore_mem>>) src(%dma_wait3A_104 : memref<10000xi32, #tpu.memory_space<hbm>>) dst(%arg14 : memref<10000xi32, #tpu.memory_space<vmem>>)
    %scan3A_105 = arith.constant 0 : i32
    %scan3A_106 = arith.constant 0 : i32
    %scan3A_107 = arith.constant 125 : i32
    %scan3A_108 = arith.addi %scan3A_106, %scan3A_107 : i32
    %scan3A_109 = arith.constant 1 : i32
    scf.for %scan3A_719 = %scan3A_106 to %scan3A_108 step %scan3A_109  : i32 {
      %mul3A_720 = arith.constant 80 : i32
      %mul3A_721 = arith.muli %scan3A_719, %mul3A_720 : i32
      %add3A_722 = arith.constant 0 : i32
      %add3A_723 = arith.addi %mul3A_721, %add3A_722 : i32
      %get3A_724 = arith.index_cast %add3A_723 : i32 to index
      %get3A_725 = tpu.vector_load %arg10[%get3A_724] {strides = array<i32>} : memref<10000xf32, #tpu.memory_space<vmem>>, vector<16xf32>,
      %add3A_726 = arith.constant 0 : i32
      %add3A_727 = arith.addi %mul3A_721, %add3A_726 : i32
      %get3A_728 = arith.index_cast %add3A_727 : i32 to index
      %get3A_729 = tpu.vector_load %arg12[%get3A_728] {strides = array<i32>} : memref<10000xi32, #tpu.memory_space<vmem>>, vector<16xi32>,
      %add3A_730 = arith.constant 0 : i32
      %add3A_731 = arith.addi %mul3A_721, %add3A_730 : i32
      %get3A_732 = arith.index_cast %add3A_731 : i32 to index
      %get3A_733 = tpu.vector_load %arg14[%get3A_732] {strides = array<i32>} : memref<10000xi32, #tpu.memory_space<vmem>>, vector<16xi32>,
      %gather3A = tpu.vector_load_idx %arg21[%get3A_729] : memref<128xf32, #tpu.memory_space<vmem>>[vector<16xi32>], vector<16xf32>,
      %mul3A_734 = vector.broadcast %squeeze3A : f32 to vector<16xf32>
      %mul3A_735 = arith.mulf %get3A_725, %mul3A_734 : vector<16xf32>
      %add3A_736 = arith.addf %mul3A_735, %gather3A : vector<16xf32>
      %mul3A_737 = arith.constant 17 : i32
      %mul3A_738 = vector.broadcast %mul3A_737 : i32 to vector<16xi32>
      %mul3A_739 = arith.muli %get3A_733, %mul3A_738 : vector<16xi32>
      %add3A_740 = arith.addi %mul3A_739, %iota3A : vector<16xi32>
      tpu.vector_store_idx %arg15[%add3A_740], %add3A_736 {add = true} : memref<8720xf32, #tpu.memory_space<vmem>>[vector<16xi32>], vector<16xf32>,
      %add3A_741 = arith.constant 16 : i32
      %add3A_742 = arith.addi %mul3A_721, %add3A_741 : i32
      %get3A_743 = arith.index_cast %add3A_742 : i32 to index
      %get3A_744 = tpu.vector_load %arg10[%get3A_743] {strides = array<i32>} : memref<10000xf32, #tpu.memory_space<vmem>>, vector<16xf32>,
      %add3A_745 = arith.constant 16 : i32
      %add3A_746 = arith.addi %mul3A_721, %add3A_745 : i32
      %get3A_747 = arith.index_cast %add3A_746 : i32 to index
      %get3A_748 = tpu.vector_load %arg12[%get3A_747] {strides = array<i32>} : memref<10000xi32, #tpu.memory_space<vmem>>, vector<16xi32>,
      %add3A_749 = arith.constant 16 : i32
      %add3A_750 = arith.addi %mul3A_721, %add3A_749 : i32
      %get3A_751 = arith.index_cast %add3A_750 : i32 to index
      %get3A_752 = tpu.vector_load %arg14[%get3A_751] {strides = array<i32>} : memref<10000xi32, #tpu.memory_space<vmem>>, vector<16xi32>,
      %gather3A_753 = tpu.vector_load_idx %arg21[%get3A_748] : memref<128xf32, #tpu.memory_space<vmem>>[vector<16xi32>], vector<16xf32>,
      %mul3A_754 = vector.broadcast %squeeze3A : f32 to vector<16xf32>
      %mul3A_755 = arith.mulf %get3A_744, %mul3A_754 : vector<16xf32>
      %add3A_756 = arith.addf %mul3A_755, %gather3A_753 : vector<16xf32>
      %mul3A_757 = arith.constant 17 : i32
      %mul3A_758 = vector.broadcast %mul3A_757 : i32 to vector<16xi32>
      %mul3A_759 = arith.muli %get3A_752, %mul3A_758 : vector<16xi32>
      %add3A_760 = arith.addi %mul3A_759, %iota3A : vector<16xi32>
      tpu.vector_store_idx %arg16[%add3A_760], %add3A_756 {add = true} : memref<8720xf32, #tpu.memory_space<vmem>>[vector<16xi32>], vector<16xf32>,
      %add3A_761 = arith.constant 32 : i32
      %add3A_762 = arith.addi %mul3A_721, %add3A_761 : i32
      %get3A_763 = arith.index_cast %add3A_762 : i32 to index
      %get3A_764 = tpu.vector_load %arg10[%get3A_763] {strides = array<i32>} : memref<10000xf32, #tpu.memory_space<vmem>>, vector<16xf32>,
      %add3A_765 = arith.constant 32 : i32
      %add3A_766 = arith.addi %mul3A_721, %add3A_765 : i32
      %get3A_767 = arith.index_cast %add3A_766 : i32 to index
      %get3A_768 = tpu.vector_load %arg12[%get3A_767] {strides = array<i32>} : memref<10000xi32, #tpu.memory_space<vmem>>, vector<16xi32>,
      %add3A_769 = arith.constant 32 : i32
      %add3A_770 = arith.addi %mul3A_721, %add3A_769 : i32
      %get3A_771 = arith.index_cast %add3A_770 : i32 to index
      %get3A_772 = tpu.vector_load %arg14[%get3A_771] {strides = array<i32>} : memref<10000xi32, #tpu.memory_space<vmem>>, vector<16xi32>,
      %gather3A_773 = tpu.vector_load_idx %arg21[%get3A_768] : memref<128xf32, #tpu.memory_space<vmem>>[vector<16xi32>], vector<16xf32>,
      %mul3A_774 = vector.broadcast %squeeze3A : f32 to vector<16xf32>
      %mul3A_775 = arith.mulf %get3A_764, %mul3A_774 : vector<16xf32>
      %add3A_776 = arith.addf %mul3A_775, %gather3A_773 : vector<16xf32>
      %mul3A_777 = arith.constant 17 : i32
      %mul3A_778 = vector.broadcast %mul3A_777 : i32 to vector<16xi32>
      %mul3A_779 = arith.muli %get3A_772, %mul3A_778 : vector<16xi32>
      %add3A_780 = arith.addi %mul3A_779, %iota3A : vector<16xi32>
      tpu.vector_store_idx %arg17[%add3A_780], %add3A_776 {add = true} : memref<8720xf32, #tpu.memory_space<vmem>>[vector<16xi32>], vector<16xf32>,
      %add3A_781 = arith.constant 48 : i32
      %add3A_782 = arith.addi %mul3A_721, %add3A_781 : i32
      %get3A_783 = arith.index_cast %add3A_782 : i32 to index
      %get3A_784 = tpu.vector_load %arg10[%get3A_783] {strides = array<i32>} : memref<10000xf32, #tpu.memory_space<vmem>>, vector<16xf32>,
      %add3A_785 = arith.constant 48 : i32
      %add3A_786 = arith.addi %mul3A_721, %add3A_785 : i32
      %get3A_787 = arith.index_cast %add3A_786 : i32 to index
      %get3A_788 = tpu.vector_load %arg12[%get3A_787] {strides = array<i32>} : memref<10000xi32, #tpu.memory_space<vmem>>, vector<16xi32>,
      %add3A_789 = arith.constant 48 : i32
      %add3A_790 = arith.addi %mul3A_721, %add3A_789 : i32
      %get3A_791 = arith.index_cast %add3A_790 : i32 to index
      %get3A_792 = tpu.vector_load %arg14[%get3A_791] {strides = array<i32>} : memref<10000xi32, #tpu.memory_space<vmem>>, vector<16xi32>,
      %gather3A_793 = tpu.vector_load_idx %arg21[%get3A_788] : memref<128xf32, #tpu.memory_space<vmem>>[vector<16xi32>], vector<16xf32>,
      %mul3A_794 = vector.broadcast %squeeze3A : f32 to vector<16xf32>
      %mul3A_795 = arith.mulf %get3A_784, %mul3A_794 : vector<16xf32>
      %add3A_796 = arith.addf %mul3A_795, %gather3A_793 : vector<16xf32>
      %mul3A_797 = arith.constant 17 : i32
      %mul3A_798 = vector.broadcast %mul3A_797 : i32 to vector<16xi32>
      %mul3A_799 = arith.muli %get3A_792, %mul3A_798 : vector<16xi32>
      %add3A_800 = arith.addi %mul3A_799, %iota3A : vector<16xi32>
      tpu.vector_store_idx %arg18[%add3A_800], %add3A_796 {add = true} : memref<8720xf32, #tpu.memory_space<vmem>>[vector<16xi32>], vector<16xf32>,
      %add3A_801 = arith.constant 64 : i32
      %add3A_802 = arith.addi %mul3A_721, %add3A_801 : i32
      %get3A_803 = arith.index_cast %add3A_802 : i32 to index
      %get3A_804 = tpu.vector_load %arg10[%get3A_803] {strides = array<i32>} : memref<10000xf32, #tpu.memory_space<vmem>>, vector<16xf32>,
      %add3A_805 = arith.constant 64 : i32
      %add3A_806 = arith.addi %mul3A_721, %add3A_805 : i32
      %get3A_807 = arith.index_cast %add3A_806 : i32 to index
      %get3A_808 = tpu.vector_load %arg12[%get3A_807] {strides = array<i32>} : memref<10000xi32, #tpu.memory_space<vmem>>, vector<16xi32>,
      %add3A_809 = arith.constant 64 : i32
      %add3A_810 = arith.addi %mul3A_721, %add3A_809 : i32
      %get3A_811 = arith.index_cast %add3A_810 : i32 to index
      %get3A_812 = tpu.vector_load %arg14[%get3A_811] {strides = array<i32>} : memref<10000xi32, #tpu.memory_space<vmem>>, vector<16xi32>,
      %gather3A_813 = tpu.vector_load_idx %arg21[%get3A_808] : memref<128xf32, #tpu.memory_space<vmem>>[vector<16xi32>], vector<16xf32>,
      %mul3A_814 = vector.broadcast %squeeze3A : f32 to vector<16xf32>
      %mul3A_815 = arith.mulf %get3A_804, %mul3A_814 : vector<16xf32>
      %add3A_816 = arith.addf %mul3A_815, %gather3A_813 : vector<16xf32>
      %mul3A_817 = arith.constant 17 : i32
      %mul3A_818 = vector.broadcast %mul3A_817 : i32 to vector<16xi32>
      %mul3A_819 = arith.muli %get3A_812, %mul3A_818 : vector<16xi32>
      %add3A_820 = arith.addi %mul3A_819, %iota3A : vector<16xi32>
      tpu.vector_store_idx %arg19[%add3A_820], %add3A_816 {add = true} : memref<8720xf32, #tpu.memory_space<vmem>>[vector<16xi32>], vector<16xf32>,
    }
    %scan3A_110 = arith.constant 125 : i32
    %dma_wait3A_111 = tpu.memref_slice %arg2[%multiple_of3A_92] : memref<1600000xf32, #tpu.memory_space<hbm>> -> memref<10000xf32, #tpu.memory_space<hbm>>
    %dma_wait3A_112 = tpu.memref_slice %arg2[%multiple_of3A_92] : memref<1600000xf32, #tpu.memory_space<hbm>> -> memref<10000xf32, #tpu.memory_space<hbm>>
    tpu.wait_dma2 semaphore(%arg27 : memref<!tpu.dma_semaphore, #tpu.memory_space<semaphore_mem>>) src(%dma_wait3A_112 : memref<10000xf32, #tpu.memory_space<hbm>>) dst(%arg9 : memref<10000xf32, #tpu.memory_space<vmem>>)
    %dma_wait3A_113 = tpu.memref_slice %arg3[%multiple_of3A_92] : memref<1600000xi32, #tpu.memory_space<hbm>> -> memref<10000xi32, #tpu.memory_space<hbm>>
    %dma_wait3A_114 = tpu.memref_slice %arg3[%multiple_of3A_92] : memref<1600000xi32, #tpu.memory_space<hbm>> -> memref<10000xi32, #tpu.memory_space<hbm>>
    tpu.wait_dma2 semaphore(%arg27 : memref<!tpu.dma_semaphore, #tpu.memory_space<semaphore_mem>>) src(%dma_wait3A_114 : memref<10000xi32, #tpu.memory_space<hbm>>) dst(%arg11 : memref<10000xi32, #tpu.memory_space<vmem>>)
    %dma_wait3A_115 = tpu.memref_slice %arg4[%multiple_of3A_92] : memref<1600000xi32, #tpu.memory_space<hbm>> -> memref<10000xi32, #tpu.memory_space<hbm>>
    %dma_wait3A_116 = tpu.memref_slice %arg4[%multiple_of3A_92] : memref<1600000xi32, #tpu.memory_space<hbm>> -> memref<10000xi32, #tpu.memory_space<hbm>>
    tpu.wait_dma2 semaphore(%arg27 : memref<!tpu.dma_semaphore, #tpu.memory_space<semaphore_mem>>) src(%dma_wait3A_116 : memref<10000xi32, #tpu.memory_space<hbm>>) dst(%arg13 : memref<10000xi32, #tpu.memory_space<vmem>>)
    %scan3A_117 = arith.constant 0 : i32
    %scan3A_118 = arith.constant 0 : i32
    %scan3A_119 = arith.constant 125 : i32
    %scan3A_120 = arith.addi %scan3A_118, %scan3A_119 : i32
    %scan3A_121 = arith.constant 1 : i32
    scf.for %scan3A_719 = %scan3A_118 to %scan3A_120 step %scan3A_121  : i32 {
      %mul3A_720 = arith.constant 80 : i32
      %mul3A_721 = arith.muli %scan3A_719, %mul3A_720 : i32
      %add3A_722 = arith.constant 0 : i32
      %add3A_723 = arith.addi %mul3A_721, %add3A_722 : i32
      %get3A_724 = arith.index_cast %add3A_723 : i32 to index
      %get3A_725 = tpu.vector_load %arg9[%get3A_724] {strides = array<i32>} : memref<10000xf32, #tpu.memory_space<vmem>>, vector<16xf32>,
      %add3A_726 = arith.constant 0 : i32
      %add3A_727 = arith.addi %mul3A_721, %add3A_726 : i32
      %get3A_728 = arith.index_cast %add3A_727 : i32 to index
      %get3A_729 = tpu.vector_load %arg11[%get3A_728] {strides = array<i32>} : memref<10000xi32, #tpu.memory_space<vmem>>, vector<16xi32>,
      %add3A_730 = arith.constant 0 : i32
      %add3A_731 = arith.addi %mul3A_721, %add3A_730 : i32
      %get3A_732 = arith.index_cast %add3A_731 : i32 to index
      %get3A_733 = tpu.vector_load %arg13[%get3A_732] {strides = array<i32>} : memref<10000xi32, #tpu.memory_space<vmem>>, vector<16xi32>,
      %gather3A = tpu.vector_load_idx %arg21[%get3A_729] : memref<128xf32, #tpu.memory_space<vmem>>[vector<16xi32>], vector<16xf32>,
      %mul3A_734 = vector.broadcast %squeeze3A : f32 to vector<16xf32>
      %mul3A_735 = arith.mulf %get3A_725, %mul3A_734 : vector<16xf32>
      %add3A_736 = arith.addf %mul3A_735, %gather3A : vector<16xf32>
      %mul3A_737 = arith.constant 17 : i32
      %mul3A_738 = vector.broadcast %mul3A_737 : i32 to vector<16xi32>
      %mul3A_739 = arith.muli %get3A_733, %mul3A_738 : vector<16xi32>
      %add3A_740 = arith.addi %mul3A_739, %iota3A : vector<16xi32>
      tpu.vector_store_idx %arg15[%add3A_740], %add3A_736 {add = true} : memref<8720xf32, #tpu.memory_space<vmem>>[vector<16xi32>], vector<16xf32>,
      %add3A_741 = arith.constant 16 : i32
      %add3A_742 = arith.addi %mul3A_721, %add3A_741 : i32
      %get3A_743 = arith.index_cast %add3A_742 : i32 to index
      %get3A_744 = tpu.vector_load %arg9[%get3A_743] {strides = array<i32>} : memref<10000xf32, #tpu.memory_space<vmem>>, vector<16xf32>,
      %add3A_745 = arith.constant 16 : i32
      %add3A_746 = arith.addi %mul3A_721, %add3A_745 : i32
      %get3A_747 = arith.index_cast %add3A_746 : i32 to index
      %get3A_748 = tpu.vector_load %arg11[%get3A_747] {strides = array<i32>} : memref<10000xi32, #tpu.memory_space<vmem>>, vector<16xi32>,
      %add3A_749 = arith.constant 16 : i32
      %add3A_750 = arith.addi %mul3A_721, %add3A_749 : i32
      %get3A_751 = arith.index_cast %add3A_750 : i32 to index
      %get3A_752 = tpu.vector_load %arg13[%get3A_751] {strides = array<i32>} : memref<10000xi32, #tpu.memory_space<vmem>>, vector<16xi32>,
      %gather3A_753 = tpu.vector_load_idx %arg21[%get3A_748] : memref<128xf32, #tpu.memory_space<vmem>>[vector<16xi32>], vector<16xf32>,
      %mul3A_754 = vector.broadcast %squeeze3A : f32 to vector<16xf32>
      %mul3A_755 = arith.mulf %get3A_744, %mul3A_754 : vector<16xf32>
      %add3A_756 = arith.addf %mul3A_755, %gather3A_753 : vector<16xf32>
      %mul3A_757 = arith.constant 17 : i32
      %mul3A_758 = vector.broadcast %mul3A_757 : i32 to vector<16xi32>
      %mul3A_759 = arith.muli %get3A_752, %mul3A_758 : vector<16xi32>
      %add3A_760 = arith.addi %mul3A_759, %iota3A : vector<16xi32>
      tpu.vector_store_idx %arg16[%add3A_760], %add3A_756 {add = true} : memref<8720xf32, #tpu.memory_space<vmem>>[vector<16xi32>], vector<16xf32>,
      %add3A_761 = arith.constant 32 : i32
      %add3A_762 = arith.addi %mul3A_721, %add3A_761 : i32
      %get3A_763 = arith.index_cast %add3A_762 : i32 to index
      %get3A_764 = tpu.vector_load %arg9[%get3A_763] {strides = array<i32>} : memref<10000xf32, #tpu.memory_space<vmem>>, vector<16xf32>,
      %add3A_765 = arith.constant 32 : i32
      %add3A_766 = arith.addi %mul3A_721, %add3A_765 : i32
      %get3A_767 = arith.index_cast %add3A_766 : i32 to index
      %get3A_768 = tpu.vector_load %arg11[%get3A_767] {strides = array<i32>} : memref<10000xi32, #tpu.memory_space<vmem>>, vector<16xi32>,
      %add3A_769 = arith.constant 32 : i32
      %add3A_770 = arith.addi %mul3A_721, %add3A_769 : i32
      %get3A_771 = arith.index_cast %add3A_770 : i32 to index
      %get3A_772 = tpu.vector_load %arg13[%get3A_771] {strides = array<i32>} : memref<10000xi32, #tpu.memory_space<vmem>>, vector<16xi32>,
      %gather3A_773 = tpu.vector_load_idx %arg21[%get3A_768] : memref<128xf32, #tpu.memory_space<vmem>>[vector<16xi32>], vector<16xf32>,
      %mul3A_774 = vector.broadcast %squeeze3A : f32 to vector<16xf32>
      %mul3A_775 = arith.mulf %get3A_764, %mul3A_774 : vector<16xf32>
      %add3A_776 = arith.addf %mul3A_775, %gather3A_773 : vector<16xf32>
      %mul3A_777 = arith.constant 17 : i32
      %mul3A_778 = vector.broadcast %mul3A_777 : i32 to vector<16xi32>
      %mul3A_779 = arith.muli %get3A_772, %mul3A_778 : vector<16xi32>
      %add3A_780 = arith.addi %mul3A_779, %iota3A : vector<16xi32>
      tpu.vector_store_idx %arg17[%add3A_780], %add3A_776 {add = true} : memref<8720xf32, #tpu.memory_space<vmem>>[vector<16xi32>], vector<16xf32>,
      %add3A_781 = arith.constant 48 : i32
      %add3A_782 = arith.addi %mul3A_721, %add3A_781 : i32
      %get3A_783 = arith.index_cast %add3A_782 : i32 to index
      %get3A_784 = tpu.vector_load %arg9[%get3A_783] {strides = array<i32>} : memref<10000xf32, #tpu.memory_space<vmem>>, vector<16xf32>,
      %add3A_785 = arith.constant 48 : i32
      %add3A_786 = arith.addi %mul3A_721, %add3A_785 : i32
      %get3A_787 = arith.index_cast %add3A_786 : i32 to index
      %get3A_788 = tpu.vector_load %arg11[%get3A_787] {strides = array<i32>} : memref<10000xi32, #tpu.memory_space<vmem>>, vector<16xi32>,
      %add3A_789 = arith.constant 48 : i32
      %add3A_790 = arith.addi %mul3A_721, %add3A_789 : i32
      %get3A_791 = arith.index_cast %add3A_790 : i32 to index
      %get3A_792 = tpu.vector_load %arg13[%get3A_791] {strides = array<i32>} : memref<10000xi32, #tpu.memory_space<vmem>>, vector<16xi32>,
      %gather3A_793 = tpu.vector_load_idx %arg21[%get3A_788] : memref<128xf32, #tpu.memory_space<vmem>>[vector<16xi32>], vector<16xf32>,
      %mul3A_794 = vector.broadcast %squeeze3A : f32 to vector<16xf32>
      %mul3A_795 = arith.mulf %get3A_784, %mul3A_794 : vector<16xf32>
      %add3A_796 = arith.addf %mul3A_795, %gather3A_793 : vector<16xf32>
      %mul3A_797 = arith.constant 17 : i32
      %mul3A_798 = vector.broadcast %mul3A_797 : i32 to vector<16xi32>
      %mul3A_799 = arith.muli %get3A_792, %mul3A_798 : vector<16xi32>
      %add3A_800 = arith.addi %mul3A_799, %iota3A : vector<16xi32>
      tpu.vector_store_idx %arg18[%add3A_800], %add3A_796 {add = true} : memref<8720xf32, #tpu.memory_space<vmem>>[vector<16xi32>], vector<16xf32>,
      %add3A_801 = arith.constant 64 : i32
      %add3A_802 = arith.addi %mul3A_721, %add3A_801 : i32
      %get3A_803 = arith.index_cast %add3A_802 : i32 to index
      %get3A_804 = tpu.vector_load %arg9[%get3A_803] {strides = array<i32>} : memref<10000xf32, #tpu.memory_space<vmem>>, vector<16xf32>,
      %add3A_805 = arith.constant 64 : i32
      %add3A_806 = arith.addi %mul3A_721, %add3A_805 : i32
      %get3A_807 = arith.index_cast %add3A_806 : i32 to index
      %get3A_808 = tpu.vector_load %arg11[%get3A_807] {strides = array<i32>} : memref<10000xi32, #tpu.memory_space<vmem>>, vector<16xi32>,
      %add3A_809 = arith.constant 64 : i32
      %add3A_810 = arith.addi %mul3A_721, %add3A_809 : i32
      %get3A_811 = arith.index_cast %add3A_810 : i32 to index
      %get3A_812 = tpu.vector_load %arg13[%get3A_811] {strides = array<i32>} : memref<10000xi32, #tpu.memory_space<vmem>>, vector<16xi32>,
      %gather3A_813 = tpu.vector_load_idx %arg21[%get3A_808] : memref<128xf32, #tpu.memory_space<vmem>>[vector<16xi32>], vector<16xf32>,
      %mul3A_814 = vector.broadcast %squeeze3A : f32 to vector<16xf32>
      %mul3A_815 = arith.mulf %get3A_804, %mul3A_814 : vector<16xf32>
      %add3A_816 = arith.addf %mul3A_815, %gather3A_813 : vector<16xf32>
      %mul3A_817 = arith.constant 17 : i32
      %mul3A_818 = vector.broadcast %mul3A_817 : i32 to vector<16xi32>
      %mul3A_819 = arith.muli %get3A_812, %mul3A_818 : vector<16xi32>
      %add3A_820 = arith.addi %mul3A_819, %iota3A : vector<16xi32>
      tpu.vector_store_idx %arg19[%add3A_820], %add3A_816 {add = true} : memref<8720xf32, #tpu.memory_space<vmem>>[vector<16xi32>], vector<16xf32>,
    }
    %scan3A_122 = arith.constant 125 : i32
    %scan3A_123 = arith.constant 0 : i32
    %scan3A_124 = arith.constant 0 : i32
    %scan3A_125 = arith.constant 32 : i32
    %scan3A_126 = arith.addi %scan3A_124, %scan3A_125 : i32
    %scan3A_127 = arith.constant 1 : i32
    scf.for %scan3A_719 = %scan3A_124 to %scan3A_126 step %scan3A_127  : i32 {
      %mul3A_720 = arith.constant 272 : i32
      %mul3A_721 = arith.muli %scan3A_719, %mul3A_720 : i32
      %add3A_722 = arith.constant 0 : i32
      %add3A_723 = arith.addi %mul3A_721, %add3A_722 : i32
      %add3A_724 = vector.broadcast %add3A_723 : i32 to vector<16xi32>
      %add3A_725 = arith.addi %mul3A_19, %add3A_724 : vector<16xi32>
      %gather3A = tpu.vector_load_idx %arg15[%add3A_725] : memref<8720xf32, #tpu.memory_space<vmem>>[vector<16xi32>], vector<16xf32>,
      %add3A_726 = arith.addf %broadcast_in_dim3A_10, %gather3A : vector<16xf32>
      %mul3A_727 = arith.constant 272 : i32
      %mul3A_728 = arith.muli %scan3A_719, %mul3A_727 : i32
      %add3A_729 = arith.constant 1 : i32
      %add3A_730 = arith.addi %mul3A_728, %add3A_729 : i32
      %add3A_731 = vector.broadcast %add3A_730 : i32 to vector<16xi32>
      %add3A_732 = arith.addi %mul3A_19, %add3A_731 : vector<16xi32>
      %gather3A_733 = tpu.vector_load_idx %arg15[%add3A_732] : memref<8720xf32, #tpu.memory_space<vmem>>[vector<16xi32>], vector<16xf32>,
      %add3A_734 = arith.addf %add3A_726, %gather3A_733 : vector<16xf32>
      %mul3A_735 = arith.constant 272 : i32
      %mul3A_736 = arith.muli %scan3A_719, %mul3A_735 : i32
      %add3A_737 = arith.constant 2 : i32
      %add3A_738 = arith.addi %mul3A_736, %add3A_737 : i32
      %add3A_739 = vector.broadcast %add3A_738 : i32 to vector<16xi32>
      %add3A_740 = arith.addi %mul3A_19, %add3A_739 : vector<16xi32>
      %gather3A_741 = tpu.vector_load_idx %arg15[%add3A_740] : memref<8720xf32, #tpu.memory_space<vmem>>[vector<16xi32>], vector<16xf32>,
      %add3A_742 = arith.addf %add3A_734, %gather3A_741 : vector<16xf32>
      %mul3A_743 = arith.constant 272 : i32
      %mul3A_744 = arith.muli %scan3A_719, %mul3A_743 : i32
      %add3A_745 = arith.constant 3 : i32
      %add3A_746 = arith.addi %mul3A_744, %add3A_745 : i32
      %add3A_747 = vector.broadcast %add3A_746 : i32 to vector<16xi32>
      %add3A_748 = arith.addi %mul3A_19, %add3A_747 : vector<16xi32>
      %gather3A_749 = tpu.vector_load_idx %arg15[%add3A_748] : memref<8720xf32, #tpu.memory_space<vmem>>[vector<16xi32>], vector<16xf32>,
      %add3A_750 = arith.addf %add3A_742, %gather3A_749 : vector<16xf32>
      %mul3A_751 = arith.constant 272 : i32
      %mul3A_752 = arith.muli %scan3A_719, %mul3A_751 : i32
      %add3A_753 = arith.constant 4 : i32
      %add3A_754 = arith.addi %mul3A_752, %add3A_753 : i32
      %add3A_755 = vector.broadcast %add3A_754 : i32 to vector<16xi32>
      %add3A_756 = arith.addi %mul3A_19, %add3A_755 : vector<16xi32>
      %gather3A_757 = tpu.vector_load_idx %arg15[%add3A_756] : memref<8720xf32, #tpu.memory_space<vmem>>[vector<16xi32>], vector<16xf32>,
      %add3A_758 = arith.addf %add3A_750, %gather3A_757 : vector<16xf32>
      %mul3A_759 = arith.constant 272 : i32
      %mul3A_760 = arith.muli %scan3A_719, %mul3A_759 : i32
      %add3A_761 = arith.constant 5 : i32
      %add3A_762 = arith.addi %mul3A_760, %add3A_761 : i32
      %add3A_763 = vector.broadcast %add3A_762 : i32 to vector<16xi32>
      %add3A_764 = arith.addi %mul3A_19, %add3A_763 : vector<16xi32>
      %gather3A_765 = tpu.vector_load_idx %arg15[%add3A_764] : memref<8720xf32, #tpu.memory_space<vmem>>[vector<16xi32>], vector<16xf32>,
      %add3A_766 = arith.addf %add3A_758, %gather3A_765 : vector<16xf32>
      %mul3A_767 = arith.constant 272 : i32
      %mul3A_768 = arith.muli %scan3A_719, %mul3A_767 : i32
      %add3A_769 = arith.constant 6 : i32
      %add3A_770 = arith.addi %mul3A_768, %add3A_769 : i32
      %add3A_771 = vector.broadcast %add3A_770 : i32 to vector<16xi32>
      %add3A_772 = arith.addi %mul3A_19, %add3A_771 : vector<16xi32>
      %gather3A_773 = tpu.vector_load_idx %arg15[%add3A_772] : memref<8720xf32, #tpu.memory_space<vmem>>[vector<16xi32>], vector<16xf32>,
      %add3A_774 = arith.addf %add3A_766, %gather3A_773 : vector<16xf32>
      %mul3A_775 = arith.constant 272 : i32
      %mul3A_776 = arith.muli %scan3A_719, %mul3A_775 : i32
      %add3A_777 = arith.constant 7 : i32
      %add3A_778 = arith.addi %mul3A_776, %add3A_777 : i32
      %add3A_779 = vector.broadcast %add3A_778 : i32 to vector<16xi32>
      %add3A_780 = arith.addi %mul3A_19, %add3A_779 : vector<16xi32>
      %gather3A_781 = tpu.vector_load_idx %arg15[%add3A_780] : memref<8720xf32, #tpu.memory_space<vmem>>[vector<16xi32>], vector<16xf32>,
      %add3A_782 = arith.addf %add3A_774, %gather3A_781 : vector<16xf32>
      %mul3A_783 = arith.constant 272 : i32
      %mul3A_784 = arith.muli %scan3A_719, %mul3A_783 : i32
      %add3A_785 = arith.constant 8 : i32
      %add3A_786 = arith.addi %mul3A_784, %add3A_785 : i32
      %add3A_787 = vector.broadcast %add3A_786 : i32 to vector<16xi32>
      %add3A_788 = arith.addi %mul3A_19, %add3A_787 : vector<16xi32>
      %gather3A_789 = tpu.vector_load_idx %arg15[%add3A_788] : memref<8720xf32, #tpu.memory_space<vmem>>[vector<16xi32>], vector<16xf32>,
      %add3A_790 = arith.addf %add3A_782, %gather3A_789 : vector<16xf32>
      %mul3A_791 = arith.constant 272 : i32
      %mul3A_792 = arith.muli %scan3A_719, %mul3A_791 : i32
      %add3A_793 = arith.constant 9 : i32
      %add3A_794 = arith.addi %mul3A_792, %add3A_793 : i32
      %add3A_795 = vector.broadcast %add3A_794 : i32 to vector<16xi32>
      %add3A_796 = arith.addi %mul3A_19, %add3A_795 : vector<16xi32>
      %gather3A_797 = tpu.vector_load_idx %arg15[%add3A_796] : memref<8720xf32, #tpu.memory_space<vmem>>[vector<16xi32>], vector<16xf32>,
      %add3A_798 = arith.addf %add3A_790, %gather3A_797 : vector<16xf32>
      %mul3A_799 = arith.constant 272 : i32
      %mul3A_800 = arith.muli %scan3A_719, %mul3A_799 : i32
      %add3A_801 = arith.constant 10 : i32
      %add3A_802 = arith.addi %mul3A_800, %add3A_801 : i32
      %add3A_803 = vector.broadcast %add3A_802 : i32 to vector<16xi32>
      %add3A_804 = arith.addi %mul3A_19, %add3A_803 : vector<16xi32>
      %gather3A_805 = tpu.vector_load_idx %arg15[%add3A_804] : memref<8720xf32, #tpu.memory_space<vmem>>[vector<16xi32>], vector<16xf32>,
      %add3A_806 = arith.addf %add3A_798, %gather3A_805 : vector<16xf32>
      %mul3A_807 = arith.constant 272 : i32
      %mul3A_808 = arith.muli %scan3A_719, %mul3A_807 : i32
      %add3A_809 = arith.constant 11 : i32
      %add3A_810 = arith.addi %mul3A_808, %add3A_809 : i32
      %add3A_811 = vector.broadcast %add3A_810 : i32 to vector<16xi32>
      %add3A_812 = arith.addi %mul3A_19, %add3A_811 : vector<16xi32>
      %gather3A_813 = tpu.vector_load_idx %arg15[%add3A_812] : memref<8720xf32, #tpu.memory_space<vmem>>[vector<16xi32>], vector<16xf32>,
      %add3A_814 = arith.addf %add3A_806, %gather3A_813 : vector<16xf32>
      %mul3A_815 = arith.constant 272 : i32
      %mul3A_816 = arith.muli %scan3A_719, %mul3A_815 : i32
      %add3A_817 = arith.constant 12 : i32
      %add3A_818 = arith.addi %mul3A_816, %add3A_817 : i32
      %add3A_819 = vector.broadcast %add3A_818 : i32 to vector<16xi32>
      %add3A_820 = arith.addi %mul3A_19, %add3A_819 : vector<16xi32>
      %gather3A_821 = tpu.vector_load_idx %arg15[%add3A_820] : memref<8720xf32, #tpu.memory_space<vmem>>[vector<16xi32>], vector<16xf32>,
      %add3A_822 = arith.addf %add3A_814, %gather3A_821 : vector<16xf32>
      %mul3A_823 = arith.constant 272 : i32
      %mul3A_824 = arith.muli %scan3A_719, %mul3A_823 : i32
      %add3A_825 = arith.constant 13 : i32
      %add3A_826 = arith.addi %mul3A_824, %add3A_825 : i32
      %add3A_827 = vector.broadcast %add3A_826 : i32 to vector<16xi32>
      %add3A_828 = arith.addi %mul3A_19, %add3A_827 : vector<16xi32>
      %gather3A_829 = tpu.vector_load_idx %arg15[%add3A_828] : memref<8720xf32, #tpu.memory_space<vmem>>[vector<16xi32>], vector<16xf32>,
      %add3A_830 = arith.addf %add3A_822, %gather3A_829 : vector<16xf32>
      %mul3A_831 = arith.constant 272 : i32
      %mul3A_832 = arith.muli %scan3A_719, %mul3A_831 : i32
      %add3A_833 = arith.constant 14 : i32
      %add3A_834 = arith.addi %mul3A_832, %add3A_833 : i32
      %add3A_835 = vector.broadcast %add3A_834 : i32 to vector<16xi32>
      %add3A_836 = arith.addi %mul3A_19, %add3A_835 : vector<16xi32>
      %gather3A_837 = tpu.vector_load_idx %arg15[%add3A_836] : memref<8720xf32, #tpu.memory_space<vmem>>[vector<16xi32>], vector<16xf32>,
      %add3A_838 = arith.addf %add3A_830, %gather3A_837 : vector<16xf32>
      %mul3A_839 = arith.constant 272 : i32
      %mul3A_840 = arith.muli %scan3A_719, %mul3A_839 : i32
      %add3A_841 = arith.constant 15 : i32
      %add3A_842 = arith.addi %mul3A_840, %add3A_841 : i32
      %add3A_843 = vector.broadcast %add3A_842 : i32 to vector<16xi32>
      %add3A_844 = arith.addi %mul3A_19, %add3A_843 : vector<16xi32>
      %gather3A_845 = tpu.vector_load_idx %arg15[%add3A_844] : memref<8720xf32, #tpu.memory_space<vmem>>[vector<16xi32>], vector<16xf32>,
      %add3A_846 = arith.addf %add3A_838, %gather3A_845 : vector<16xf32>
      %mul3A_847 = arith.constant 272 : i32
      %mul3A_848 = arith.muli %scan3A_719, %mul3A_847 : i32
      %add3A_849 = arith.constant 0 : i32
      %add3A_850 = arith.addi %mul3A_848, %add3A_849 : i32
      %add3A_851 = vector.broadcast %add3A_850 : i32 to vector<16xi32>
      %add3A_852 = arith.addi %mul3A_19, %add3A_851 : vector<16xi32>
      %gather3A_853 = tpu.vector_load_idx %arg16[%add3A_852] : memref<8720xf32, #tpu.memory_space<vmem>>[vector<16xi32>], vector<16xf32>,
      %add3A_854 = arith.addf %add3A_846, %gather3A_853 : vector<16xf32>
      %mul3A_855 = arith.constant 272 : i32
      %mul3A_856 = arith.muli %scan3A_719, %mul3A_855 : i32
      %add3A_857 = arith.constant 1 : i32
      %add3A_858 = arith.addi %mul3A_856, %add3A_857 : i32
      %add3A_859 = vector.broadcast %add3A_858 : i32 to vector<16xi32>
      %add3A_860 = arith.addi %mul3A_19, %add3A_859 : vector<16xi32>
      %gather3A_861 = tpu.vector_load_idx %arg16[%add3A_860] : memref<8720xf32, #tpu.memory_space<vmem>>[vector<16xi32>], vector<16xf32>,
      %add3A_862 = arith.addf %add3A_854, %gather3A_861 : vector<16xf32>
      %mul3A_863 = arith.constant 272 : i32
      %mul3A_864 = arith.muli %scan3A_719, %mul3A_863 : i32
      %add3A_865 = arith.constant 2 : i32
      %add3A_866 = arith.addi %mul3A_864, %add3A_865 : i32
      %add3A_867 = vector.broadcast %add3A_866 : i32 to vector<16xi32>
      %add3A_868 = arith.addi %mul3A_19, %add3A_867 : vector<16xi32>
      %gather3A_869 = tpu.vector_load_idx %arg16[%add3A_868] : memref<8720xf32, #tpu.memory_space<vmem>>[vector<16xi32>], vector<16xf32>,
      %add3A_870 = arith.addf %add3A_862, %gather3A_869 : vector<16xf32>
      %mul3A_871 = arith.constant 272 : i32
      %mul3A_872 = arith.muli %scan3A_719, %mul3A_871 : i32
      %add3A_873 = arith.constant 3 : i32
      %add3A_874 = arith.addi %mul3A_872, %add3A_873 : i32
      %add3A_875 = vector.broadcast %add3A_874 : i32 to vector<16xi32>
      %add3A_876 = arith.addi %mul3A_19, %add3A_875 : vector<16xi32>
      %gather3A_877 = tpu.vector_load_idx %arg16[%add3A_876] : memref<8720xf32, #tpu.memory_space<vmem>>[vector<16xi32>], vector<16xf32>,
      %add3A_878 = arith.addf %add3A_870, %gather3A_877 : vector<16xf32>
      %mul3A_879 = arith.constant 272 : i32
      %mul3A_880 = arith.muli %scan3A_719, %mul3A_879 : i32
      %add3A_881 = arith.constant 4 : i32
      %add3A_882 = arith.addi %mul3A_880, %add3A_881 : i32
      %add3A_883 = vector.broadcast %add3A_882 : i32 to vector<16xi32>
      %add3A_884 = arith.addi %mul3A_19, %add3A_883 : vector<16xi32>
      %gather3A_885 = tpu.vector_load_idx %arg16[%add3A_884] : memref<8720xf32, #tpu.memory_space<vmem>>[vector<16xi32>], vector<16xf32>,
      %add3A_886 = arith.addf %add3A_878, %gather3A_885 : vector<16xf32>
      %mul3A_887 = arith.constant 272 : i32
      %mul3A_888 = arith.muli %scan3A_719, %mul3A_887 : i32
      %add3A_889 = arith.constant 5 : i32
      %add3A_890 = arith.addi %mul3A_888, %add3A_889 : i32
      %add3A_891 = vector.broadcast %add3A_890 : i32 to vector<16xi32>
      %add3A_892 = arith.addi %mul3A_19, %add3A_891 : vector<16xi32>
      %gather3A_893 = tpu.vector_load_idx %arg16[%add3A_892] : memref<8720xf32, #tpu.memory_space<vmem>>[vector<16xi32>], vector<16xf32>,
      %add3A_894 = arith.addf %add3A_886, %gather3A_893 : vector<16xf32>
      %mul3A_895 = arith.constant 272 : i32
      %mul3A_896 = arith.muli %scan3A_719, %mul3A_895 : i32
      %add3A_897 = arith.constant 6 : i32
      %add3A_898 = arith.addi %mul3A_896, %add3A_897 : i32
      %add3A_899 = vector.broadcast %add3A_898 : i32 to vector<16xi32>
      %add3A_900 = arith.addi %mul3A_19, %add3A_899 : vector<16xi32>
      %gather3A_901 = tpu.vector_load_idx %arg16[%add3A_900] : memref<8720xf32, #tpu.memory_space<vmem>>[vector<16xi32>], vector<16xf32>,
      %add3A_902 = arith.addf %add3A_894, %gather3A_901 : vector<16xf32>
      %mul3A_903 = arith.constant 272 : i32
      %mul3A_904 = arith.muli %scan3A_719, %mul3A_903 : i32
      %add3A_905 = arith.constant 7 : i32
      %add3A_906 = arith.addi %mul3A_904, %add3A_905 : i32
      %add3A_907 = vector.broadcast %add3A_906 : i32 to vector<16xi32>
      %add3A_908 = arith.addi %mul3A_19, %add3A_907 : vector<16xi32>
      %gather3A_909 = tpu.vector_load_idx %arg16[%add3A_908] : memref<8720xf32, #tpu.memory_space<vmem>>[vector<16xi32>], vector<16xf32>,
      %add3A_910 = arith.addf %add3A_902, %gather3A_909 : vector<16xf32>
      %mul3A_911 = arith.constant 272 : i32
      %mul3A_912 = arith.muli %scan3A_719, %mul3A_911 : i32
      %add3A_913 = arith.constant 8 : i32
      %add3A_914 = arith.addi %mul3A_912, %add3A_913 : i32
      %add3A_915 = vector.broadcast %add3A_914 : i32 to vector<16xi32>
      %add3A_916 = arith.addi %mul3A_19, %add3A_915 : vector<16xi32>
      %gather3A_917 = tpu.vector_load_idx %arg16[%add3A_916] : memref<8720xf32, #tpu.memory_space<vmem>>[vector<16xi32>], vector<16xf32>,
      %add3A_918 = arith.addf %add3A_910, %gather3A_917 : vector<16xf32>
      %mul3A_919 = arith.constant 272 : i32
      %mul3A_920 = arith.muli %scan3A_719, %mul3A_919 : i32
      %add3A_921 = arith.constant 9 : i32
      %add3A_922 = arith.addi %mul3A_920, %add3A_921 : i32
      %add3A_923 = vector.broadcast %add3A_922 : i32 to vector<16xi32>
      %add3A_924 = arith.addi %mul3A_19, %add3A_923 : vector<16xi32>
      %gather3A_925 = tpu.vector_load_idx %arg16[%add3A_924] : memref<8720xf32, #tpu.memory_space<vmem>>[vector<16xi32>], vector<16xf32>,
      %add3A_926 = arith.addf %add3A_918, %gather3A_925 : vector<16xf32>
      %mul3A_927 = arith.constant 272 : i32
      %mul3A_928 = arith.muli %scan3A_719, %mul3A_927 : i32
      %add3A_929 = arith.constant 10 : i32
      %add3A_930 = arith.addi %mul3A_928, %add3A_929 : i32
      %add3A_931 = vector.broadcast %add3A_930 : i32 to vector<16xi32>
      %add3A_932 = arith.addi %mul3A_19, %add3A_931 : vector<16xi32>
      %gather3A_933 = tpu.vector_load_idx %arg16[%add3A_932] : memref<8720xf32, #tpu.memory_space<vmem>>[vector<16xi32>], vector<16xf32>,
      %add3A_934 = arith.addf %add3A_926, %gather3A_933 : vector<16xf32>
      %mul3A_935 = arith.constant 272 : i32
      %mul3A_936 = arith.muli %scan3A_719, %mul3A_935 : i32
      %add3A_937 = arith.constant 11 : i32
      %add3A_938 = arith.addi %mul3A_936, %add3A_937 : i32
      %add3A_939 = vector.broadcast %add3A_938 : i32 to vector<16xi32>
      %add3A_940 = arith.addi %mul3A_19, %add3A_939 : vector<16xi32>
      %gather3A_941 = tpu.vector_load_idx %arg16[%add3A_940] : memref<8720xf32, #tpu.memory_space<vmem>>[vector<16xi32>], vector<16xf32>,
      %add3A_942 = arith.addf %add3A_934, %gather3A_941 : vector<16xf32>
      %mul3A_943 = arith.constant 272 : i32
      %mul3A_944 = arith.muli %scan3A_719, %mul3A_943 : i32
      %add3A_945 = arith.constant 12 : i32
      %add3A_946 = arith.addi %mul3A_944, %add3A_945 : i32
      %add3A_947 = vector.broadcast %add3A_946 : i32 to vector<16xi32>
      %add3A_948 = arith.addi %mul3A_19, %add3A_947 : vector<16xi32>
      %gather3A_949 = tpu.vector_load_idx %arg16[%add3A_948] : memref<8720xf32, #tpu.memory_space<vmem>>[vector<16xi32>], vector<16xf32>,
      %add3A_950 = arith.addf %add3A_942, %gather3A_949 : vector<16xf32>
      %mul3A_951 = arith.constant 272 : i32
      %mul3A_952 = arith.muli %scan3A_719, %mul3A_951 : i32
      %add3A_953 = arith.constant 13 : i32
      %add3A_954 = arith.addi %mul3A_952, %add3A_953 : i32
      %add3A_955 = vector.broadcast %add3A_954 : i32 to vector<16xi32>
      %add3A_956 = arith.addi %mul3A_19, %add3A_955 : vector<16xi32>
      %gather3A_957 = tpu.vector_load_idx %arg16[%add3A_956] : memref<8720xf32, #tpu.memory_space<vmem>>[vector<16xi32>], vector<16xf32>,
      %add3A_958 = arith.addf %add3A_950, %gather3A_957 : vector<16xf32>
      %mul3A_959 = arith.constant 272 : i32
      %mul3A_960 = arith.muli %scan3A_719, %mul3A_959 : i32
      %add3A_961 = arith.constant 14 : i32
      %add3A_962 = arith.addi %mul3A_960, %add3A_961 : i32
      %add3A_963 = vector.broadcast %add3A_962 : i32 to vector<16xi32>
      %add3A_964 = arith.addi %mul3A_19, %add3A_963 : vector<16xi32>
      %gather3A_965 = tpu.vector_load_idx %arg16[%add3A_964] : memref<8720xf32, #tpu.memory_space<vmem>>[vector<16xi32>], vector<16xf32>,
      %add3A_966 = arith.addf %add3A_958, %gather3A_965 : vector<16xf32>
      %mul3A_967 = arith.constant 272 : i32
      %mul3A_968 = arith.muli %scan3A_719, %mul3A_967 : i32
      %add3A_969 = arith.constant 15 : i32
      %add3A_970 = arith.addi %mul3A_968, %add3A_969 : i32
      %add3A_971 = vector.broadcast %add3A_970 : i32 to vector<16xi32>
      %add3A_972 = arith.addi %mul3A_19, %add3A_971 : vector<16xi32>
      %gather3A_973 = tpu.vector_load_idx %arg16[%add3A_972] : memref<8720xf32, #tpu.memory_space<vmem>>[vector<16xi32>], vector<16xf32>,
      %add3A_974 = arith.addf %add3A_966, %gather3A_973 : vector<16xf32>
      %mul3A_975 = arith.constant 272 : i32
      %mul3A_976 = arith.muli %scan3A_719, %mul3A_975 : i32
      %add3A_977 = arith.constant 0 : i32
      %add3A_978 = arith.addi %mul3A_976, %add3A_977 : i32
      %add3A_979 = vector.broadcast %add3A_978 : i32 to vector<16xi32>
      %add3A_980 = arith.addi %mul3A_19, %add3A_979 : vector<16xi32>
      %gather3A_981 = tpu.vector_load_idx %arg17[%add3A_980] : memref<8720xf32, #tpu.memory_space<vmem>>[vector<16xi32>], vector<16xf32>,
      %add3A_982 = arith.addf %add3A_974, %gather3A_981 : vector<16xf32>
      %mul3A_983 = arith.constant 272 : i32
      %mul3A_984 = arith.muli %scan3A_719, %mul3A_983 : i32
      %add3A_985 = arith.constant 1 : i32
      %add3A_986 = arith.addi %mul3A_984, %add3A_985 : i32
      %add3A_987 = vector.broadcast %add3A_986 : i32 to vector<16xi32>
      %add3A_988 = arith.addi %mul3A_19, %add3A_987 : vector<16xi32>
      %gather3A_989 = tpu.vector_load_idx %arg17[%add3A_988] : memref<8720xf32, #tpu.memory_space<vmem>>[vector<16xi32>], vector<16xf32>,
      %add3A_990 = arith.addf %add3A_982, %gather3A_989 : vector<16xf32>
      %mul3A_991 = arith.constant 272 : i32
      %mul3A_992 = arith.muli %scan3A_719, %mul3A_991 : i32
      %add3A_993 = arith.constant 2 : i32
      %add3A_994 = arith.addi %mul3A_992, %add3A_993 : i32
      %add3A_995 = vector.broadcast %add3A_994 : i32 to vector<16xi32>
      %add3A_996 = arith.addi %mul3A_19, %add3A_995 : vector<16xi32>
      %gather3A_997 = tpu.vector_load_idx %arg17[%add3A_996] : memref<8720xf32, #tpu.memory_space<vmem>>[vector<16xi32>], vector<16xf32>,
      %add3A_998 = arith.addf %add3A_990, %gather3A_997 : vector<16xf32>
      %mul3A_999 = arith.constant 272 : i32
      %mul3A_1000 = arith.muli %scan3A_719, %mul3A_999 : i32
      %add3A_1001 = arith.constant 3 : i32
      %add3A_1002 = arith.addi %mul3A_1000, %add3A_1001 : i32
      %add3A_1003 = vector.broadcast %add3A_1002 : i32 to vector<16xi32>
      %add3A_1004 = arith.addi %mul3A_19, %add3A_1003 : vector<16xi32>
      %gather3A_1005 = tpu.vector_load_idx %arg17[%add3A_1004] : memref<8720xf32, #tpu.memory_space<vmem>>[vector<16xi32>], vector<16xf32>,
      %add3A_1006 = arith.addf %add3A_998, %gather3A_1005 : vector<16xf32>
      %mul3A_1007 = arith.constant 272 : i32
      %mul3A_1008 = arith.muli %scan3A_719, %mul3A_1007 : i32
      %add3A_1009 = arith.constant 4 : i32
      %add3A_1010 = arith.addi %mul3A_1008, %add3A_1009 : i32
      %add3A_1011 = vector.broadcast %add3A_1010 : i32 to vector<16xi32>
      %add3A_1012 = arith.addi %mul3A_19, %add3A_1011 : vector<16xi32>
      %gather3A_1013 = tpu.vector_load_idx %arg17[%add3A_1012] : memref<8720xf32, #tpu.memory_space<vmem>>[vector<16xi32>], vector<16xf32>,
      %add3A_1014 = arith.addf %add3A_1006, %gather3A_1013 : vector<16xf32>
      %mul3A_1015 = arith.constant 272 : i32
      %mul3A_1016 = arith.muli %scan3A_719, %mul3A_1015 : i32
      %add3A_1017 = arith.constant 5 : i32
      %add3A_1018 = arith.addi %mul3A_1016, %add3A_1017 : i32
      %add3A_1019 = vector.broadcast %add3A_1018 : i32 to vector<16xi32>
      %add3A_1020 = arith.addi %mul3A_19, %add3A_1019 : vector<16xi32>
      %gather3A_1021 = tpu.vector_load_idx %arg17[%add3A_1020] : memref<8720xf32, #tpu.memory_space<vmem>>[vector<16xi32>], vector<16xf32>,
      %add3A_1022 = arith.addf %add3A_1014, %gather3A_1021 : vector<16xf32>
      %mul3A_1023 = arith.constant 272 : i32
      %mul3A_1024 = arith.muli %scan3A_719, %mul3A_1023 : i32
      %add3A_1025 = arith.constant 6 : i32
      %add3A_1026 = arith.addi %mul3A_1024, %add3A_1025 : i32
      %add3A_1027 = vector.broadcast %add3A_1026 : i32 to vector<16xi32>
      %add3A_1028 = arith.addi %mul3A_19, %add3A_1027 : vector<16xi32>
      %gather3A_1029 = tpu.vector_load_idx %arg17[%add3A_1028] : memref<8720xf32, #tpu.memory_space<vmem>>[vector<16xi32>], vector<16xf32>,
      %add3A_1030 = arith.addf %add3A_1022, %gather3A_1029 : vector<16xf32>
      %mul3A_1031 = arith.constant 272 : i32
      %mul3A_1032 = arith.muli %scan3A_719, %mul3A_1031 : i32
      %add3A_1033 = arith.constant 7 : i32
      %add3A_1034 = arith.addi %mul3A_1032, %add3A_1033 : i32
      %add3A_1035 = vector.broadcast %add3A_1034 : i32 to vector<16xi32>
      %add3A_1036 = arith.addi %mul3A_19, %add3A_1035 : vector<16xi32>
      %gather3A_1037 = tpu.vector_load_idx %arg17[%add3A_1036] : memref<8720xf32, #tpu.memory_space<vmem>>[vector<16xi32>], vector<16xf32>,
      %add3A_1038 = arith.addf %add3A_1030, %gather3A_1037 : vector<16xf32>
      %mul3A_1039 = arith.constant 272 : i32
      %mul3A_1040 = arith.muli %scan3A_719, %mul3A_1039 : i32
      %add3A_1041 = arith.constant 8 : i32
      %add3A_1042 = arith.addi %mul3A_1040, %add3A_1041 : i32
      %add3A_1043 = vector.broadcast %add3A_1042 : i32 to vector<16xi32>
      %add3A_1044 = arith.addi %mul3A_19, %add3A_1043 : vector<16xi32>
      %gather3A_1045 = tpu.vector_load_idx %arg17[%add3A_1044] : memref<8720xf32, #tpu.memory_space<vmem>>[vector<16xi32>], vector<16xf32>,
      %add3A_1046 = arith.addf %add3A_1038, %gather3A_1045 : vector<16xf32>
      %mul3A_1047 = arith.constant 272 : i32
      %mul3A_1048 = arith.muli %scan3A_719, %mul3A_1047 : i32
      %add3A_1049 = arith.constant 9 : i32
      %add3A_1050 = arith.addi %mul3A_1048, %add3A_1049 : i32
      %add3A_1051 = vector.broadcast %add3A_1050 : i32 to vector<16xi32>
      %add3A_1052 = arith.addi %mul3A_19, %add3A_1051 : vector<16xi32>
      %gather3A_1053 = tpu.vector_load_idx %arg17[%add3A_1052] : memref<8720xf32, #tpu.memory_space<vmem>>[vector<16xi32>], vector<16xf32>,
      %add3A_1054 = arith.addf %add3A_1046, %gather3A_1053 : vector<16xf32>
      %mul3A_1055 = arith.constant 272 : i32
      %mul3A_1056 = arith.muli %scan3A_719, %mul3A_1055 : i32
      %add3A_1057 = arith.constant 10 : i32
      %add3A_1058 = arith.addi %mul3A_1056, %add3A_1057 : i32
      %add3A_1059 = vector.broadcast %add3A_1058 : i32 to vector<16xi32>
      %add3A_1060 = arith.addi %mul3A_19, %add3A_1059 : vector<16xi32>
      %gather3A_1061 = tpu.vector_load_idx %arg17[%add3A_1060] : memref<8720xf32, #tpu.memory_space<vmem>>[vector<16xi32>], vector<16xf32>,
      %add3A_1062 = arith.addf %add3A_1054, %gather3A_1061 : vector<16xf32>
      %mul3A_1063 = arith.constant 272 : i32
      %mul3A_1064 = arith.muli %scan3A_719, %mul3A_1063 : i32
      %add3A_1065 = arith.constant 11 : i32
      %add3A_1066 = arith.addi %mul3A_1064, %add3A_1065 : i32
      %add3A_1067 = vector.broadcast %add3A_1066 : i32 to vector<16xi32>
      %add3A_1068 = arith.addi %mul3A_19, %add3A_1067 : vector<16xi32>
      %gather3A_1069 = tpu.vector_load_idx %arg17[%add3A_1068] : memref<8720xf32, #tpu.memory_space<vmem>>[vector<16xi32>], vector<16xf32>,
      %add3A_1070 = arith.addf %add3A_1062, %gather3A_1069 : vector<16xf32>
      %mul3A_1071 = arith.constant 272 : i32
      %mul3A_1072 = arith.muli %scan3A_719, %mul3A_1071 : i32
      %add3A_1073 = arith.constant 12 : i32
      %add3A_1074 = arith.addi %mul3A_1072, %add3A_1073 : i32
      %add3A_1075 = vector.broadcast %add3A_1074 : i32 to vector<16xi32>
      %add3A_1076 = arith.addi %mul3A_19, %add3A_1075 : vector<16xi32>
      %gather3A_1077 = tpu.vector_load_idx %arg17[%add3A_1076] : memref<8720xf32, #tpu.memory_space<vmem>>[vector<16xi32>], vector<16xf32>,
      %add3A_1078 = arith.addf %add3A_1070, %gather3A_1077 : vector<16xf32>
      %mul3A_1079 = arith.constant 272 : i32
      %mul3A_1080 = arith.muli %scan3A_719, %mul3A_1079 : i32
      %add3A_1081 = arith.constant 13 : i32
      %add3A_1082 = arith.addi %mul3A_1080, %add3A_1081 : i32
      %add3A_1083 = vector.broadcast %add3A_1082 : i32 to vector<16xi32>
      %add3A_1084 = arith.addi %mul3A_19, %add3A_1083 : vector<16xi32>
      %gather3A_1085 = tpu.vector_load_idx %arg17[%add3A_1084] : memref<8720xf32, #tpu.memory_space<vmem>>[vector<16xi32>], vector<16xf32>,
      %add3A_1086 = arith.addf %add3A_1078, %gather3A_1085 : vector<16xf32>
      %mul3A_1087 = arith.constant 272 : i32
      %mul3A_1088 = arith.muli %scan3A_719, %mul3A_1087 : i32
      %add3A_1089 = arith.constant 14 : i32
      %add3A_1090 = arith.addi %mul3A_1088, %add3A_1089 : i32
      %add3A_1091 = vector.broadcast %add3A_1090 : i32 to vector<16xi32>
      %add3A_1092 = arith.addi %mul3A_19, %add3A_1091 : vector<16xi32>
      %gather3A_1093 = tpu.vector_load_idx %arg17[%add3A_1092] : memref<8720xf32, #tpu.memory_space<vmem>>[vector<16xi32>], vector<16xf32>,
      %add3A_1094 = arith.addf %add3A_1086, %gather3A_1093 : vector<16xf32>
      %mul3A_1095 = arith.constant 272 : i32
      %mul3A_1096 = arith.muli %scan3A_719, %mul3A_1095 : i32
      %add3A_1097 = arith.constant 15 : i32
      %add3A_1098 = arith.addi %mul3A_1096, %add3A_1097 : i32
      %add3A_1099 = vector.broadcast %add3A_1098 : i32 to vector<16xi32>
      %add3A_1100 = arith.addi %mul3A_19, %add3A_1099 : vector<16xi32>
      %gather3A_1101 = tpu.vector_load_idx %arg17[%add3A_1100] : memref<8720xf32, #tpu.memory_space<vmem>>[vector<16xi32>], vector<16xf32>,
      %add3A_1102 = arith.addf %add3A_1094, %gather3A_1101 : vector<16xf32>
      %mul3A_1103 = arith.constant 272 : i32
      %mul3A_1104 = arith.muli %scan3A_719, %mul3A_1103 : i32
      %add3A_1105 = arith.constant 0 : i32
      %add3A_1106 = arith.addi %mul3A_1104, %add3A_1105 : i32
      %add3A_1107 = vector.broadcast %add3A_1106 : i32 to vector<16xi32>
      %add3A_1108 = arith.addi %mul3A_19, %add3A_1107 : vector<16xi32>
      %gather3A_1109 = tpu.vector_load_idx %arg18[%add3A_1108] : memref<8720xf32, #tpu.memory_space<vmem>>[vector<16xi32>], vector<16xf32>,
      %add3A_1110 = arith.addf %add3A_1102, %gather3A_1109 : vector<16xf32>
      %mul3A_1111 = arith.constant 272 : i32
      %mul3A_1112 = arith.muli %scan3A_719, %mul3A_1111 : i32
      %add3A_1113 = arith.constant 1 : i32
      %add3A_1114 = arith.addi %mul3A_1112, %add3A_1113 : i32
      %add3A_1115 = vector.broadcast %add3A_1114 : i32 to vector<16xi32>
      %add3A_1116 = arith.addi %mul3A_19, %add3A_1115 : vector<16xi32>
      %gather3A_1117 = tpu.vector_load_idx %arg18[%add3A_1116] : memref<8720xf32, #tpu.memory_space<vmem>>[vector<16xi32>], vector<16xf32>,
      %add3A_1118 = arith.addf %add3A_1110, %gather3A_1117 : vector<16xf32>
      %mul3A_1119 = arith.constant 272 : i32
      %mul3A_1120 = arith.muli %scan3A_719, %mul3A_1119 : i32
      %add3A_1121 = arith.constant 2 : i32
      %add3A_1122 = arith.addi %mul3A_1120, %add3A_1121 : i32
      %add3A_1123 = vector.broadcast %add3A_1122 : i32 to vector<16xi32>
      %add3A_1124 = arith.addi %mul3A_19, %add3A_1123 : vector<16xi32>
      %gather3A_1125 = tpu.vector_load_idx %arg18[%add3A_1124] : memref<8720xf32, #tpu.memory_space<vmem>>[vector<16xi32>], vector<16xf32>,
      %add3A_1126 = arith.addf %add3A_1118, %gather3A_1125 : vector<16xf32>
      %mul3A_1127 = arith.constant 272 : i32
      %mul3A_1128 = arith.muli %scan3A_719, %mul3A_1127 : i32
      %add3A_1129 = arith.constant 3 : i32
      %add3A_1130 = arith.addi %mul3A_1128, %add3A_1129 : i32
      %add3A_1131 = vector.broadcast %add3A_1130 : i32 to vector<16xi32>
      %add3A_1132 = arith.addi %mul3A_19, %add3A_1131 : vector<16xi32>
      %gather3A_1133 = tpu.vector_load_idx %arg18[%add3A_1132] : memref<8720xf32, #tpu.memory_space<vmem>>[vector<16xi32>], vector<16xf32>,
      %add3A_1134 = arith.addf %add3A_1126, %gather3A_1133 : vector<16xf32>
      %mul3A_1135 = arith.constant 272 : i32
      %mul3A_1136 = arith.muli %scan3A_719, %mul3A_1135 : i32
      %add3A_1137 = arith.constant 4 : i32
      %add3A_1138 = arith.addi %mul3A_1136, %add3A_1137 : i32
      %add3A_1139 = vector.broadcast %add3A_1138 : i32 to vector<16xi32>
      %add3A_1140 = arith.addi %mul3A_19, %add3A_1139 : vector<16xi32>
      %gather3A_1141 = tpu.vector_load_idx %arg18[%add3A_1140] : memref<8720xf32, #tpu.memory_space<vmem>>[vector<16xi32>], vector<16xf32>,
      %add3A_1142 = arith.addf %add3A_1134, %gather3A_1141 : vector<16xf32>
      %mul3A_1143 = arith.constant 272 : i32
      %mul3A_1144 = arith.muli %scan3A_719, %mul3A_1143 : i32
      %add3A_1145 = arith.constant 5 : i32
      %add3A_1146 = arith.addi %mul3A_1144, %add3A_1145 : i32
      %add3A_1147 = vector.broadcast %add3A_1146 : i32 to vector<16xi32>
      %add3A_1148 = arith.addi %mul3A_19, %add3A_1147 : vector<16xi32>
      %gather3A_1149 = tpu.vector_load_idx %arg18[%add3A_1148] : memref<8720xf32, #tpu.memory_space<vmem>>[vector<16xi32>], vector<16xf32>,
      %add3A_1150 = arith.addf %add3A_1142, %gather3A_1149 : vector<16xf32>
      %mul3A_1151 = arith.constant 272 : i32
      %mul3A_1152 = arith.muli %scan3A_719, %mul3A_1151 : i32
      %add3A_1153 = arith.constant 6 : i32
      %add3A_1154 = arith.addi %mul3A_1152, %add3A_1153 : i32
      %add3A_1155 = vector.broadcast %add3A_1154 : i32 to vector<16xi32>
      %add3A_1156 = arith.addi %mul3A_19, %add3A_1155 : vector<16xi32>
      %gather3A_1157 = tpu.vector_load_idx %arg18[%add3A_1156] : memref<8720xf32, #tpu.memory_space<vmem>>[vector<16xi32>], vector<16xf32>,
      %add3A_1158 = arith.addf %add3A_1150, %gather3A_1157 : vector<16xf32>
      %mul3A_1159 = arith.constant 272 : i32
      %mul3A_1160 = arith.muli %scan3A_719, %mul3A_1159 : i32
      %add3A_1161 = arith.constant 7 : i32
      %add3A_1162 = arith.addi %mul3A_1160, %add3A_1161 : i32
      %add3A_1163 = vector.broadcast %add3A_1162 : i32 to vector<16xi32>
      %add3A_1164 = arith.addi %mul3A_19, %add3A_1163 : vector<16xi32>
      %gather3A_1165 = tpu.vector_load_idx %arg18[%add3A_1164] : memref<8720xf32, #tpu.memory_space<vmem>>[vector<16xi32>], vector<16xf32>,
      %add3A_1166 = arith.addf %add3A_1158, %gather3A_1165 : vector<16xf32>
      %mul3A_1167 = arith.constant 272 : i32
      %mul3A_1168 = arith.muli %scan3A_719, %mul3A_1167 : i32
      %add3A_1169 = arith.constant 8 : i32
      %add3A_1170 = arith.addi %mul3A_1168, %add3A_1169 : i32
      %add3A_1171 = vector.broadcast %add3A_1170 : i32 to vector<16xi32>
      %add3A_1172 = arith.addi %mul3A_19, %add3A_1171 : vector<16xi32>
      %gather3A_1173 = tpu.vector_load_idx %arg18[%add3A_1172] : memref<8720xf32, #tpu.memory_space<vmem>>[vector<16xi32>], vector<16xf32>,
      %add3A_1174 = arith.addf %add3A_1166, %gather3A_1173 : vector<16xf32>
      %mul3A_1175 = arith.constant 272 : i32
      %mul3A_1176 = arith.muli %scan3A_719, %mul3A_1175 : i32
      %add3A_1177 = arith.constant 9 : i32
      %add3A_1178 = arith.addi %mul3A_1176, %add3A_1177 : i32
      %add3A_1179 = vector.broadcast %add3A_1178 : i32 to vector<16xi32>
      %add3A_1180 = arith.addi %mul3A_19, %add3A_1179 : vector<16xi32>
      %gather3A_1181 = tpu.vector_load_idx %arg18[%add3A_1180] : memref<8720xf32, #tpu.memory_space<vmem>>[vector<16xi32>], vector<16xf32>,
      %add3A_1182 = arith.addf %add3A_1174, %gather3A_1181 : vector<16xf32>
      %mul3A_1183 = arith.constant 272 : i32
      %mul3A_1184 = arith.muli %scan3A_719, %mul3A_1183 : i32
      %add3A_1185 = arith.constant 10 : i32
      %add3A_1186 = arith.addi %mul3A_1184, %add3A_1185 : i32
      %add3A_1187 = vector.broadcast %add3A_1186 : i32 to vector<16xi32>
      %add3A_1188 = arith.addi %mul3A_19, %add3A_1187 : vector<16xi32>
      %gather3A_1189 = tpu.vector_load_idx %arg18[%add3A_1188] : memref<8720xf32, #tpu.memory_space<vmem>>[vector<16xi32>], vector<16xf32>,
      %add3A_1190 = arith.addf %add3A_1182, %gather3A_1189 : vector<16xf32>
      %mul3A_1191 = arith.constant 272 : i32
      %mul3A_1192 = arith.muli %scan3A_719, %mul3A_1191 : i32
      %add3A_1193 = arith.constant 11 : i32
      %add3A_1194 = arith.addi %mul3A_1192, %add3A_1193 : i32
      %add3A_1195 = vector.broadcast %add3A_1194 : i32 to vector<16xi32>
      %add3A_1196 = arith.addi %mul3A_19, %add3A_1195 : vector<16xi32>
      %gather3A_1197 = tpu.vector_load_idx %arg18[%add3A_1196] : memref<8720xf32, #tpu.memory_space<vmem>>[vector<16xi32>], vector<16xf32>,
      %add3A_1198 = arith.addf %add3A_1190, %gather3A_1197 : vector<16xf32>
      %mul3A_1199 = arith.constant 272 : i32
      %mul3A_1200 = arith.muli %scan3A_719, %mul3A_1199 : i32
      %add3A_1201 = arith.constant 12 : i32
      %add3A_1202 = arith.addi %mul3A_1200, %add3A_1201 : i32
      %add3A_1203 = vector.broadcast %add3A_1202 : i32 to vector<16xi32>
      %add3A_1204 = arith.addi %mul3A_19, %add3A_1203 : vector<16xi32>
      %gather3A_1205 = tpu.vector_load_idx %arg18[%add3A_1204] : memref<8720xf32, #tpu.memory_space<vmem>>[vector<16xi32>], vector<16xf32>,
      %add3A_1206 = arith.addf %add3A_1198, %gather3A_1205 : vector<16xf32>
      %mul3A_1207 = arith.constant 272 : i32
      %mul3A_1208 = arith.muli %scan3A_719, %mul3A_1207 : i32
      %add3A_1209 = arith.constant 13 : i32
      %add3A_1210 = arith.addi %mul3A_1208, %add3A_1209 : i32
      %add3A_1211 = vector.broadcast %add3A_1210 : i32 to vector<16xi32>
      %add3A_1212 = arith.addi %mul3A_19, %add3A_1211 : vector<16xi32>
      %gather3A_1213 = tpu.vector_load_idx %arg18[%add3A_1212] : memref<8720xf32, #tpu.memory_space<vmem>>[vector<16xi32>], vector<16xf32>,
      %add3A_1214 = arith.addf %add3A_1206, %gather3A_1213 : vector<16xf32>
      %mul3A_1215 = arith.constant 272 : i32
      %mul3A_1216 = arith.muli %scan3A_719, %mul3A_1215 : i32
      %add3A_1217 = arith.constant 14 : i32
      %add3A_1218 = arith.addi %mul3A_1216, %add3A_1217 : i32
      %add3A_1219 = vector.broadcast %add3A_1218 : i32 to vector<16xi32>
      %add3A_1220 = arith.addi %mul3A_19, %add3A_1219 : vector<16xi32>
      %gather3A_1221 = tpu.vector_load_idx %arg18[%add3A_1220] : memref<8720xf32, #tpu.memory_space<vmem>>[vector<16xi32>], vector<16xf32>,
      %add3A_1222 = arith.addf %add3A_1214, %gather3A_1221 : vector<16xf32>
      %mul3A_1223 = arith.constant 272 : i32
      %mul3A_1224 = arith.muli %scan3A_719, %mul3A_1223 : i32
      %add3A_1225 = arith.constant 15 : i32
      %add3A_1226 = arith.addi %mul3A_1224, %add3A_1225 : i32
      %add3A_1227 = vector.broadcast %add3A_1226 : i32 to vector<16xi32>
      %add3A_1228 = arith.addi %mul3A_19, %add3A_1227 : vector<16xi32>
      %gather3A_1229 = tpu.vector_load_idx %arg18[%add3A_1228] : memref<8720xf32, #tpu.memory_space<vmem>>[vector<16xi32>], vector<16xf32>,
      %add3A_1230 = arith.addf %add3A_1222, %gather3A_1229 : vector<16xf32>
      %mul3A_1231 = arith.constant 272 : i32
      %mul3A_1232 = arith.muli %scan3A_719, %mul3A_1231 : i32
      %add3A_1233 = arith.constant 0 : i32
      %add3A_1234 = arith.addi %mul3A_1232, %add3A_1233 : i32
      %add3A_1235 = vector.broadcast %add3A_1234 : i32 to vector<16xi32>
      %add3A_1236 = arith.addi %mul3A_19, %add3A_1235 : vector<16xi32>
      %gather3A_1237 = tpu.vector_load_idx %arg19[%add3A_1236] : memref<8720xf32, #tpu.memory_space<vmem>>[vector<16xi32>], vector<16xf32>,
      %add3A_1238 = arith.addf %add3A_1230, %gather3A_1237 : vector<16xf32>
      %mul3A_1239 = arith.constant 272 : i32
      %mul3A_1240 = arith.muli %scan3A_719, %mul3A_1239 : i32
      %add3A_1241 = arith.constant 1 : i32
      %add3A_1242 = arith.addi %mul3A_1240, %add3A_1241 : i32
      %add3A_1243 = vector.broadcast %add3A_1242 : i32 to vector<16xi32>
      %add3A_1244 = arith.addi %mul3A_19, %add3A_1243 : vector<16xi32>
      %gather3A_1245 = tpu.vector_load_idx %arg19[%add3A_1244] : memref<8720xf32, #tpu.memory_space<vmem>>[vector<16xi32>], vector<16xf32>,
      %add3A_1246 = arith.addf %add3A_1238, %gather3A_1245 : vector<16xf32>
      %mul3A_1247 = arith.constant 272 : i32
      %mul3A_1248 = arith.muli %scan3A_719, %mul3A_1247 : i32
      %add3A_1249 = arith.constant 2 : i32
      %add3A_1250 = arith.addi %mul3A_1248, %add3A_1249 : i32
      %add3A_1251 = vector.broadcast %add3A_1250 : i32 to vector<16xi32>
      %add3A_1252 = arith.addi %mul3A_19, %add3A_1251 : vector<16xi32>
      %gather3A_1253 = tpu.vector_load_idx %arg19[%add3A_1252] : memref<8720xf32, #tpu.memory_space<vmem>>[vector<16xi32>], vector<16xf32>,
      %add3A_1254 = arith.addf %add3A_1246, %gather3A_1253 : vector<16xf32>
      %mul3A_1255 = arith.constant 272 : i32
      %mul3A_1256 = arith.muli %scan3A_719, %mul3A_1255 : i32
      %add3A_1257 = arith.constant 3 : i32
      %add3A_1258 = arith.addi %mul3A_1256, %add3A_1257 : i32
      %add3A_1259 = vector.broadcast %add3A_1258 : i32 to vector<16xi32>
      %add3A_1260 = arith.addi %mul3A_19, %add3A_1259 : vector<16xi32>
      %gather3A_1261 = tpu.vector_load_idx %arg19[%add3A_1260] : memref<8720xf32, #tpu.memory_space<vmem>>[vector<16xi32>], vector<16xf32>,
      %add3A_1262 = arith.addf %add3A_1254, %gather3A_1261 : vector<16xf32>
      %mul3A_1263 = arith.constant 272 : i32
      %mul3A_1264 = arith.muli %scan3A_719, %mul3A_1263 : i32
      %add3A_1265 = arith.constant 4 : i32
      %add3A_1266 = arith.addi %mul3A_1264, %add3A_1265 : i32
      %add3A_1267 = vector.broadcast %add3A_1266 : i32 to vector<16xi32>
      %add3A_1268 = arith.addi %mul3A_19, %add3A_1267 : vector<16xi32>
      %gather3A_1269 = tpu.vector_load_idx %arg19[%add3A_1268] : memref<8720xf32, #tpu.memory_space<vmem>>[vector<16xi32>], vector<16xf32>,
      %add3A_1270 = arith.addf %add3A_1262, %gather3A_1269 : vector<16xf32>
      %mul3A_1271 = arith.constant 272 : i32
      %mul3A_1272 = arith.muli %scan3A_719, %mul3A_1271 : i32
      %add3A_1273 = arith.constant 5 : i32
      %add3A_1274 = arith.addi %mul3A_1272, %add3A_1273 : i32
      %add3A_1275 = vector.broadcast %add3A_1274 : i32 to vector<16xi32>
      %add3A_1276 = arith.addi %mul3A_19, %add3A_1275 : vector<16xi32>
      %gather3A_1277 = tpu.vector_load_idx %arg19[%add3A_1276] : memref<8720xf32, #tpu.memory_space<vmem>>[vector<16xi32>], vector<16xf32>,
      %add3A_1278 = arith.addf %add3A_1270, %gather3A_1277 : vector<16xf32>
      %mul3A_1279 = arith.constant 272 : i32
      %mul3A_1280 = arith.muli %scan3A_719, %mul3A_1279 : i32
      %add3A_1281 = arith.constant 6 : i32
      %add3A_1282 = arith.addi %mul3A_1280, %add3A_1281 : i32
      %add3A_1283 = vector.broadcast %add3A_1282 : i32 to vector<16xi32>
      %add3A_1284 = arith.addi %mul3A_19, %add3A_1283 : vector<16xi32>
      %gather3A_1285 = tpu.vector_load_idx %arg19[%add3A_1284] : memref<8720xf32, #tpu.memory_space<vmem>>[vector<16xi32>], vector<16xf32>,
      %add3A_1286 = arith.addf %add3A_1278, %gather3A_1285 : vector<16xf32>
      %mul3A_1287 = arith.constant 272 : i32
      %mul3A_1288 = arith.muli %scan3A_719, %mul3A_1287 : i32
      %add3A_1289 = arith.constant 7 : i32
      %add3A_1290 = arith.addi %mul3A_1288, %add3A_1289 : i32
      %add3A_1291 = vector.broadcast %add3A_1290 : i32 to vector<16xi32>
      %add3A_1292 = arith.addi %mul3A_19, %add3A_1291 : vector<16xi32>
      %gather3A_1293 = tpu.vector_load_idx %arg19[%add3A_1292] : memref<8720xf32, #tpu.memory_space<vmem>>[vector<16xi32>], vector<16xf32>,
      %add3A_1294 = arith.addf %add3A_1286, %gather3A_1293 : vector<16xf32>
      %mul3A_1295 = arith.constant 272 : i32
      %mul3A_1296 = arith.muli %scan3A_719, %mul3A_1295 : i32
      %add3A_1297 = arith.constant 8 : i32
      %add3A_1298 = arith.addi %mul3A_1296, %add3A_1297 : i32
      %add3A_1299 = vector.broadcast %add3A_1298 : i32 to vector<16xi32>
      %add3A_1300 = arith.addi %mul3A_19, %add3A_1299 : vector<16xi32>
      %gather3A_1301 = tpu.vector_load_idx %arg19[%add3A_1300] : memref<8720xf32, #tpu.memory_space<vmem>>[vector<16xi32>], vector<16xf32>,
      %add3A_1302 = arith.addf %add3A_1294, %gather3A_1301 : vector<16xf32>
      %mul3A_1303 = arith.constant 272 : i32
      %mul3A_1304 = arith.muli %scan3A_719, %mul3A_1303 : i32
      %add3A_1305 = arith.constant 9 : i32
      %add3A_1306 = arith.addi %mul3A_1304, %add3A_1305 : i32
      %add3A_1307 = vector.broadcast %add3A_1306 : i32 to vector<16xi32>
      %add3A_1308 = arith.addi %mul3A_19, %add3A_1307 : vector<16xi32>
      %gather3A_1309 = tpu.vector_load_idx %arg19[%add3A_1308] : memref<8720xf32, #tpu.memory_space<vmem>>[vector<16xi32>], vector<16xf32>,
      %add3A_1310 = arith.addf %add3A_1302, %gather3A_1309 : vector<16xf32>
      %mul3A_1311 = arith.constant 272 : i32
      %mul3A_1312 = arith.muli %scan3A_719, %mul3A_1311 : i32
      %add3A_1313 = arith.constant 10 : i32
      %add3A_1314 = arith.addi %mul3A_1312, %add3A_1313 : i32
      %add3A_1315 = vector.broadcast %add3A_1314 : i32 to vector<16xi32>
      %add3A_1316 = arith.addi %mul3A_19, %add3A_1315 : vector<16xi32>
      %gather3A_1317 = tpu.vector_load_idx %arg19[%add3A_1316] : memref<8720xf32, #tpu.memory_space<vmem>>[vector<16xi32>], vector<16xf32>,
      %add3A_1318 = arith.addf %add3A_1310, %gather3A_1317 : vector<16xf32>
      %mul3A_1319 = arith.constant 272 : i32
      %mul3A_1320 = arith.muli %scan3A_719, %mul3A_1319 : i32
      %add3A_1321 = arith.constant 11 : i32
      %add3A_1322 = arith.addi %mul3A_1320, %add3A_1321 : i32
      %add3A_1323 = vector.broadcast %add3A_1322 : i32 to vector<16xi32>
      %add3A_1324 = arith.addi %mul3A_19, %add3A_1323 : vector<16xi32>
      %gather3A_1325 = tpu.vector_load_idx %arg19[%add3A_1324] : memref<8720xf32, #tpu.memory_space<vmem>>[vector<16xi32>], vector<16xf32>,
      %add3A_1326 = arith.addf %add3A_1318, %gather3A_1325 : vector<16xf32>
      %mul3A_1327 = arith.constant 272 : i32
      %mul3A_1328 = arith.muli %scan3A_719, %mul3A_1327 : i32
      %add3A_1329 = arith.constant 12 : i32
      %add3A_1330 = arith.addi %mul3A_1328, %add3A_1329 : i32
      %add3A_1331 = vector.broadcast %add3A_1330 : i32 to vector<16xi32>
      %add3A_1332 = arith.addi %mul3A_19, %add3A_1331 : vector<16xi32>
      %gather3A_1333 = tpu.vector_load_idx %arg19[%add3A_1332] : memref<8720xf32, #tpu.memory_space<vmem>>[vector<16xi32>], vector<16xf32>,
      %add3A_1334 = arith.addf %add3A_1326, %gather3A_1333 : vector<16xf32>
      %mul3A_1335 = arith.constant 272 : i32
      %mul3A_1336 = arith.muli %scan3A_719, %mul3A_1335 : i32
      %add3A_1337 = arith.constant 13 : i32
      %add3A_1338 = arith.addi %mul3A_1336, %add3A_1337 : i32
      %add3A_1339 = vector.broadcast %add3A_1338 : i32 to vector<16xi32>
      %add3A_1340 = arith.addi %mul3A_19, %add3A_1339 : vector<16xi32>
      %gather3A_1341 = tpu.vector_load_idx %arg19[%add3A_1340] : memref<8720xf32, #tpu.memory_space<vmem>>[vector<16xi32>], vector<16xf32>,
      %add3A_1342 = arith.addf %add3A_1334, %gather3A_1341 : vector<16xf32>
      %mul3A_1343 = arith.constant 272 : i32
      %mul3A_1344 = arith.muli %scan3A_719, %mul3A_1343 : i32
      %add3A_1345 = arith.constant 14 : i32
      %add3A_1346 = arith.addi %mul3A_1344, %add3A_1345 : i32
      %add3A_1347 = vector.broadcast %add3A_1346 : i32 to vector<16xi32>
      %add3A_1348 = arith.addi %mul3A_19, %add3A_1347 : vector<16xi32>
      %gather3A_1349 = tpu.vector_load_idx %arg19[%add3A_1348] : memref<8720xf32, #tpu.memory_space<vmem>>[vector<16xi32>], vector<16xf32>,
      %add3A_1350 = arith.addf %add3A_1342, %gather3A_1349 : vector<16xf32>
      %mul3A_1351 = arith.constant 272 : i32
      %mul3A_1352 = arith.muli %scan3A_719, %mul3A_1351 : i32
      %add3A_1353 = arith.constant 15 : i32
      %add3A_1354 = arith.addi %mul3A_1352, %add3A_1353 : i32
      %add3A_1355 = vector.broadcast %add3A_1354 : i32 to vector<16xi32>
      %add3A_1356 = arith.addi %mul3A_19, %add3A_1355 : vector<16xi32>
      %gather3A_1357 = tpu.vector_load_idx %arg19[%add3A_1356] : memref<8720xf32, #tpu.memory_space<vmem>>[vector<16xi32>], vector<16xf32>,
      %add3A_1358 = arith.addf %add3A_1350, %gather3A_1357 : vector<16xf32>
      %mul3A_1359 = arith.constant 16 : i32
      %mul3A_1360 = arith.muli %scan3A_719, %mul3A_1359 : i32
      %swap3A_1361 = arith.index_cast %mul3A_1360 : i32 to index
      %swap3A_1362 = tpu.vector_load %arg20[%swap3A_1361] {strides = array<i32>} : memref<512xf32, #tpu.memory_space<vmem>>, vector<16xf32>,
      tpu.vector_store %arg20[%swap3A_1361], %add3A_1358 {strides = array<i32>} : memref<512xf32, #tpu.memory_space<vmem>>, vector<16xf32>,
    }
    %scan3A_128 = arith.constant 32 : i32
    "tpu.region"() ({
      %run_scoped3A = tpu.sem_alloc : memref<!tpu.dma_semaphore, #tpu.memory_space<semaphore_mem>>
      %dma_start3A_719 = arith.constant 0 : i32
      %dma_start3A_720 = tpu.memref_slice %arg26[%arg1, %dma_start3A_719] : memref<16x512xf32, #tpu.memory_space<vmem_shared>> -> memref<1x512xf32, #tpu.memory_space<vmem_shared>>
      %dma_start3A_721 = tpu.memref_squeeze %dma_start3A_720 : memref<1x512xf32, #tpu.memory_space<vmem_shared>> -> memref<512xf32, #tpu.memory_space<vmem_shared>>
      %dma_start3A_722 = arith.constant 0 : i32
      %dma_start3A_723 = tpu.memref_slice %arg26[%arg1, %dma_start3A_722] : memref<16x512xf32, #tpu.memory_space<vmem_shared>> -> memref<1x512xf32, #tpu.memory_space<vmem_shared>>
      %dma_start3A_724 = tpu.memref_squeeze %dma_start3A_723 : memref<1x512xf32, #tpu.memory_space<vmem_shared>> -> memref<512xf32, #tpu.memory_space<vmem_shared>>
      tpu.enqueue_dma source(%arg20 : memref<512xf32, #tpu.memory_space<vmem>>) target(%dma_start3A_724 : memref<512xf32, #tpu.memory_space<vmem_shared>>) target_semaphore(%run_scoped3A : memref<!tpu.dma_semaphore, #tpu.memory_space<semaphore_mem>>)
      %dma_wait3A_725 = arith.constant 0 : i32
      %dma_wait3A_726 = tpu.memref_slice %arg26[%arg1, %dma_wait3A_725] : memref<16x512xf32, #tpu.memory_space<vmem_shared>> -> memref<1x512xf32, #tpu.memory_space<vmem_shared>>
      %dma_wait3A_727 = tpu.memref_squeeze %dma_wait3A_726 : memref<1x512xf32, #tpu.memory_space<vmem_shared>> -> memref<512xf32, #tpu.memory_space<vmem_shared>>
      %dma_wait3A_728 = arith.constant 0 : i32
      %dma_wait3A_729 = tpu.memref_slice %arg26[%arg1, %dma_wait3A_728] : memref<16x512xf32, #tpu.memory_space<vmem_shared>> -> memref<1x512xf32, #tpu.memory_space<vmem_shared>>
      %dma_wait3A_730 = tpu.memref_squeeze %dma_wait3A_729 : memref<1x512xf32, #tpu.memory_space<vmem_shared>> -> memref<512xf32, #tpu.memory_space<vmem_shared>>
      tpu.wait_dma2 semaphore(%run_scoped3A : memref<!tpu.dma_semaphore, #tpu.memory_space<semaphore_mem>>) src(%arg20 : memref<512xf32, #tpu.memory_space<vmem>>) dst(%dma_wait3A_730 : memref<512xf32, #tpu.memory_space<vmem_shared>>)
      tpu.yield
    }) : () -> ()
    %barrier3A = arith.constant 0 : index
    tpu.barrier barrier_id(%barrier3A)
    %mul3A_129 = arith.constant 32 : i32
    %mul3A_130 = arith.muli %mul3A_129, %arg1 : i32
    %dma_start3A_131 = arith.constant 0 : i32
    %dma_start3A_132 = arith.constant 0 : i32
    %dma_start3A_133 = arith.constant 0 : i32
    %dma_start3A_134 = tpu.memref_slice %arg25[%dma_start3A_132, %dma_start3A_133] : memref<16x32xf32, #tpu.memory_space<vmem>> -> memref<1x32xf32, #tpu.memory_space<vmem>>
    %dma_start3A_135 = tpu.memref_squeeze %dma_start3A_134 : memref<1x32xf32, #tpu.memory_space<vmem>> -> memref<32xf32, #tpu.memory_space<vmem>>
    %dma_start3A_136 = tpu.memref_slice %arg26[%dma_start3A_131, %mul3A_130] : memref<16x512xf32, #tpu.memory_space<vmem_shared>> -> memref<1x32xf32, #tpu.memory_space<vmem_shared>>
    %dma_start3A_137 = tpu.memref_squeeze %dma_start3A_136 : memref<1x32xf32, #tpu.memory_space<vmem_shared>> -> memref<32xf32, #tpu.memory_space<vmem_shared>>
    %dma_start3A_138 = arith.constant 0 : i32
    %dma_start3A_139 = tpu.memref_slice %arg25[%dma_start3A_132, %dma_start3A_138] : memref<16x32xf32, #tpu.memory_space<vmem>> -> memref<1x32xf32, #tpu.memory_space<vmem>>
    %dma_start3A_140 = tpu.memref_squeeze %dma_start3A_139 : memref<1x32xf32, #tpu.memory_space<vmem>> -> memref<32xf32, #tpu.memory_space<vmem>>
    %dma_start3A_141 = tpu.memref_slice %arg26[%dma_start3A_131, %mul3A_130] : memref<16x512xf32, #tpu.memory_space<vmem_shared>> -> memref<1x32xf32, #tpu.memory_space<vmem_shared>>
    %dma_start3A_142 = tpu.memref_squeeze %dma_start3A_141 : memref<1x32xf32, #tpu.memory_space<vmem_shared>> -> memref<32xf32, #tpu.memory_space<vmem_shared>>
    tpu.enqueue_dma source(%dma_start3A_142 : memref<32xf32, #tpu.memory_space<vmem_shared>>) target(%dma_start3A_140 : memref<32xf32, #tpu.memory_space<vmem>>) target_semaphore(%arg29 : memref<!tpu.dma_semaphore, #tpu.memory_space<semaphore_mem>>)
    %mul3A_143 = arith.constant 32 : i32
    %mul3A_144 = arith.muli %mul3A_143, %arg1 : i32
    %dma_start3A_145 = arith.constant 1 : i32
    %dma_start3A_146 = arith.constant 1 : i32
    %dma_start3A_147 = arith.constant 0 : i32
    %dma_start3A_148 = tpu.memref_slice %arg25[%dma_start3A_146, %dma_start3A_147] : memref<16x32xf32, #tpu.memory_space<vmem>> -> memref<1x32xf32, #tpu.memory_space<vmem>>
    %dma_start3A_149 = tpu.memref_squeeze %dma_start3A_148 : memref<1x32xf32, #tpu.memory_space<vmem>> -> memref<32xf32, #tpu.memory_space<vmem>>
    %dma_start3A_150 = tpu.memref_slice %arg26[%dma_start3A_145, %mul3A_144] : memref<16x512xf32, #tpu.memory_space<vmem_shared>> -> memref<1x32xf32, #tpu.memory_space<vmem_shared>>
    %dma_start3A_151 = tpu.memref_squeeze %dma_start3A_150 : memref<1x32xf32, #tpu.memory_space<vmem_shared>> -> memref<32xf32, #tpu.memory_space<vmem_shared>>
    %dma_start3A_152 = arith.constant 0 : i32
    %dma_start3A_153 = tpu.memref_slice %arg25[%dma_start3A_146, %dma_start3A_152] : memref<16x32xf32, #tpu.memory_space<vmem>> -> memref<1x32xf32, #tpu.memory_space<vmem>>
    %dma_start3A_154 = tpu.memref_squeeze %dma_start3A_153 : memref<1x32xf32, #tpu.memory_space<vmem>> -> memref<32xf32, #tpu.memory_space<vmem>>
    %dma_start3A_155 = tpu.memref_slice %arg26[%dma_start3A_145, %mul3A_144] : memref<16x512xf32, #tpu.memory_space<vmem_shared>> -> memref<1x32xf32, #tpu.memory_space<vmem_shared>>
    %dma_start3A_156 = tpu.memref_squeeze %dma_start3A_155 : memref<1x32xf32, #tpu.memory_space<vmem_shared>> -> memref<32xf32, #tpu.memory_space<vmem_shared>>
    tpu.enqueue_dma source(%dma_start3A_156 : memref<32xf32, #tpu.memory_space<vmem_shared>>) target(%dma_start3A_154 : memref<32xf32, #tpu.memory_space<vmem>>) target_semaphore(%arg29 : memref<!tpu.dma_semaphore, #tpu.memory_space<semaphore_mem>>)
    %mul3A_157 = arith.constant 32 : i32
    %mul3A_158 = arith.muli %mul3A_157, %arg1 : i32
    %dma_start3A_159 = arith.constant 2 : i32
    %dma_start3A_160 = arith.constant 2 : i32
    %dma_start3A_161 = arith.constant 0 : i32
    %dma_start3A_162 = tpu.memref_slice %arg25[%dma_start3A_160, %dma_start3A_161] : memref<16x32xf32, #tpu.memory_space<vmem>> -> memref<1x32xf32, #tpu.memory_space<vmem>>
    %dma_start3A_163 = tpu.memref_squeeze %dma_start3A_162 : memref<1x32xf32, #tpu.memory_space<vmem>> -> memref<32xf32, #tpu.memory_space<vmem>>
    %dma_start3A_164 = tpu.memref_slice %arg26[%dma_start3A_159, %mul3A_158] : memref<16x512xf32, #tpu.memory_space<vmem_shared>> -> memref<1x32xf32, #tpu.memory_space<vmem_shared>>
    %dma_start3A_165 = tpu.memref_squeeze %dma_start3A_164 : memref<1x32xf32, #tpu.memory_space<vmem_shared>> -> memref<32xf32, #tpu.memory_space<vmem_shared>>
    %dma_start3A_166 = arith.constant 0 : i32
    %dma_start3A_167 = tpu.memref_slice %arg25[%dma_start3A_160, %dma_start3A_166] : memref<16x32xf32, #tpu.memory_space<vmem>> -> memref<1x32xf32, #tpu.memory_space<vmem>>
    %dma_start3A_168 = tpu.memref_squeeze %dma_start3A_167 : memref<1x32xf32, #tpu.memory_space<vmem>> -> memref<32xf32, #tpu.memory_space<vmem>>
    %dma_start3A_169 = tpu.memref_slice %arg26[%dma_start3A_159, %mul3A_158] : memref<16x512xf32, #tpu.memory_space<vmem_shared>> -> memref<1x32xf32, #tpu.memory_space<vmem_shared>>
    %dma_start3A_170 = tpu.memref_squeeze %dma_start3A_169 : memref<1x32xf32, #tpu.memory_space<vmem_shared>> -> memref<32xf32, #tpu.memory_space<vmem_shared>>
    tpu.enqueue_dma source(%dma_start3A_170 : memref<32xf32, #tpu.memory_space<vmem_shared>>) target(%dma_start3A_168 : memref<32xf32, #tpu.memory_space<vmem>>) target_semaphore(%arg29 : memref<!tpu.dma_semaphore, #tpu.memory_space<semaphore_mem>>)
    %mul3A_171 = arith.constant 32 : i32
    %mul3A_172 = arith.muli %mul3A_171, %arg1 : i32
    %dma_start3A_173 = arith.constant 3 : i32
    %dma_start3A_174 = arith.constant 3 : i32
    %dma_start3A_175 = arith.constant 0 : i32
    %dma_start3A_176 = tpu.memref_slice %arg25[%dma_start3A_174, %dma_start3A_175] : memref<16x32xf32, #tpu.memory_space<vmem>> -> memref<1x32xf32, #tpu.memory_space<vmem>>
    %dma_start3A_177 = tpu.memref_squeeze %dma_start3A_176 : memref<1x32xf32, #tpu.memory_space<vmem>> -> memref<32xf32, #tpu.memory_space<vmem>>
    %dma_start3A_178 = tpu.memref_slice %arg26[%dma_start3A_173, %mul3A_172] : memref<16x512xf32, #tpu.memory_space<vmem_shared>> -> memref<1x32xf32, #tpu.memory_space<vmem_shared>>
    %dma_start3A_179 = tpu.memref_squeeze %dma_start3A_178 : memref<1x32xf32, #tpu.memory_space<vmem_shared>> -> memref<32xf32, #tpu.memory_space<vmem_shared>>
    %dma_start3A_180 = arith.constant 0 : i32
    %dma_start3A_181 = tpu.memref_slice %arg25[%dma_start3A_174, %dma_start3A_180] : memref<16x32xf32, #tpu.memory_space<vmem>> -> memref<1x32xf32, #tpu.memory_space<vmem>>
    %dma_start3A_182 = tpu.memref_squeeze %dma_start3A_181 : memref<1x32xf32, #tpu.memory_space<vmem>> -> memref<32xf32, #tpu.memory_space<vmem>>
    %dma_start3A_183 = tpu.memref_slice %arg26[%dma_start3A_173, %mul3A_172] : memref<16x512xf32, #tpu.memory_space<vmem_shared>> -> memref<1x32xf32, #tpu.memory_space<vmem_shared>>
    %dma_start3A_184 = tpu.memref_squeeze %dma_start3A_183 : memref<1x32xf32, #tpu.memory_space<vmem_shared>> -> memref<32xf32, #tpu.memory_space<vmem_shared>>
    tpu.enqueue_dma source(%dma_start3A_184 : memref<32xf32, #tpu.memory_space<vmem_shared>>) target(%dma_start3A_182 : memref<32xf32, #tpu.memory_space<vmem>>) target_semaphore(%arg29 : memref<!tpu.dma_semaphore, #tpu.memory_space<semaphore_mem>>)
    %mul3A_185 = arith.constant 32 : i32
    %mul3A_186 = arith.muli %mul3A_185, %arg1 : i32
    %dma_start3A_187 = arith.constant 4 : i32
    %dma_start3A_188 = arith.constant 4 : i32
    %dma_start3A_189 = arith.constant 0 : i32
    %dma_start3A_190 = tpu.memref_slice %arg25[%dma_start3A_188, %dma_start3A_189] : memref<16x32xf32, #tpu.memory_space<vmem>> -> memref<1x32xf32, #tpu.memory_space<vmem>>
    %dma_start3A_191 = tpu.memref_squeeze %dma_start3A_190 : memref<1x32xf32, #tpu.memory_space<vmem>> -> memref<32xf32, #tpu.memory_space<vmem>>
    %dma_start3A_192 = tpu.memref_slice %arg26[%dma_start3A_187, %mul3A_186] : memref<16x512xf32, #tpu.memory_space<vmem_shared>> -> memref<1x32xf32, #tpu.memory_space<vmem_shared>>
    %dma_start3A_193 = tpu.memref_squeeze %dma_start3A_192 : memref<1x32xf32, #tpu.memory_space<vmem_shared>> -> memref<32xf32, #tpu.memory_space<vmem_shared>>
    %dma_start3A_194 = arith.constant 0 : i32
    %dma_start3A_195 = tpu.memref_slice %arg25[%dma_start3A_188, %dma_start3A_194] : memref<16x32xf32, #tpu.memory_space<vmem>> -> memref<1x32xf32, #tpu.memory_space<vmem>>
    %dma_start3A_196 = tpu.memref_squeeze %dma_start3A_195 : memref<1x32xf32, #tpu.memory_space<vmem>> -> memref<32xf32, #tpu.memory_space<vmem>>
    %dma_start3A_197 = tpu.memref_slice %arg26[%dma_start3A_187, %mul3A_186] : memref<16x512xf32, #tpu.memory_space<vmem_shared>> -> memref<1x32xf32, #tpu.memory_space<vmem_shared>>
    %dma_start3A_198 = tpu.memref_squeeze %dma_start3A_197 : memref<1x32xf32, #tpu.memory_space<vmem_shared>> -> memref<32xf32, #tpu.memory_space<vmem_shared>>
    tpu.enqueue_dma source(%dma_start3A_198 : memref<32xf32, #tpu.memory_space<vmem_shared>>) target(%dma_start3A_196 : memref<32xf32, #tpu.memory_space<vmem>>) target_semaphore(%arg29 : memref<!tpu.dma_semaphore, #tpu.memory_space<semaphore_mem>>)
    %mul3A_199 = arith.constant 32 : i32
    %mul3A_200 = arith.muli %mul3A_199, %arg1 : i32
    %dma_start3A_201 = arith.constant 5 : i32
    %dma_start3A_202 = arith.constant 5 : i32
    %dma_start3A_203 = arith.constant 0 : i32
    %dma_start3A_204 = tpu.memref_slice %arg25[%dma_start3A_202, %dma_start3A_203] : memref<16x32xf32, #tpu.memory_space<vmem>> -> memref<1x32xf32, #tpu.memory_space<vmem>>
    %dma_start3A_205 = tpu.memref_squeeze %dma_start3A_204 : memref<1x32xf32, #tpu.memory_space<vmem>> -> memref<32xf32, #tpu.memory_space<vmem>>
    %dma_start3A_206 = tpu.memref_slice %arg26[%dma_start3A_201, %mul3A_200] : memref<16x512xf32, #tpu.memory_space<vmem_shared>> -> memref<1x32xf32, #tpu.memory_space<vmem_shared>>
    %dma_start3A_207 = tpu.memref_squeeze %dma_start3A_206 : memref<1x32xf32, #tpu.memory_space<vmem_shared>> -> memref<32xf32, #tpu.memory_space<vmem_shared>>
    %dma_start3A_208 = arith.constant 0 : i32
    %dma_start3A_209 = tpu.memref_slice %arg25[%dma_start3A_202, %dma_start3A_208] : memref<16x32xf32, #tpu.memory_space<vmem>> -> memref<1x32xf32, #tpu.memory_space<vmem>>
    %dma_start3A_210 = tpu.memref_squeeze %dma_start3A_209 : memref<1x32xf32, #tpu.memory_space<vmem>> -> memref<32xf32, #tpu.memory_space<vmem>>
    %dma_start3A_211 = tpu.memref_slice %arg26[%dma_start3A_201, %mul3A_200] : memref<16x512xf32, #tpu.memory_space<vmem_shared>> -> memref<1x32xf32, #tpu.memory_space<vmem_shared>>
    %dma_start3A_212 = tpu.memref_squeeze %dma_start3A_211 : memref<1x32xf32, #tpu.memory_space<vmem_shared>> -> memref<32xf32, #tpu.memory_space<vmem_shared>>
    tpu.enqueue_dma source(%dma_start3A_212 : memref<32xf32, #tpu.memory_space<vmem_shared>>) target(%dma_start3A_210 : memref<32xf32, #tpu.memory_space<vmem>>) target_semaphore(%arg29 : memref<!tpu.dma_semaphore, #tpu.memory_space<semaphore_mem>>)
    %mul3A_213 = arith.constant 32 : i32
    %mul3A_214 = arith.muli %mul3A_213, %arg1 : i32
    %dma_start3A_215 = arith.constant 6 : i32
    %dma_start3A_216 = arith.constant 6 : i32
    %dma_start3A_217 = arith.constant 0 : i32
    %dma_start3A_218 = tpu.memref_slice %arg25[%dma_start3A_216, %dma_start3A_217] : memref<16x32xf32, #tpu.memory_space<vmem>> -> memref<1x32xf32, #tpu.memory_space<vmem>>
    %dma_start3A_219 = tpu.memref_squeeze %dma_start3A_218 : memref<1x32xf32, #tpu.memory_space<vmem>> -> memref<32xf32, #tpu.memory_space<vmem>>
    %dma_start3A_220 = tpu.memref_slice %arg26[%dma_start3A_215, %mul3A_214] : memref<16x512xf32, #tpu.memory_space<vmem_shared>> -> memref<1x32xf32, #tpu.memory_space<vmem_shared>>
    %dma_start3A_221 = tpu.memref_squeeze %dma_start3A_220 : memref<1x32xf32, #tpu.memory_space<vmem_shared>> -> memref<32xf32, #tpu.memory_space<vmem_shared>>
    %dma_start3A_222 = arith.constant 0 : i32
    %dma_start3A_223 = tpu.memref_slice %arg25[%dma_start3A_216, %dma_start3A_222] : memref<16x32xf32, #tpu.memory_space<vmem>> -> memref<1x32xf32, #tpu.memory_space<vmem>>
    %dma_start3A_224 = tpu.memref_squeeze %dma_start3A_223 : memref<1x32xf32, #tpu.memory_space<vmem>> -> memref<32xf32, #tpu.memory_space<vmem>>
    %dma_start3A_225 = tpu.memref_slice %arg26[%dma_start3A_215, %mul3A_214] : memref<16x512xf32, #tpu.memory_space<vmem_shared>> -> memref<1x32xf32, #tpu.memory_space<vmem_shared>>
    %dma_start3A_226 = tpu.memref_squeeze %dma_start3A_225 : memref<1x32xf32, #tpu.memory_space<vmem_shared>> -> memref<32xf32, #tpu.memory_space<vmem_shared>>
    tpu.enqueue_dma source(%dma_start3A_226 : memref<32xf32, #tpu.memory_space<vmem_shared>>) target(%dma_start3A_224 : memref<32xf32, #tpu.memory_space<vmem>>) target_semaphore(%arg29 : memref<!tpu.dma_semaphore, #tpu.memory_space<semaphore_mem>>)
    %mul3A_227 = arith.constant 32 : i32
    %mul3A_228 = arith.muli %mul3A_227, %arg1 : i32
    %dma_start3A_229 = arith.constant 7 : i32
    %dma_start3A_230 = arith.constant 7 : i32
    %dma_start3A_231 = arith.constant 0 : i32
    %dma_start3A_232 = tpu.memref_slice %arg25[%dma_start3A_230, %dma_start3A_231] : memref<16x32xf32, #tpu.memory_space<vmem>> -> memref<1x32xf32, #tpu.memory_space<vmem>>
    %dma_start3A_233 = tpu.memref_squeeze %dma_start3A_232 : memref<1x32xf32, #tpu.memory_space<vmem>> -> memref<32xf32, #tpu.memory_space<vmem>>
    %dma_start3A_234 = tpu.memref_slice %arg26[%dma_start3A_229, %mul3A_228] : memref<16x512xf32, #tpu.memory_space<vmem_shared>> -> memref<1x32xf32, #tpu.memory_space<vmem_shared>>
    %dma_start3A_235 = tpu.memref_squeeze %dma_start3A_234 : memref<1x32xf32, #tpu.memory_space<vmem_shared>> -> memref<32xf32, #tpu.memory_space<vmem_shared>>
    %dma_start3A_236 = arith.constant 0 : i32
    %dma_start3A_237 = tpu.memref_slice %arg25[%dma_start3A_230, %dma_start3A_236] : memref<16x32xf32, #tpu.memory_space<vmem>> -> memref<1x32xf32, #tpu.memory_space<vmem>>
    %dma_start3A_238 = tpu.memref_squeeze %dma_start3A_237 : memref<1x32xf32, #tpu.memory_space<vmem>> -> memref<32xf32, #tpu.memory_space<vmem>>
    %dma_start3A_239 = tpu.memref_slice %arg26[%dma_start3A_229, %mul3A_228] : memref<16x512xf32, #tpu.memory_space<vmem_shared>> -> memref<1x32xf32, #tpu.memory_space<vmem_shared>>
    %dma_start3A_240 = tpu.memref_squeeze %dma_start3A_239 : memref<1x32xf32, #tpu.memory_space<vmem_shared>> -> memref<32xf32, #tpu.memory_space<vmem_shared>>
    tpu.enqueue_dma source(%dma_start3A_240 : memref<32xf32, #tpu.memory_space<vmem_shared>>) target(%dma_start3A_238 : memref<32xf32, #tpu.memory_space<vmem>>) target_semaphore(%arg29 : memref<!tpu.dma_semaphore, #tpu.memory_space<semaphore_mem>>)
    %mul3A_241 = arith.constant 32 : i32
    %mul3A_242 = arith.muli %mul3A_241, %arg1 : i32
    %dma_start3A_243 = arith.constant 8 : i32
    %dma_start3A_244 = arith.constant 8 : i32
    %dma_start3A_245 = arith.constant 0 : i32
    %dma_start3A_246 = tpu.memref_slice %arg25[%dma_start3A_244, %dma_start3A_245] : memref<16x32xf32, #tpu.memory_space<vmem>> -> memref<1x32xf32, #tpu.memory_space<vmem>>
    %dma_start3A_247 = tpu.memref_squeeze %dma_start3A_246 : memref<1x32xf32, #tpu.memory_space<vmem>> -> memref<32xf32, #tpu.memory_space<vmem>>
    %dma_start3A_248 = tpu.memref_slice %arg26[%dma_start3A_243, %mul3A_242] : memref<16x512xf32, #tpu.memory_space<vmem_shared>> -> memref<1x32xf32, #tpu.memory_space<vmem_shared>>
    %dma_start3A_249 = tpu.memref_squeeze %dma_start3A_248 : memref<1x32xf32, #tpu.memory_space<vmem_shared>> -> memref<32xf32, #tpu.memory_space<vmem_shared>>
    %dma_start3A_250 = arith.constant 0 : i32
    %dma_start3A_251 = tpu.memref_slice %arg25[%dma_start3A_244, %dma_start3A_250] : memref<16x32xf32, #tpu.memory_space<vmem>> -> memref<1x32xf32, #tpu.memory_space<vmem>>
    %dma_start3A_252 = tpu.memref_squeeze %dma_start3A_251 : memref<1x32xf32, #tpu.memory_space<vmem>> -> memref<32xf32, #tpu.memory_space<vmem>>
    %dma_start3A_253 = tpu.memref_slice %arg26[%dma_start3A_243, %mul3A_242] : memref<16x512xf32, #tpu.memory_space<vmem_shared>> -> memref<1x32xf32, #tpu.memory_space<vmem_shared>>
    %dma_start3A_254 = tpu.memref_squeeze %dma_start3A_253 : memref<1x32xf32, #tpu.memory_space<vmem_shared>> -> memref<32xf32, #tpu.memory_space<vmem_shared>>
    tpu.enqueue_dma source(%dma_start3A_254 : memref<32xf32, #tpu.memory_space<vmem_shared>>) target(%dma_start3A_252 : memref<32xf32, #tpu.memory_space<vmem>>) target_semaphore(%arg29 : memref<!tpu.dma_semaphore, #tpu.memory_space<semaphore_mem>>)
    %mul3A_255 = arith.constant 32 : i32
    %mul3A_256 = arith.muli %mul3A_255, %arg1 : i32
    %dma_start3A_257 = arith.constant 9 : i32
    %dma_start3A_258 = arith.constant 9 : i32
    %dma_start3A_259 = arith.constant 0 : i32
    %dma_start3A_260 = tpu.memref_slice %arg25[%dma_start3A_258, %dma_start3A_259] : memref<16x32xf32, #tpu.memory_space<vmem>> -> memref<1x32xf32, #tpu.memory_space<vmem>>
    %dma_start3A_261 = tpu.memref_squeeze %dma_start3A_260 : memref<1x32xf32, #tpu.memory_space<vmem>> -> memref<32xf32, #tpu.memory_space<vmem>>
    %dma_start3A_262 = tpu.memref_slice %arg26[%dma_start3A_257, %mul3A_256] : memref<16x512xf32, #tpu.memory_space<vmem_shared>> -> memref<1x32xf32, #tpu.memory_space<vmem_shared>>
    %dma_start3A_263 = tpu.memref_squeeze %dma_start3A_262 : memref<1x32xf32, #tpu.memory_space<vmem_shared>> -> memref<32xf32, #tpu.memory_space<vmem_shared>>
    %dma_start3A_264 = arith.constant 0 : i32
    %dma_start3A_265 = tpu.memref_slice %arg25[%dma_start3A_258, %dma_start3A_264] : memref<16x32xf32, #tpu.memory_space<vmem>> -> memref<1x32xf32, #tpu.memory_space<vmem>>
    %dma_start3A_266 = tpu.memref_squeeze %dma_start3A_265 : memref<1x32xf32, #tpu.memory_space<vmem>> -> memref<32xf32, #tpu.memory_space<vmem>>
    %dma_start3A_267 = tpu.memref_slice %arg26[%dma_start3A_257, %mul3A_256] : memref<16x512xf32, #tpu.memory_space<vmem_shared>> -> memref<1x32xf32, #tpu.memory_space<vmem_shared>>
    %dma_start3A_268 = tpu.memref_squeeze %dma_start3A_267 : memref<1x32xf32, #tpu.memory_space<vmem_shared>> -> memref<32xf32, #tpu.memory_space<vmem_shared>>
    tpu.enqueue_dma source(%dma_start3A_268 : memref<32xf32, #tpu.memory_space<vmem_shared>>) target(%dma_start3A_266 : memref<32xf32, #tpu.memory_space<vmem>>) target_semaphore(%arg29 : memref<!tpu.dma_semaphore, #tpu.memory_space<semaphore_mem>>)
    %mul3A_269 = arith.constant 32 : i32
    %mul3A_270 = arith.muli %mul3A_269, %arg1 : i32
    %dma_start3A_271 = arith.constant 10 : i32
    %dma_start3A_272 = arith.constant 10 : i32
    %dma_start3A_273 = arith.constant 0 : i32
    %dma_start3A_274 = tpu.memref_slice %arg25[%dma_start3A_272, %dma_start3A_273] : memref<16x32xf32, #tpu.memory_space<vmem>> -> memref<1x32xf32, #tpu.memory_space<vmem>>
    %dma_start3A_275 = tpu.memref_squeeze %dma_start3A_274 : memref<1x32xf32, #tpu.memory_space<vmem>> -> memref<32xf32, #tpu.memory_space<vmem>>
    %dma_start3A_276 = tpu.memref_slice %arg26[%dma_start3A_271, %mul3A_270] : memref<16x512xf32, #tpu.memory_space<vmem_shared>> -> memref<1x32xf32, #tpu.memory_space<vmem_shared>>
    %dma_start3A_277 = tpu.memref_squeeze %dma_start3A_276 : memref<1x32xf32, #tpu.memory_space<vmem_shared>> -> memref<32xf32, #tpu.memory_space<vmem_shared>>
    %dma_start3A_278 = arith.constant 0 : i32
    %dma_start3A_279 = tpu.memref_slice %arg25[%dma_start3A_272, %dma_start3A_278] : memref<16x32xf32, #tpu.memory_space<vmem>> -> memref<1x32xf32, #tpu.memory_space<vmem>>
    %dma_start3A_280 = tpu.memref_squeeze %dma_start3A_279 : memref<1x32xf32, #tpu.memory_space<vmem>> -> memref<32xf32, #tpu.memory_space<vmem>>
    %dma_start3A_281 = tpu.memref_slice %arg26[%dma_start3A_271, %mul3A_270] : memref<16x512xf32, #tpu.memory_space<vmem_shared>> -> memref<1x32xf32, #tpu.memory_space<vmem_shared>>
    %dma_start3A_282 = tpu.memref_squeeze %dma_start3A_281 : memref<1x32xf32, #tpu.memory_space<vmem_shared>> -> memref<32xf32, #tpu.memory_space<vmem_shared>>
    tpu.enqueue_dma source(%dma_start3A_282 : memref<32xf32, #tpu.memory_space<vmem_shared>>) target(%dma_start3A_280 : memref<32xf32, #tpu.memory_space<vmem>>) target_semaphore(%arg29 : memref<!tpu.dma_semaphore, #tpu.memory_space<semaphore_mem>>)
    %mul3A_283 = arith.constant 32 : i32
    %mul3A_284 = arith.muli %mul3A_283, %arg1 : i32
    %dma_start3A_285 = arith.constant 11 : i32
    %dma_start3A_286 = arith.constant 11 : i32
    %dma_start3A_287 = arith.constant 0 : i32
    %dma_start3A_288 = tpu.memref_slice %arg25[%dma_start3A_286, %dma_start3A_287] : memref<16x32xf32, #tpu.memory_space<vmem>> -> memref<1x32xf32, #tpu.memory_space<vmem>>
    %dma_start3A_289 = tpu.memref_squeeze %dma_start3A_288 : memref<1x32xf32, #tpu.memory_space<vmem>> -> memref<32xf32, #tpu.memory_space<vmem>>
    %dma_start3A_290 = tpu.memref_slice %arg26[%dma_start3A_285, %mul3A_284] : memref<16x512xf32, #tpu.memory_space<vmem_shared>> -> memref<1x32xf32, #tpu.memory_space<vmem_shared>>
    %dma_start3A_291 = tpu.memref_squeeze %dma_start3A_290 : memref<1x32xf32, #tpu.memory_space<vmem_shared>> -> memref<32xf32, #tpu.memory_space<vmem_shared>>
    %dma_start3A_292 = arith.constant 0 : i32
    %dma_start3A_293 = tpu.memref_slice %arg25[%dma_start3A_286, %dma_start3A_292] : memref<16x32xf32, #tpu.memory_space<vmem>> -> memref<1x32xf32, #tpu.memory_space<vmem>>
    %dma_start3A_294 = tpu.memref_squeeze %dma_start3A_293 : memref<1x32xf32, #tpu.memory_space<vmem>> -> memref<32xf32, #tpu.memory_space<vmem>>
    %dma_start3A_295 = tpu.memref_slice %arg26[%dma_start3A_285, %mul3A_284] : memref<16x512xf32, #tpu.memory_space<vmem_shared>> -> memref<1x32xf32, #tpu.memory_space<vmem_shared>>
    %dma_start3A_296 = tpu.memref_squeeze %dma_start3A_295 : memref<1x32xf32, #tpu.memory_space<vmem_shared>> -> memref<32xf32, #tpu.memory_space<vmem_shared>>
    tpu.enqueue_dma source(%dma_start3A_296 : memref<32xf32, #tpu.memory_space<vmem_shared>>) target(%dma_start3A_294 : memref<32xf32, #tpu.memory_space<vmem>>) target_semaphore(%arg29 : memref<!tpu.dma_semaphore, #tpu.memory_space<semaphore_mem>>)
    %mul3A_297 = arith.constant 32 : i32
    %mul3A_298 = arith.muli %mul3A_297, %arg1 : i32
    %dma_start3A_299 = arith.constant 12 : i32
    %dma_start3A_300 = arith.constant 12 : i32
    %dma_start3A_301 = arith.constant 0 : i32
    %dma_start3A_302 = tpu.memref_slice %arg25[%dma_start3A_300, %dma_start3A_301] : memref<16x32xf32, #tpu.memory_space<vmem>> -> memref<1x32xf32, #tpu.memory_space<vmem>>
    %dma_start3A_303 = tpu.memref_squeeze %dma_start3A_302 : memref<1x32xf32, #tpu.memory_space<vmem>> -> memref<32xf32, #tpu.memory_space<vmem>>
    %dma_start3A_304 = tpu.memref_slice %arg26[%dma_start3A_299, %mul3A_298] : memref<16x512xf32, #tpu.memory_space<vmem_shared>> -> memref<1x32xf32, #tpu.memory_space<vmem_shared>>
    %dma_start3A_305 = tpu.memref_squeeze %dma_start3A_304 : memref<1x32xf32, #tpu.memory_space<vmem_shared>> -> memref<32xf32, #tpu.memory_space<vmem_shared>>
    %dma_start3A_306 = arith.constant 0 : i32
    %dma_start3A_307 = tpu.memref_slice %arg25[%dma_start3A_300, %dma_start3A_306] : memref<16x32xf32, #tpu.memory_space<vmem>> -> memref<1x32xf32, #tpu.memory_space<vmem>>
    %dma_start3A_308 = tpu.memref_squeeze %dma_start3A_307 : memref<1x32xf32, #tpu.memory_space<vmem>> -> memref<32xf32, #tpu.memory_space<vmem>>
    %dma_start3A_309 = tpu.memref_slice %arg26[%dma_start3A_299, %mul3A_298] : memref<16x512xf32, #tpu.memory_space<vmem_shared>> -> memref<1x32xf32, #tpu.memory_space<vmem_shared>>
    %dma_start3A_310 = tpu.memref_squeeze %dma_start3A_309 : memref<1x32xf32, #tpu.memory_space<vmem_shared>> -> memref<32xf32, #tpu.memory_space<vmem_shared>>
    tpu.enqueue_dma source(%dma_start3A_310 : memref<32xf32, #tpu.memory_space<vmem_shared>>) target(%dma_start3A_308 : memref<32xf32, #tpu.memory_space<vmem>>) target_semaphore(%arg29 : memref<!tpu.dma_semaphore, #tpu.memory_space<semaphore_mem>>)
    %mul3A_311 = arith.constant 32 : i32
    %mul3A_312 = arith.muli %mul3A_311, %arg1 : i32
    %dma_start3A_313 = arith.constant 13 : i32
    %dma_start3A_314 = arith.constant 13 : i32
    %dma_start3A_315 = arith.constant 0 : i32
    %dma_start3A_316 = tpu.memref_slice %arg25[%dma_start3A_314, %dma_start3A_315] : memref<16x32xf32, #tpu.memory_space<vmem>> -> memref<1x32xf32, #tpu.memory_space<vmem>>
    %dma_start3A_317 = tpu.memref_squeeze %dma_start3A_316 : memref<1x32xf32, #tpu.memory_space<vmem>> -> memref<32xf32, #tpu.memory_space<vmem>>
    %dma_start3A_318 = tpu.memref_slice %arg26[%dma_start3A_313, %mul3A_312] : memref<16x512xf32, #tpu.memory_space<vmem_shared>> -> memref<1x32xf32, #tpu.memory_space<vmem_shared>>
    %dma_start3A_319 = tpu.memref_squeeze %dma_start3A_318 : memref<1x32xf32, #tpu.memory_space<vmem_shared>> -> memref<32xf32, #tpu.memory_space<vmem_shared>>
    %dma_start3A_320 = arith.constant 0 : i32
    %dma_start3A_321 = tpu.memref_slice %arg25[%dma_start3A_314, %dma_start3A_320] : memref<16x32xf32, #tpu.memory_space<vmem>> -> memref<1x32xf32, #tpu.memory_space<vmem>>
    %dma_start3A_322 = tpu.memref_squeeze %dma_start3A_321 : memref<1x32xf32, #tpu.memory_space<vmem>> -> memref<32xf32, #tpu.memory_space<vmem>>
    %dma_start3A_323 = tpu.memref_slice %arg26[%dma_start3A_313, %mul3A_312] : memref<16x512xf32, #tpu.memory_space<vmem_shared>> -> memref<1x32xf32, #tpu.memory_space<vmem_shared>>
    %dma_start3A_324 = tpu.memref_squeeze %dma_start3A_323 : memref<1x32xf32, #tpu.memory_space<vmem_shared>> -> memref<32xf32, #tpu.memory_space<vmem_shared>>
    tpu.enqueue_dma source(%dma_start3A_324 : memref<32xf32, #tpu.memory_space<vmem_shared>>) target(%dma_start3A_322 : memref<32xf32, #tpu.memory_space<vmem>>) target_semaphore(%arg29 : memref<!tpu.dma_semaphore, #tpu.memory_space<semaphore_mem>>)
    %mul3A_325 = arith.constant 32 : i32
    %mul3A_326 = arith.muli %mul3A_325, %arg1 : i32
    %dma_start3A_327 = arith.constant 14 : i32
    %dma_start3A_328 = arith.constant 14 : i32
    %dma_start3A_329 = arith.constant 0 : i32
    %dma_start3A_330 = tpu.memref_slice %arg25[%dma_start3A_328, %dma_start3A_329] : memref<16x32xf32, #tpu.memory_space<vmem>> -> memref<1x32xf32, #tpu.memory_space<vmem>>
    %dma_start3A_331 = tpu.memref_squeeze %dma_start3A_330 : memref<1x32xf32, #tpu.memory_space<vmem>> -> memref<32xf32, #tpu.memory_space<vmem>>
    %dma_start3A_332 = tpu.memref_slice %arg26[%dma_start3A_327, %mul3A_326] : memref<16x512xf32, #tpu.memory_space<vmem_shared>> -> memref<1x32xf32, #tpu.memory_space<vmem_shared>>
    %dma_start3A_333 = tpu.memref_squeeze %dma_start3A_332 : memref<1x32xf32, #tpu.memory_space<vmem_shared>> -> memref<32xf32, #tpu.memory_space<vmem_shared>>
    %dma_start3A_334 = arith.constant 0 : i32
    %dma_start3A_335 = tpu.memref_slice %arg25[%dma_start3A_328, %dma_start3A_334] : memref<16x32xf32, #tpu.memory_space<vmem>> -> memref<1x32xf32, #tpu.memory_space<vmem>>
    %dma_start3A_336 = tpu.memref_squeeze %dma_start3A_335 : memref<1x32xf32, #tpu.memory_space<vmem>> -> memref<32xf32, #tpu.memory_space<vmem>>
    %dma_start3A_337 = tpu.memref_slice %arg26[%dma_start3A_327, %mul3A_326] : memref<16x512xf32, #tpu.memory_space<vmem_shared>> -> memref<1x32xf32, #tpu.memory_space<vmem_shared>>
    %dma_start3A_338 = tpu.memref_squeeze %dma_start3A_337 : memref<1x32xf32, #tpu.memory_space<vmem_shared>> -> memref<32xf32, #tpu.memory_space<vmem_shared>>
    tpu.enqueue_dma source(%dma_start3A_338 : memref<32xf32, #tpu.memory_space<vmem_shared>>) target(%dma_start3A_336 : memref<32xf32, #tpu.memory_space<vmem>>) target_semaphore(%arg29 : memref<!tpu.dma_semaphore, #tpu.memory_space<semaphore_mem>>)
    %mul3A_339 = arith.constant 32 : i32
    %mul3A_340 = arith.muli %mul3A_339, %arg1 : i32
    %dma_start3A_341 = arith.constant 15 : i32
    %dma_start3A_342 = arith.constant 15 : i32
    %dma_start3A_343 = arith.constant 0 : i32
    %dma_start3A_344 = tpu.memref_slice %arg25[%dma_start3A_342, %dma_start3A_343] : memref<16x32xf32, #tpu.memory_space<vmem>> -> memref<1x32xf32, #tpu.memory_space<vmem>>
    %dma_start3A_345 = tpu.memref_squeeze %dma_start3A_344 : memref<1x32xf32, #tpu.memory_space<vmem>> -> memref<32xf32, #tpu.memory_space<vmem>>
    %dma_start3A_346 = tpu.memref_slice %arg26[%dma_start3A_341, %mul3A_340] : memref<16x512xf32, #tpu.memory_space<vmem_shared>> -> memref<1x32xf32, #tpu.memory_space<vmem_shared>>
    %dma_start3A_347 = tpu.memref_squeeze %dma_start3A_346 : memref<1x32xf32, #tpu.memory_space<vmem_shared>> -> memref<32xf32, #tpu.memory_space<vmem_shared>>
    %dma_start3A_348 = arith.constant 0 : i32
    %dma_start3A_349 = tpu.memref_slice %arg25[%dma_start3A_342, %dma_start3A_348] : memref<16x32xf32, #tpu.memory_space<vmem>> -> memref<1x32xf32, #tpu.memory_space<vmem>>
    %dma_start3A_350 = tpu.memref_squeeze %dma_start3A_349 : memref<1x32xf32, #tpu.memory_space<vmem>> -> memref<32xf32, #tpu.memory_space<vmem>>
    %dma_start3A_351 = tpu.memref_slice %arg26[%dma_start3A_341, %mul3A_340] : memref<16x512xf32, #tpu.memory_space<vmem_shared>> -> memref<1x32xf32, #tpu.memory_space<vmem_shared>>
    %dma_start3A_352 = tpu.memref_squeeze %dma_start3A_351 : memref<1x32xf32, #tpu.memory_space<vmem_shared>> -> memref<32xf32, #tpu.memory_space<vmem_shared>>
    tpu.enqueue_dma source(%dma_start3A_352 : memref<32xf32, #tpu.memory_space<vmem_shared>>) target(%dma_start3A_350 : memref<32xf32, #tpu.memory_space<vmem>>) target_semaphore(%arg29 : memref<!tpu.dma_semaphore, #tpu.memory_space<semaphore_mem>>)
    %dma_wait3A_353 = arith.constant 0 : i32
    %dma_wait3A_354 = arith.constant 0 : i32
    %dma_wait3A_355 = arith.constant 0 : i32
    %dma_wait3A_356 = tpu.memref_slice %arg25[%dma_wait3A_354, %dma_wait3A_355] : memref<16x32xf32, #tpu.memory_space<vmem>> -> memref<1x32xf32, #tpu.memory_space<vmem>>
    %dma_wait3A_357 = tpu.memref_squeeze %dma_wait3A_356 : memref<1x32xf32, #tpu.memory_space<vmem>> -> memref<32xf32, #tpu.memory_space<vmem>>
    %dma_wait3A_358 = tpu.memref_slice %arg26[%dma_wait3A_353, %mul3A_130] : memref<16x512xf32, #tpu.memory_space<vmem_shared>> -> memref<1x32xf32, #tpu.memory_space<vmem_shared>>
    %dma_wait3A_359 = tpu.memref_squeeze %dma_wait3A_358 : memref<1x32xf32, #tpu.memory_space<vmem_shared>> -> memref<32xf32, #tpu.memory_space<vmem_shared>>
    %dma_wait3A_360 = arith.constant 0 : i32
    %dma_wait3A_361 = tpu.memref_slice %arg25[%dma_wait3A_354, %dma_wait3A_360] : memref<16x32xf32, #tpu.memory_space<vmem>> -> memref<1x32xf32, #tpu.memory_space<vmem>>
    %dma_wait3A_362 = tpu.memref_squeeze %dma_wait3A_361 : memref<1x32xf32, #tpu.memory_space<vmem>> -> memref<32xf32, #tpu.memory_space<vmem>>
    %dma_wait3A_363 = tpu.memref_slice %arg26[%dma_wait3A_353, %mul3A_130] : memref<16x512xf32, #tpu.memory_space<vmem_shared>> -> memref<1x32xf32, #tpu.memory_space<vmem_shared>>
    %dma_wait3A_364 = tpu.memref_squeeze %dma_wait3A_363 : memref<1x32xf32, #tpu.memory_space<vmem_shared>> -> memref<32xf32, #tpu.memory_space<vmem_shared>>
    tpu.wait_dma2 semaphore(%arg29 : memref<!tpu.dma_semaphore, #tpu.memory_space<semaphore_mem>>) src(%dma_wait3A_364 : memref<32xf32, #tpu.memory_space<vmem_shared>>) dst(%dma_wait3A_362 : memref<32xf32, #tpu.memory_space<vmem>>)
    %dma_wait3A_365 = arith.constant 1 : i32
    %dma_wait3A_366 = arith.constant 1 : i32
    %dma_wait3A_367 = arith.constant 0 : i32
    %dma_wait3A_368 = tpu.memref_slice %arg25[%dma_wait3A_366, %dma_wait3A_367] : memref<16x32xf32, #tpu.memory_space<vmem>> -> memref<1x32xf32, #tpu.memory_space<vmem>>
    %dma_wait3A_369 = tpu.memref_squeeze %dma_wait3A_368 : memref<1x32xf32, #tpu.memory_space<vmem>> -> memref<32xf32, #tpu.memory_space<vmem>>
    %dma_wait3A_370 = tpu.memref_slice %arg26[%dma_wait3A_365, %mul3A_144] : memref<16x512xf32, #tpu.memory_space<vmem_shared>> -> memref<1x32xf32, #tpu.memory_space<vmem_shared>>
    %dma_wait3A_371 = tpu.memref_squeeze %dma_wait3A_370 : memref<1x32xf32, #tpu.memory_space<vmem_shared>> -> memref<32xf32, #tpu.memory_space<vmem_shared>>
    %dma_wait3A_372 = arith.constant 0 : i32
    %dma_wait3A_373 = tpu.memref_slice %arg25[%dma_wait3A_366, %dma_wait3A_372] : memref<16x32xf32, #tpu.memory_space<vmem>> -> memref<1x32xf32, #tpu.memory_space<vmem>>
    %dma_wait3A_374 = tpu.memref_squeeze %dma_wait3A_373 : memref<1x32xf32, #tpu.memory_space<vmem>> -> memref<32xf32, #tpu.memory_space<vmem>>
    %dma_wait3A_375 = tpu.memref_slice %arg26[%dma_wait3A_365, %mul3A_144] : memref<16x512xf32, #tpu.memory_space<vmem_shared>> -> memref<1x32xf32, #tpu.memory_space<vmem_shared>>
    %dma_wait3A_376 = tpu.memref_squeeze %dma_wait3A_375 : memref<1x32xf32, #tpu.memory_space<vmem_shared>> -> memref<32xf32, #tpu.memory_space<vmem_shared>>
    tpu.wait_dma2 semaphore(%arg29 : memref<!tpu.dma_semaphore, #tpu.memory_space<semaphore_mem>>) src(%dma_wait3A_376 : memref<32xf32, #tpu.memory_space<vmem_shared>>) dst(%dma_wait3A_374 : memref<32xf32, #tpu.memory_space<vmem>>)
    %dma_wait3A_377 = arith.constant 2 : i32
    %dma_wait3A_378 = arith.constant 2 : i32
    %dma_wait3A_379 = arith.constant 0 : i32
    %dma_wait3A_380 = tpu.memref_slice %arg25[%dma_wait3A_378, %dma_wait3A_379] : memref<16x32xf32, #tpu.memory_space<vmem>> -> memref<1x32xf32, #tpu.memory_space<vmem>>
    %dma_wait3A_381 = tpu.memref_squeeze %dma_wait3A_380 : memref<1x32xf32, #tpu.memory_space<vmem>> -> memref<32xf32, #tpu.memory_space<vmem>>
    %dma_wait3A_382 = tpu.memref_slice %arg26[%dma_wait3A_377, %mul3A_158] : memref<16x512xf32, #tpu.memory_space<vmem_shared>> -> memref<1x32xf32, #tpu.memory_space<vmem_shared>>
    %dma_wait3A_383 = tpu.memref_squeeze %dma_wait3A_382 : memref<1x32xf32, #tpu.memory_space<vmem_shared>> -> memref<32xf32, #tpu.memory_space<vmem_shared>>
    %dma_wait3A_384 = arith.constant 0 : i32
    %dma_wait3A_385 = tpu.memref_slice %arg25[%dma_wait3A_378, %dma_wait3A_384] : memref<16x32xf32, #tpu.memory_space<vmem>> -> memref<1x32xf32, #tpu.memory_space<vmem>>
    %dma_wait3A_386 = tpu.memref_squeeze %dma_wait3A_385 : memref<1x32xf32, #tpu.memory_space<vmem>> -> memref<32xf32, #tpu.memory_space<vmem>>
    %dma_wait3A_387 = tpu.memref_slice %arg26[%dma_wait3A_377, %mul3A_158] : memref<16x512xf32, #tpu.memory_space<vmem_shared>> -> memref<1x32xf32, #tpu.memory_space<vmem_shared>>
    %dma_wait3A_388 = tpu.memref_squeeze %dma_wait3A_387 : memref<1x32xf32, #tpu.memory_space<vmem_shared>> -> memref<32xf32, #tpu.memory_space<vmem_shared>>
    tpu.wait_dma2 semaphore(%arg29 : memref<!tpu.dma_semaphore, #tpu.memory_space<semaphore_mem>>) src(%dma_wait3A_388 : memref<32xf32, #tpu.memory_space<vmem_shared>>) dst(%dma_wait3A_386 : memref<32xf32, #tpu.memory_space<vmem>>)
    %dma_wait3A_389 = arith.constant 3 : i32
    %dma_wait3A_390 = arith.constant 3 : i32
    %dma_wait3A_391 = arith.constant 0 : i32
    %dma_wait3A_392 = tpu.memref_slice %arg25[%dma_wait3A_390, %dma_wait3A_391] : memref<16x32xf32, #tpu.memory_space<vmem>> -> memref<1x32xf32, #tpu.memory_space<vmem>>
    %dma_wait3A_393 = tpu.memref_squeeze %dma_wait3A_392 : memref<1x32xf32, #tpu.memory_space<vmem>> -> memref<32xf32, #tpu.memory_space<vmem>>
    %dma_wait3A_394 = tpu.memref_slice %arg26[%dma_wait3A_389, %mul3A_172] : memref<16x512xf32, #tpu.memory_space<vmem_shared>> -> memref<1x32xf32, #tpu.memory_space<vmem_shared>>
    %dma_wait3A_395 = tpu.memref_squeeze %dma_wait3A_394 : memref<1x32xf32, #tpu.memory_space<vmem_shared>> -> memref<32xf32, #tpu.memory_space<vmem_shared>>
    %dma_wait3A_396 = arith.constant 0 : i32
    %dma_wait3A_397 = tpu.memref_slice %arg25[%dma_wait3A_390, %dma_wait3A_396] : memref<16x32xf32, #tpu.memory_space<vmem>> -> memref<1x32xf32, #tpu.memory_space<vmem>>
    %dma_wait3A_398 = tpu.memref_squeeze %dma_wait3A_397 : memref<1x32xf32, #tpu.memory_space<vmem>> -> memref<32xf32, #tpu.memory_space<vmem>>
    %dma_wait3A_399 = tpu.memref_slice %arg26[%dma_wait3A_389, %mul3A_172] : memref<16x512xf32, #tpu.memory_space<vmem_shared>> -> memref<1x32xf32, #tpu.memory_space<vmem_shared>>
    %dma_wait3A_400 = tpu.memref_squeeze %dma_wait3A_399 : memref<1x32xf32, #tpu.memory_space<vmem_shared>> -> memref<32xf32, #tpu.memory_space<vmem_shared>>
    tpu.wait_dma2 semaphore(%arg29 : memref<!tpu.dma_semaphore, #tpu.memory_space<semaphore_mem>>) src(%dma_wait3A_400 : memref<32xf32, #tpu.memory_space<vmem_shared>>) dst(%dma_wait3A_398 : memref<32xf32, #tpu.memory_space<vmem>>)
    %dma_wait3A_401 = arith.constant 4 : i32
    %dma_wait3A_402 = arith.constant 4 : i32
    %dma_wait3A_403 = arith.constant 0 : i32
    %dma_wait3A_404 = tpu.memref_slice %arg25[%dma_wait3A_402, %dma_wait3A_403] : memref<16x32xf32, #tpu.memory_space<vmem>> -> memref<1x32xf32, #tpu.memory_space<vmem>>
    %dma_wait3A_405 = tpu.memref_squeeze %dma_wait3A_404 : memref<1x32xf32, #tpu.memory_space<vmem>> -> memref<32xf32, #tpu.memory_space<vmem>>
    %dma_wait3A_406 = tpu.memref_slice %arg26[%dma_wait3A_401, %mul3A_186] : memref<16x512xf32, #tpu.memory_space<vmem_shared>> -> memref<1x32xf32, #tpu.memory_space<vmem_shared>>
    %dma_wait3A_407 = tpu.memref_squeeze %dma_wait3A_406 : memref<1x32xf32, #tpu.memory_space<vmem_shared>> -> memref<32xf32, #tpu.memory_space<vmem_shared>>
    %dma_wait3A_408 = arith.constant 0 : i32
    %dma_wait3A_409 = tpu.memref_slice %arg25[%dma_wait3A_402, %dma_wait3A_408] : memref<16x32xf32, #tpu.memory_space<vmem>> -> memref<1x32xf32, #tpu.memory_space<vmem>>
    %dma_wait3A_410 = tpu.memref_squeeze %dma_wait3A_409 : memref<1x32xf32, #tpu.memory_space<vmem>> -> memref<32xf32, #tpu.memory_space<vmem>>
    %dma_wait3A_411 = tpu.memref_slice %arg26[%dma_wait3A_401, %mul3A_186] : memref<16x512xf32, #tpu.memory_space<vmem_shared>> -> memref<1x32xf32, #tpu.memory_space<vmem_shared>>
    %dma_wait3A_412 = tpu.memref_squeeze %dma_wait3A_411 : memref<1x32xf32, #tpu.memory_space<vmem_shared>> -> memref<32xf32, #tpu.memory_space<vmem_shared>>
    tpu.wait_dma2 semaphore(%arg29 : memref<!tpu.dma_semaphore, #tpu.memory_space<semaphore_mem>>) src(%dma_wait3A_412 : memref<32xf32, #tpu.memory_space<vmem_shared>>) dst(%dma_wait3A_410 : memref<32xf32, #tpu.memory_space<vmem>>)
    %dma_wait3A_413 = arith.constant 5 : i32
    %dma_wait3A_414 = arith.constant 5 : i32
    %dma_wait3A_415 = arith.constant 0 : i32
    %dma_wait3A_416 = tpu.memref_slice %arg25[%dma_wait3A_414, %dma_wait3A_415] : memref<16x32xf32, #tpu.memory_space<vmem>> -> memref<1x32xf32, #tpu.memory_space<vmem>>
    %dma_wait3A_417 = tpu.memref_squeeze %dma_wait3A_416 : memref<1x32xf32, #tpu.memory_space<vmem>> -> memref<32xf32, #tpu.memory_space<vmem>>
    %dma_wait3A_418 = tpu.memref_slice %arg26[%dma_wait3A_413, %mul3A_200] : memref<16x512xf32, #tpu.memory_space<vmem_shared>> -> memref<1x32xf32, #tpu.memory_space<vmem_shared>>
    %dma_wait3A_419 = tpu.memref_squeeze %dma_wait3A_418 : memref<1x32xf32, #tpu.memory_space<vmem_shared>> -> memref<32xf32, #tpu.memory_space<vmem_shared>>
    %dma_wait3A_420 = arith.constant 0 : i32
    %dma_wait3A_421 = tpu.memref_slice %arg25[%dma_wait3A_414, %dma_wait3A_420] : memref<16x32xf32, #tpu.memory_space<vmem>> -> memref<1x32xf32, #tpu.memory_space<vmem>>
    %dma_wait3A_422 = tpu.memref_squeeze %dma_wait3A_421 : memref<1x32xf32, #tpu.memory_space<vmem>> -> memref<32xf32, #tpu.memory_space<vmem>>
    %dma_wait3A_423 = tpu.memref_slice %arg26[%dma_wait3A_413, %mul3A_200] : memref<16x512xf32, #tpu.memory_space<vmem_shared>> -> memref<1x32xf32, #tpu.memory_space<vmem_shared>>
    %dma_wait3A_424 = tpu.memref_squeeze %dma_wait3A_423 : memref<1x32xf32, #tpu.memory_space<vmem_shared>> -> memref<32xf32, #tpu.memory_space<vmem_shared>>
    tpu.wait_dma2 semaphore(%arg29 : memref<!tpu.dma_semaphore, #tpu.memory_space<semaphore_mem>>) src(%dma_wait3A_424 : memref<32xf32, #tpu.memory_space<vmem_shared>>) dst(%dma_wait3A_422 : memref<32xf32, #tpu.memory_space<vmem>>)
    %dma_wait3A_425 = arith.constant 6 : i32
    %dma_wait3A_426 = arith.constant 6 : i32
    %dma_wait3A_427 = arith.constant 0 : i32
    %dma_wait3A_428 = tpu.memref_slice %arg25[%dma_wait3A_426, %dma_wait3A_427] : memref<16x32xf32, #tpu.memory_space<vmem>> -> memref<1x32xf32, #tpu.memory_space<vmem>>
    %dma_wait3A_429 = tpu.memref_squeeze %dma_wait3A_428 : memref<1x32xf32, #tpu.memory_space<vmem>> -> memref<32xf32, #tpu.memory_space<vmem>>
    %dma_wait3A_430 = tpu.memref_slice %arg26[%dma_wait3A_425, %mul3A_214] : memref<16x512xf32, #tpu.memory_space<vmem_shared>> -> memref<1x32xf32, #tpu.memory_space<vmem_shared>>
    %dma_wait3A_431 = tpu.memref_squeeze %dma_wait3A_430 : memref<1x32xf32, #tpu.memory_space<vmem_shared>> -> memref<32xf32, #tpu.memory_space<vmem_shared>>
    %dma_wait3A_432 = arith.constant 0 : i32
    %dma_wait3A_433 = tpu.memref_slice %arg25[%dma_wait3A_426, %dma_wait3A_432] : memref<16x32xf32, #tpu.memory_space<vmem>> -> memref<1x32xf32, #tpu.memory_space<vmem>>
    %dma_wait3A_434 = tpu.memref_squeeze %dma_wait3A_433 : memref<1x32xf32, #tpu.memory_space<vmem>> -> memref<32xf32, #tpu.memory_space<vmem>>
    %dma_wait3A_435 = tpu.memref_slice %arg26[%dma_wait3A_425, %mul3A_214] : memref<16x512xf32, #tpu.memory_space<vmem_shared>> -> memref<1x32xf32, #tpu.memory_space<vmem_shared>>
    %dma_wait3A_436 = tpu.memref_squeeze %dma_wait3A_435 : memref<1x32xf32, #tpu.memory_space<vmem_shared>> -> memref<32xf32, #tpu.memory_space<vmem_shared>>
    tpu.wait_dma2 semaphore(%arg29 : memref<!tpu.dma_semaphore, #tpu.memory_space<semaphore_mem>>) src(%dma_wait3A_436 : memref<32xf32, #tpu.memory_space<vmem_shared>>) dst(%dma_wait3A_434 : memref<32xf32, #tpu.memory_space<vmem>>)
    %dma_wait3A_437 = arith.constant 7 : i32
    %dma_wait3A_438 = arith.constant 7 : i32
    %dma_wait3A_439 = arith.constant 0 : i32
    %dma_wait3A_440 = tpu.memref_slice %arg25[%dma_wait3A_438, %dma_wait3A_439] : memref<16x32xf32, #tpu.memory_space<vmem>> -> memref<1x32xf32, #tpu.memory_space<vmem>>
    %dma_wait3A_441 = tpu.memref_squeeze %dma_wait3A_440 : memref<1x32xf32, #tpu.memory_space<vmem>> -> memref<32xf32, #tpu.memory_space<vmem>>
    %dma_wait3A_442 = tpu.memref_slice %arg26[%dma_wait3A_437, %mul3A_228] : memref<16x512xf32, #tpu.memory_space<vmem_shared>> -> memref<1x32xf32, #tpu.memory_space<vmem_shared>>
    %dma_wait3A_443 = tpu.memref_squeeze %dma_wait3A_442 : memref<1x32xf32, #tpu.memory_space<vmem_shared>> -> memref<32xf32, #tpu.memory_space<vmem_shared>>
    %dma_wait3A_444 = arith.constant 0 : i32
    %dma_wait3A_445 = tpu.memref_slice %arg25[%dma_wait3A_438, %dma_wait3A_444] : memref<16x32xf32, #tpu.memory_space<vmem>> -> memref<1x32xf32, #tpu.memory_space<vmem>>
    %dma_wait3A_446 = tpu.memref_squeeze %dma_wait3A_445 : memref<1x32xf32, #tpu.memory_space<vmem>> -> memref<32xf32, #tpu.memory_space<vmem>>
    %dma_wait3A_447 = tpu.memref_slice %arg26[%dma_wait3A_437, %mul3A_228] : memref<16x512xf32, #tpu.memory_space<vmem_shared>> -> memref<1x32xf32, #tpu.memory_space<vmem_shared>>
    %dma_wait3A_448 = tpu.memref_squeeze %dma_wait3A_447 : memref<1x32xf32, #tpu.memory_space<vmem_shared>> -> memref<32xf32, #tpu.memory_space<vmem_shared>>
    tpu.wait_dma2 semaphore(%arg29 : memref<!tpu.dma_semaphore, #tpu.memory_space<semaphore_mem>>) src(%dma_wait3A_448 : memref<32xf32, #tpu.memory_space<vmem_shared>>) dst(%dma_wait3A_446 : memref<32xf32, #tpu.memory_space<vmem>>)
    %dma_wait3A_449 = arith.constant 8 : i32
    %dma_wait3A_450 = arith.constant 8 : i32
    %dma_wait3A_451 = arith.constant 0 : i32
    %dma_wait3A_452 = tpu.memref_slice %arg25[%dma_wait3A_450, %dma_wait3A_451] : memref<16x32xf32, #tpu.memory_space<vmem>> -> memref<1x32xf32, #tpu.memory_space<vmem>>
    %dma_wait3A_453 = tpu.memref_squeeze %dma_wait3A_452 : memref<1x32xf32, #tpu.memory_space<vmem>> -> memref<32xf32, #tpu.memory_space<vmem>>
    %dma_wait3A_454 = tpu.memref_slice %arg26[%dma_wait3A_449, %mul3A_242] : memref<16x512xf32, #tpu.memory_space<vmem_shared>> -> memref<1x32xf32, #tpu.memory_space<vmem_shared>>
    %dma_wait3A_455 = tpu.memref_squeeze %dma_wait3A_454 : memref<1x32xf32, #tpu.memory_space<vmem_shared>> -> memref<32xf32, #tpu.memory_space<vmem_shared>>
    %dma_wait3A_456 = arith.constant 0 : i32
    %dma_wait3A_457 = tpu.memref_slice %arg25[%dma_wait3A_450, %dma_wait3A_456] : memref<16x32xf32, #tpu.memory_space<vmem>> -> memref<1x32xf32, #tpu.memory_space<vmem>>
    %dma_wait3A_458 = tpu.memref_squeeze %dma_wait3A_457 : memref<1x32xf32, #tpu.memory_space<vmem>> -> memref<32xf32, #tpu.memory_space<vmem>>
    %dma_wait3A_459 = tpu.memref_slice %arg26[%dma_wait3A_449, %mul3A_242] : memref<16x512xf32, #tpu.memory_space<vmem_shared>> -> memref<1x32xf32, #tpu.memory_space<vmem_shared>>
    %dma_wait3A_460 = tpu.memref_squeeze %dma_wait3A_459 : memref<1x32xf32, #tpu.memory_space<vmem_shared>> -> memref<32xf32, #tpu.memory_space<vmem_shared>>
    tpu.wait_dma2 semaphore(%arg29 : memref<!tpu.dma_semaphore, #tpu.memory_space<semaphore_mem>>) src(%dma_wait3A_460 : memref<32xf32, #tpu.memory_space<vmem_shared>>) dst(%dma_wait3A_458 : memref<32xf32, #tpu.memory_space<vmem>>)
    %dma_wait3A_461 = arith.constant 9 : i32
    %dma_wait3A_462 = arith.constant 9 : i32
    %dma_wait3A_463 = arith.constant 0 : i32
    %dma_wait3A_464 = tpu.memref_slice %arg25[%dma_wait3A_462, %dma_wait3A_463] : memref<16x32xf32, #tpu.memory_space<vmem>> -> memref<1x32xf32, #tpu.memory_space<vmem>>
    %dma_wait3A_465 = tpu.memref_squeeze %dma_wait3A_464 : memref<1x32xf32, #tpu.memory_space<vmem>> -> memref<32xf32, #tpu.memory_space<vmem>>
    %dma_wait3A_466 = tpu.memref_slice %arg26[%dma_wait3A_461, %mul3A_256] : memref<16x512xf32, #tpu.memory_space<vmem_shared>> -> memref<1x32xf32, #tpu.memory_space<vmem_shared>>
    %dma_wait3A_467 = tpu.memref_squeeze %dma_wait3A_466 : memref<1x32xf32, #tpu.memory_space<vmem_shared>> -> memref<32xf32, #tpu.memory_space<vmem_shared>>
    %dma_wait3A_468 = arith.constant 0 : i32
    %dma_wait3A_469 = tpu.memref_slice %arg25[%dma_wait3A_462, %dma_wait3A_468] : memref<16x32xf32, #tpu.memory_space<vmem>> -> memref<1x32xf32, #tpu.memory_space<vmem>>
    %dma_wait3A_470 = tpu.memref_squeeze %dma_wait3A_469 : memref<1x32xf32, #tpu.memory_space<vmem>> -> memref<32xf32, #tpu.memory_space<vmem>>
    %dma_wait3A_471 = tpu.memref_slice %arg26[%dma_wait3A_461, %mul3A_256] : memref<16x512xf32, #tpu.memory_space<vmem_shared>> -> memref<1x32xf32, #tpu.memory_space<vmem_shared>>
    %dma_wait3A_472 = tpu.memref_squeeze %dma_wait3A_471 : memref<1x32xf32, #tpu.memory_space<vmem_shared>> -> memref<32xf32, #tpu.memory_space<vmem_shared>>
    tpu.wait_dma2 semaphore(%arg29 : memref<!tpu.dma_semaphore, #tpu.memory_space<semaphore_mem>>) src(%dma_wait3A_472 : memref<32xf32, #tpu.memory_space<vmem_shared>>) dst(%dma_wait3A_470 : memref<32xf32, #tpu.memory_space<vmem>>)
    %dma_wait3A_473 = arith.constant 10 : i32
    %dma_wait3A_474 = arith.constant 10 : i32
    %dma_wait3A_475 = arith.constant 0 : i32
    %dma_wait3A_476 = tpu.memref_slice %arg25[%dma_wait3A_474, %dma_wait3A_475] : memref<16x32xf32, #tpu.memory_space<vmem>> -> memref<1x32xf32, #tpu.memory_space<vmem>>
    %dma_wait3A_477 = tpu.memref_squeeze %dma_wait3A_476 : memref<1x32xf32, #tpu.memory_space<vmem>> -> memref<32xf32, #tpu.memory_space<vmem>>
    %dma_wait3A_478 = tpu.memref_slice %arg26[%dma_wait3A_473, %mul3A_270] : memref<16x512xf32, #tpu.memory_space<vmem_shared>> -> memref<1x32xf32, #tpu.memory_space<vmem_shared>>
    %dma_wait3A_479 = tpu.memref_squeeze %dma_wait3A_478 : memref<1x32xf32, #tpu.memory_space<vmem_shared>> -> memref<32xf32, #tpu.memory_space<vmem_shared>>
    %dma_wait3A_480 = arith.constant 0 : i32
    %dma_wait3A_481 = tpu.memref_slice %arg25[%dma_wait3A_474, %dma_wait3A_480] : memref<16x32xf32, #tpu.memory_space<vmem>> -> memref<1x32xf32, #tpu.memory_space<vmem>>
    %dma_wait3A_482 = tpu.memref_squeeze %dma_wait3A_481 : memref<1x32xf32, #tpu.memory_space<vmem>> -> memref<32xf32, #tpu.memory_space<vmem>>
    %dma_wait3A_483 = tpu.memref_slice %arg26[%dma_wait3A_473, %mul3A_270] : memref<16x512xf32, #tpu.memory_space<vmem_shared>> -> memref<1x32xf32, #tpu.memory_space<vmem_shared>>
    %dma_wait3A_484 = tpu.memref_squeeze %dma_wait3A_483 : memref<1x32xf32, #tpu.memory_space<vmem_shared>> -> memref<32xf32, #tpu.memory_space<vmem_shared>>
    tpu.wait_dma2 semaphore(%arg29 : memref<!tpu.dma_semaphore, #tpu.memory_space<semaphore_mem>>) src(%dma_wait3A_484 : memref<32xf32, #tpu.memory_space<vmem_shared>>) dst(%dma_wait3A_482 : memref<32xf32, #tpu.memory_space<vmem>>)
    %dma_wait3A_485 = arith.constant 11 : i32
    %dma_wait3A_486 = arith.constant 11 : i32
    %dma_wait3A_487 = arith.constant 0 : i32
    %dma_wait3A_488 = tpu.memref_slice %arg25[%dma_wait3A_486, %dma_wait3A_487] : memref<16x32xf32, #tpu.memory_space<vmem>> -> memref<1x32xf32, #tpu.memory_space<vmem>>
    %dma_wait3A_489 = tpu.memref_squeeze %dma_wait3A_488 : memref<1x32xf32, #tpu.memory_space<vmem>> -> memref<32xf32, #tpu.memory_space<vmem>>
    %dma_wait3A_490 = tpu.memref_slice %arg26[%dma_wait3A_485, %mul3A_284] : memref<16x512xf32, #tpu.memory_space<vmem_shared>> -> memref<1x32xf32, #tpu.memory_space<vmem_shared>>
    %dma_wait3A_491 = tpu.memref_squeeze %dma_wait3A_490 : memref<1x32xf32, #tpu.memory_space<vmem_shared>> -> memref<32xf32, #tpu.memory_space<vmem_shared>>
    %dma_wait3A_492 = arith.constant 0 : i32
    %dma_wait3A_493 = tpu.memref_slice %arg25[%dma_wait3A_486, %dma_wait3A_492] : memref<16x32xf32, #tpu.memory_space<vmem>> -> memref<1x32xf32, #tpu.memory_space<vmem>>
    %dma_wait3A_494 = tpu.memref_squeeze %dma_wait3A_493 : memref<1x32xf32, #tpu.memory_space<vmem>> -> memref<32xf32, #tpu.memory_space<vmem>>
    %dma_wait3A_495 = tpu.memref_slice %arg26[%dma_wait3A_485, %mul3A_284] : memref<16x512xf32, #tpu.memory_space<vmem_shared>> -> memref<1x32xf32, #tpu.memory_space<vmem_shared>>
    %dma_wait3A_496 = tpu.memref_squeeze %dma_wait3A_495 : memref<1x32xf32, #tpu.memory_space<vmem_shared>> -> memref<32xf32, #tpu.memory_space<vmem_shared>>
    tpu.wait_dma2 semaphore(%arg29 : memref<!tpu.dma_semaphore, #tpu.memory_space<semaphore_mem>>) src(%dma_wait3A_496 : memref<32xf32, #tpu.memory_space<vmem_shared>>) dst(%dma_wait3A_494 : memref<32xf32, #tpu.memory_space<vmem>>)
    %dma_wait3A_497 = arith.constant 12 : i32
    %dma_wait3A_498 = arith.constant 12 : i32
    %dma_wait3A_499 = arith.constant 0 : i32
    %dma_wait3A_500 = tpu.memref_slice %arg25[%dma_wait3A_498, %dma_wait3A_499] : memref<16x32xf32, #tpu.memory_space<vmem>> -> memref<1x32xf32, #tpu.memory_space<vmem>>
    %dma_wait3A_501 = tpu.memref_squeeze %dma_wait3A_500 : memref<1x32xf32, #tpu.memory_space<vmem>> -> memref<32xf32, #tpu.memory_space<vmem>>
    %dma_wait3A_502 = tpu.memref_slice %arg26[%dma_wait3A_497, %mul3A_298] : memref<16x512xf32, #tpu.memory_space<vmem_shared>> -> memref<1x32xf32, #tpu.memory_space<vmem_shared>>
    %dma_wait3A_503 = tpu.memref_squeeze %dma_wait3A_502 : memref<1x32xf32, #tpu.memory_space<vmem_shared>> -> memref<32xf32, #tpu.memory_space<vmem_shared>>
    %dma_wait3A_504 = arith.constant 0 : i32
    %dma_wait3A_505 = tpu.memref_slice %arg25[%dma_wait3A_498, %dma_wait3A_504] : memref<16x32xf32, #tpu.memory_space<vmem>> -> memref<1x32xf32, #tpu.memory_space<vmem>>
    %dma_wait3A_506 = tpu.memref_squeeze %dma_wait3A_505 : memref<1x32xf32, #tpu.memory_space<vmem>> -> memref<32xf32, #tpu.memory_space<vmem>>
    %dma_wait3A_507 = tpu.memref_slice %arg26[%dma_wait3A_497, %mul3A_298] : memref<16x512xf32, #tpu.memory_space<vmem_shared>> -> memref<1x32xf32, #tpu.memory_space<vmem_shared>>
    %dma_wait3A_508 = tpu.memref_squeeze %dma_wait3A_507 : memref<1x32xf32, #tpu.memory_space<vmem_shared>> -> memref<32xf32, #tpu.memory_space<vmem_shared>>
    tpu.wait_dma2 semaphore(%arg29 : memref<!tpu.dma_semaphore, #tpu.memory_space<semaphore_mem>>) src(%dma_wait3A_508 : memref<32xf32, #tpu.memory_space<vmem_shared>>) dst(%dma_wait3A_506 : memref<32xf32, #tpu.memory_space<vmem>>)
    %dma_wait3A_509 = arith.constant 13 : i32
    %dma_wait3A_510 = arith.constant 13 : i32
    %dma_wait3A_511 = arith.constant 0 : i32
    %dma_wait3A_512 = tpu.memref_slice %arg25[%dma_wait3A_510, %dma_wait3A_511] : memref<16x32xf32, #tpu.memory_space<vmem>> -> memref<1x32xf32, #tpu.memory_space<vmem>>
    %dma_wait3A_513 = tpu.memref_squeeze %dma_wait3A_512 : memref<1x32xf32, #tpu.memory_space<vmem>> -> memref<32xf32, #tpu.memory_space<vmem>>
    %dma_wait3A_514 = tpu.memref_slice %arg26[%dma_wait3A_509, %mul3A_312] : memref<16x512xf32, #tpu.memory_space<vmem_shared>> -> memref<1x32xf32, #tpu.memory_space<vmem_shared>>
    %dma_wait3A_515 = tpu.memref_squeeze %dma_wait3A_514 : memref<1x32xf32, #tpu.memory_space<vmem_shared>> -> memref<32xf32, #tpu.memory_space<vmem_shared>>
    %dma_wait3A_516 = arith.constant 0 : i32
    %dma_wait3A_517 = tpu.memref_slice %arg25[%dma_wait3A_510, %dma_wait3A_516] : memref<16x32xf32, #tpu.memory_space<vmem>> -> memref<1x32xf32, #tpu.memory_space<vmem>>
    %dma_wait3A_518 = tpu.memref_squeeze %dma_wait3A_517 : memref<1x32xf32, #tpu.memory_space<vmem>> -> memref<32xf32, #tpu.memory_space<vmem>>
    %dma_wait3A_519 = tpu.memref_slice %arg26[%dma_wait3A_509, %mul3A_312] : memref<16x512xf32, #tpu.memory_space<vmem_shared>> -> memref<1x32xf32, #tpu.memory_space<vmem_shared>>
    %dma_wait3A_520 = tpu.memref_squeeze %dma_wait3A_519 : memref<1x32xf32, #tpu.memory_space<vmem_shared>> -> memref<32xf32, #tpu.memory_space<vmem_shared>>
    tpu.wait_dma2 semaphore(%arg29 : memref<!tpu.dma_semaphore, #tpu.memory_space<semaphore_mem>>) src(%dma_wait3A_520 : memref<32xf32, #tpu.memory_space<vmem_shared>>) dst(%dma_wait3A_518 : memref<32xf32, #tpu.memory_space<vmem>>)
    %dma_wait3A_521 = arith.constant 14 : i32
    %dma_wait3A_522 = arith.constant 14 : i32
    %dma_wait3A_523 = arith.constant 0 : i32
    %dma_wait3A_524 = tpu.memref_slice %arg25[%dma_wait3A_522, %dma_wait3A_523] : memref<16x32xf32, #tpu.memory_space<vmem>> -> memref<1x32xf32, #tpu.memory_space<vmem>>
    %dma_wait3A_525 = tpu.memref_squeeze %dma_wait3A_524 : memref<1x32xf32, #tpu.memory_space<vmem>> -> memref<32xf32, #tpu.memory_space<vmem>>
    %dma_wait3A_526 = tpu.memref_slice %arg26[%dma_wait3A_521, %mul3A_326] : memref<16x512xf32, #tpu.memory_space<vmem_shared>> -> memref<1x32xf32, #tpu.memory_space<vmem_shared>>
    %dma_wait3A_527 = tpu.memref_squeeze %dma_wait3A_526 : memref<1x32xf32, #tpu.memory_space<vmem_shared>> -> memref<32xf32, #tpu.memory_space<vmem_shared>>
    %dma_wait3A_528 = arith.constant 0 : i32
    %dma_wait3A_529 = tpu.memref_slice %arg25[%dma_wait3A_522, %dma_wait3A_528] : memref<16x32xf32, #tpu.memory_space<vmem>> -> memref<1x32xf32, #tpu.memory_space<vmem>>
    %dma_wait3A_530 = tpu.memref_squeeze %dma_wait3A_529 : memref<1x32xf32, #tpu.memory_space<vmem>> -> memref<32xf32, #tpu.memory_space<vmem>>
    %dma_wait3A_531 = tpu.memref_slice %arg26[%dma_wait3A_521, %mul3A_326] : memref<16x512xf32, #tpu.memory_space<vmem_shared>> -> memref<1x32xf32, #tpu.memory_space<vmem_shared>>
    %dma_wait3A_532 = tpu.memref_squeeze %dma_wait3A_531 : memref<1x32xf32, #tpu.memory_space<vmem_shared>> -> memref<32xf32, #tpu.memory_space<vmem_shared>>
    tpu.wait_dma2 semaphore(%arg29 : memref<!tpu.dma_semaphore, #tpu.memory_space<semaphore_mem>>) src(%dma_wait3A_532 : memref<32xf32, #tpu.memory_space<vmem_shared>>) dst(%dma_wait3A_530 : memref<32xf32, #tpu.memory_space<vmem>>)
    %dma_wait3A_533 = arith.constant 15 : i32
    %dma_wait3A_534 = arith.constant 15 : i32
    %dma_wait3A_535 = arith.constant 0 : i32
    %dma_wait3A_536 = tpu.memref_slice %arg25[%dma_wait3A_534, %dma_wait3A_535] : memref<16x32xf32, #tpu.memory_space<vmem>> -> memref<1x32xf32, #tpu.memory_space<vmem>>
    %dma_wait3A_537 = tpu.memref_squeeze %dma_wait3A_536 : memref<1x32xf32, #tpu.memory_space<vmem>> -> memref<32xf32, #tpu.memory_space<vmem>>
    %dma_wait3A_538 = tpu.memref_slice %arg26[%dma_wait3A_533, %mul3A_340] : memref<16x512xf32, #tpu.memory_space<vmem_shared>> -> memref<1x32xf32, #tpu.memory_space<vmem_shared>>
    %dma_wait3A_539 = tpu.memref_squeeze %dma_wait3A_538 : memref<1x32xf32, #tpu.memory_space<vmem_shared>> -> memref<32xf32, #tpu.memory_space<vmem_shared>>
    %dma_wait3A_540 = arith.constant 0 : i32
    %dma_wait3A_541 = tpu.memref_slice %arg25[%dma_wait3A_534, %dma_wait3A_540] : memref<16x32xf32, #tpu.memory_space<vmem>> -> memref<1x32xf32, #tpu.memory_space<vmem>>
    %dma_wait3A_542 = tpu.memref_squeeze %dma_wait3A_541 : memref<1x32xf32, #tpu.memory_space<vmem>> -> memref<32xf32, #tpu.memory_space<vmem>>
    %dma_wait3A_543 = tpu.memref_slice %arg26[%dma_wait3A_533, %mul3A_340] : memref<16x512xf32, #tpu.memory_space<vmem_shared>> -> memref<1x32xf32, #tpu.memory_space<vmem_shared>>
    %dma_wait3A_544 = tpu.memref_squeeze %dma_wait3A_543 : memref<1x32xf32, #tpu.memory_space<vmem_shared>> -> memref<32xf32, #tpu.memory_space<vmem_shared>>
    tpu.wait_dma2 semaphore(%arg29 : memref<!tpu.dma_semaphore, #tpu.memory_space<semaphore_mem>>) src(%dma_wait3A_544 : memref<32xf32, #tpu.memory_space<vmem_shared>>) dst(%dma_wait3A_542 : memref<32xf32, #tpu.memory_space<vmem>>)
    %get3A_545 = arith.constant 0 : index
    %get3A_546 = tpu.vector_load %arg23[%get3A_545] {strides = array<i32>} : memref<16xf32, #tpu.memory_space<vmem>>, vector<16xf32>,
    %slice3A_547 = vector.extract_strided_slice %get3A_546 {offsets = [0], sizes = [1], strides = [1]} : vector<16xf32> to vector<1xf32>
    %squeeze3A_548 = vector.extract %slice3A_547[0] : f32 from vector<1xf32>
    %eq3A = arith.constant 0 : i32
    %eq3A_549 = arith.cmpi eq, %arg0, %eq3A : i32
    %jit3A = arith.constant 1.000000e+00 : f32
    %jit3A_550 = arith.constant 0.000000e+00 : f32
    %select_n3A = arith.select %eq3A_549, %jit3A, %jit3A_550 : f32
    %mul3A_551 = arith.mulf %squeeze3A_548, %select_n3A : f32
    %add3A_552 = vector.broadcast %mul3A_551 : f32 to vector<16xf32>
    %add3A_553 = arith.addf %broadcast_in_dim3A_10, %add3A_552 : vector<16xf32>
    %get3A_554 = arith.constant 0 : i32
    %get3A_555 = arith.index_cast %get3A_554 : i32 to index
    %get3A_556 = arith.constant 0 : index
    %get3A_557 = tpu.vector_load %arg25[%get3A_555, %get3A_556] {strides = array<i32>} : memref<16x32xf32, #tpu.memory_space<vmem>>, vector<16xf32>,
    %add3A_558 = arith.addf %add3A_553, %get3A_557 : vector<16xf32>
    %get3A_559 = arith.constant 0 : i32
    %get3A_560 = arith.index_cast %get3A_559 : i32 to index
    %get3A_561 = arith.constant 16 : index
    %get3A_562 = tpu.vector_load %arg25[%get3A_560, %get3A_561] {strides = array<i32>} : memref<16x32xf32, #tpu.memory_space<vmem>>, vector<16xf32>,
    %add3A_563 = arith.addf %add3A_553, %get3A_562 : vector<16xf32>
    %get3A_564 = arith.constant 1 : i32
    %get3A_565 = arith.index_cast %get3A_564 : i32 to index
    %get3A_566 = arith.constant 0 : index
    %get3A_567 = tpu.vector_load %arg25[%get3A_565, %get3A_566] {strides = array<i32>} : memref<16x32xf32, #tpu.memory_space<vmem>>, vector<16xf32>,
    %add3A_568 = arith.addf %add3A_558, %get3A_567 : vector<16xf32>
    %get3A_569 = arith.constant 1 : i32
    %get3A_570 = arith.index_cast %get3A_569 : i32 to index
    %get3A_571 = arith.constant 16 : index
    %get3A_572 = tpu.vector_load %arg25[%get3A_570, %get3A_571] {strides = array<i32>} : memref<16x32xf32, #tpu.memory_space<vmem>>, vector<16xf32>,
    %add3A_573 = arith.addf %add3A_563, %get3A_572 : vector<16xf32>
    %get3A_574 = arith.constant 2 : i32
    %get3A_575 = arith.index_cast %get3A_574 : i32 to index
    %get3A_576 = arith.constant 0 : index
    %get3A_577 = tpu.vector_load %arg25[%get3A_575, %get3A_576] {strides = array<i32>} : memref<16x32xf32, #tpu.memory_space<vmem>>, vector<16xf32>,
    %add3A_578 = arith.addf %add3A_568, %get3A_577 : vector<16xf32>
    %get3A_579 = arith.constant 2 : i32
    %get3A_580 = arith.index_cast %get3A_579 : i32 to index
    %get3A_581 = arith.constant 16 : index
    %get3A_582 = tpu.vector_load %arg25[%get3A_580, %get3A_581] {strides = array<i32>} : memref<16x32xf32, #tpu.memory_space<vmem>>, vector<16xf32>,
    %add3A_583 = arith.addf %add3A_573, %get3A_582 : vector<16xf32>
    %get3A_584 = arith.constant 3 : i32
    %get3A_585 = arith.index_cast %get3A_584 : i32 to index
    %get3A_586 = arith.constant 0 : index
    %get3A_587 = tpu.vector_load %arg25[%get3A_585, %get3A_586] {strides = array<i32>} : memref<16x32xf32, #tpu.memory_space<vmem>>, vector<16xf32>,
    %add3A_588 = arith.addf %add3A_578, %get3A_587 : vector<16xf32>
    %get3A_589 = arith.constant 3 : i32
    %get3A_590 = arith.index_cast %get3A_589 : i32 to index
    %get3A_591 = arith.constant 16 : index
    %get3A_592 = tpu.vector_load %arg25[%get3A_590, %get3A_591] {strides = array<i32>} : memref<16x32xf32, #tpu.memory_space<vmem>>, vector<16xf32>,
    %add3A_593 = arith.addf %add3A_583, %get3A_592 : vector<16xf32>
    %get3A_594 = arith.constant 4 : i32
    %get3A_595 = arith.index_cast %get3A_594 : i32 to index
    %get3A_596 = arith.constant 0 : index
    %get3A_597 = tpu.vector_load %arg25[%get3A_595, %get3A_596] {strides = array<i32>} : memref<16x32xf32, #tpu.memory_space<vmem>>, vector<16xf32>,
    %add3A_598 = arith.addf %add3A_588, %get3A_597 : vector<16xf32>
    %get3A_599 = arith.constant 4 : i32
    %get3A_600 = arith.index_cast %get3A_599 : i32 to index
    %get3A_601 = arith.constant 16 : index
    %get3A_602 = tpu.vector_load %arg25[%get3A_600, %get3A_601] {strides = array<i32>} : memref<16x32xf32, #tpu.memory_space<vmem>>, vector<16xf32>,
    %add3A_603 = arith.addf %add3A_593, %get3A_602 : vector<16xf32>
    %get3A_604 = arith.constant 5 : i32
    %get3A_605 = arith.index_cast %get3A_604 : i32 to index
    %get3A_606 = arith.constant 0 : index
    %get3A_607 = tpu.vector_load %arg25[%get3A_605, %get3A_606] {strides = array<i32>} : memref<16x32xf32, #tpu.memory_space<vmem>>, vector<16xf32>,
    %add3A_608 = arith.addf %add3A_598, %get3A_607 : vector<16xf32>
    %get3A_609 = arith.constant 5 : i32
    %get3A_610 = arith.index_cast %get3A_609 : i32 to index
    %get3A_611 = arith.constant 16 : index
    %get3A_612 = tpu.vector_load %arg25[%get3A_610, %get3A_611] {strides = array<i32>} : memref<16x32xf32, #tpu.memory_space<vmem>>, vector<16xf32>,
    %add3A_613 = arith.addf %add3A_603, %get3A_612 : vector<16xf32>
    %get3A_614 = arith.constant 6 : i32
    %get3A_615 = arith.index_cast %get3A_614 : i32 to index
    %get3A_616 = arith.constant 0 : index
    %get3A_617 = tpu.vector_load %arg25[%get3A_615, %get3A_616] {strides = array<i32>} : memref<16x32xf32, #tpu.memory_space<vmem>>, vector<16xf32>,
    %add3A_618 = arith.addf %add3A_608, %get3A_617 : vector<16xf32>
    %get3A_619 = arith.constant 6 : i32
    %get3A_620 = arith.index_cast %get3A_619 : i32 to index
    %get3A_621 = arith.constant 16 : index
    %get3A_622 = tpu.vector_load %arg25[%get3A_620, %get3A_621] {strides = array<i32>} : memref<16x32xf32, #tpu.memory_space<vmem>>, vector<16xf32>,
    %add3A_623 = arith.addf %add3A_613, %get3A_622 : vector<16xf32>
    %get3A_624 = arith.constant 7 : i32
    %get3A_625 = arith.index_cast %get3A_624 : i32 to index
    %get3A_626 = arith.constant 0 : index
    %get3A_627 = tpu.vector_load %arg25[%get3A_625, %get3A_626] {strides = array<i32>} : memref<16x32xf32, #tpu.memory_space<vmem>>, vector<16xf32>,
    %add3A_628 = arith.addf %add3A_618, %get3A_627 : vector<16xf32>
    %get3A_629 = arith.constant 7 : i32
    %get3A_630 = arith.index_cast %get3A_629 : i32 to index
    %get3A_631 = arith.constant 16 : index
    %get3A_632 = tpu.vector_load %arg25[%get3A_630, %get3A_631] {strides = array<i32>} : memref<16x32xf32, #tpu.memory_space<vmem>>, vector<16xf32>,
    %add3A_633 = arith.addf %add3A_623, %get3A_632 : vector<16xf32>
    %get3A_634 = arith.constant 8 : i32
    %get3A_635 = arith.index_cast %get3A_634 : i32 to index
    %get3A_636 = arith.constant 0 : index
    %get3A_637 = tpu.vector_load %arg25[%get3A_635, %get3A_636] {strides = array<i32>} : memref<16x32xf32, #tpu.memory_space<vmem>>, vector<16xf32>,
    %add3A_638 = arith.addf %add3A_628, %get3A_637 : vector<16xf32>
    %get3A_639 = arith.constant 8 : i32
    %get3A_640 = arith.index_cast %get3A_639 : i32 to index
    %get3A_641 = arith.constant 16 : index
    %get3A_642 = tpu.vector_load %arg25[%get3A_640, %get3A_641] {strides = array<i32>} : memref<16x32xf32, #tpu.memory_space<vmem>>, vector<16xf32>,
    %add3A_643 = arith.addf %add3A_633, %get3A_642 : vector<16xf32>
    %get3A_644 = arith.constant 9 : i32
    %get3A_645 = arith.index_cast %get3A_644 : i32 to index
    %get3A_646 = arith.constant 0 : index
    %get3A_647 = tpu.vector_load %arg25[%get3A_645, %get3A_646] {strides = array<i32>} : memref<16x32xf32, #tpu.memory_space<vmem>>, vector<16xf32>,
    %add3A_648 = arith.addf %add3A_638, %get3A_647 : vector<16xf32>
    %get3A_649 = arith.constant 9 : i32
    %get3A_650 = arith.index_cast %get3A_649 : i32 to index
    %get3A_651 = arith.constant 16 : index
    %get3A_652 = tpu.vector_load %arg25[%get3A_650, %get3A_651] {strides = array<i32>} : memref<16x32xf32, #tpu.memory_space<vmem>>, vector<16xf32>,
    %add3A_653 = arith.addf %add3A_643, %get3A_652 : vector<16xf32>
    %get3A_654 = arith.constant 10 : i32
    %get3A_655 = arith.index_cast %get3A_654 : i32 to index
    %get3A_656 = arith.constant 0 : index
    %get3A_657 = tpu.vector_load %arg25[%get3A_655, %get3A_656] {strides = array<i32>} : memref<16x32xf32, #tpu.memory_space<vmem>>, vector<16xf32>,
    %add3A_658 = arith.addf %add3A_648, %get3A_657 : vector<16xf32>
    %get3A_659 = arith.constant 10 : i32
    %get3A_660 = arith.index_cast %get3A_659 : i32 to index
    %get3A_661 = arith.constant 16 : index
    %get3A_662 = tpu.vector_load %arg25[%get3A_660, %get3A_661] {strides = array<i32>} : memref<16x32xf32, #tpu.memory_space<vmem>>, vector<16xf32>,
    %add3A_663 = arith.addf %add3A_653, %get3A_662 : vector<16xf32>
    %get3A_664 = arith.constant 11 : i32
    %get3A_665 = arith.index_cast %get3A_664 : i32 to index
    %get3A_666 = arith.constant 0 : index
    %get3A_667 = tpu.vector_load %arg25[%get3A_665, %get3A_666] {strides = array<i32>} : memref<16x32xf32, #tpu.memory_space<vmem>>, vector<16xf32>,
    %add3A_668 = arith.addf %add3A_658, %get3A_667 : vector<16xf32>
    %get3A_669 = arith.constant 11 : i32
    %get3A_670 = arith.index_cast %get3A_669 : i32 to index
    %get3A_671 = arith.constant 16 : index
    %get3A_672 = tpu.vector_load %arg25[%get3A_670, %get3A_671] {strides = array<i32>} : memref<16x32xf32, #tpu.memory_space<vmem>>, vector<16xf32>,
    %add3A_673 = arith.addf %add3A_663, %get3A_672 : vector<16xf32>
    %get3A_674 = arith.constant 12 : i32
    %get3A_675 = arith.index_cast %get3A_674 : i32 to index
    %get3A_676 = arith.constant 0 : index
    %get3A_677 = tpu.vector_load %arg25[%get3A_675, %get3A_676] {strides = array<i32>} : memref<16x32xf32, #tpu.memory_space<vmem>>, vector<16xf32>,
    %add3A_678 = arith.addf %add3A_668, %get3A_677 : vector<16xf32>
    %get3A_679 = arith.constant 12 : i32
    %get3A_680 = arith.index_cast %get3A_679 : i32 to index
    %get3A_681 = arith.constant 16 : index
    %get3A_682 = tpu.vector_load %arg25[%get3A_680, %get3A_681] {strides = array<i32>} : memref<16x32xf32, #tpu.memory_space<vmem>>, vector<16xf32>,
    %add3A_683 = arith.addf %add3A_673, %get3A_682 : vector<16xf32>
    %get3A_684 = arith.constant 13 : i32
    %get3A_685 = arith.index_cast %get3A_684 : i32 to index
    %get3A_686 = arith.constant 0 : index
    %get3A_687 = tpu.vector_load %arg25[%get3A_685, %get3A_686] {strides = array<i32>} : memref<16x32xf32, #tpu.memory_space<vmem>>, vector<16xf32>,
    %add3A_688 = arith.addf %add3A_678, %get3A_687 : vector<16xf32>
    %get3A_689 = arith.constant 13 : i32
    %get3A_690 = arith.index_cast %get3A_689 : i32 to index
    %get3A_691 = arith.constant 16 : index
    %get3A_692 = tpu.vector_load %arg25[%get3A_690, %get3A_691] {strides = array<i32>} : memref<16x32xf32, #tpu.memory_space<vmem>>, vector<16xf32>,
    %add3A_693 = arith.addf %add3A_683, %get3A_692 : vector<16xf32>
    %get3A_694 = arith.constant 14 : i32
    %get3A_695 = arith.index_cast %get3A_694 : i32 to index
    %get3A_696 = arith.constant 0 : index
    %get3A_697 = tpu.vector_load %arg25[%get3A_695, %get3A_696] {strides = array<i32>} : memref<16x32xf32, #tpu.memory_space<vmem>>, vector<16xf32>,
    %add3A_698 = arith.addf %add3A_688, %get3A_697 : vector<16xf32>
    %get3A_699 = arith.constant 14 : i32
    %get3A_700 = arith.index_cast %get3A_699 : i32 to index
    %get3A_701 = arith.constant 16 : index
    %get3A_702 = tpu.vector_load %arg25[%get3A_700, %get3A_701] {strides = array<i32>} : memref<16x32xf32, #tpu.memory_space<vmem>>, vector<16xf32>,
    %add3A_703 = arith.addf %add3A_693, %get3A_702 : vector<16xf32>
    %get3A_704 = arith.constant 15 : i32
    %get3A_705 = arith.index_cast %get3A_704 : i32 to index
    %get3A_706 = arith.constant 0 : index
    %get3A_707 = tpu.vector_load %arg25[%get3A_705, %get3A_706] {strides = array<i32>} : memref<16x32xf32, #tpu.memory_space<vmem>>, vector<16xf32>,
    %add3A_708 = arith.addf %add3A_698, %get3A_707 : vector<16xf32>
    %get3A_709 = arith.constant 15 : i32
    %get3A_710 = arith.index_cast %get3A_709 : i32 to index
    %get3A_711 = arith.constant 16 : index
    %get3A_712 = tpu.vector_load %arg25[%get3A_710, %get3A_711] {strides = array<i32>} : memref<16x32xf32, #tpu.memory_space<vmem>>, vector<16xf32>,
    %add3A_713 = arith.addf %add3A_703, %get3A_712 : vector<16xf32>
    %swap3A = arith.constant 0 : index
    %swap3A_714 = tpu.vector_load %arg24[%swap3A] {strides = array<i32>} : memref<32xf32, #tpu.memory_space<vmem>>, vector<16xf32>,
    tpu.vector_store %arg24[%swap3A], %add3A_708 {strides = array<i32>} : memref<32xf32, #tpu.memory_space<vmem>>, vector<16xf32>,
    %swap3A_715 = arith.constant 16 : index
    %swap3A_716 = tpu.vector_load %arg24[%swap3A_715] {strides = array<i32>} : memref<32xf32, #tpu.memory_space<vmem>>, vector<16xf32>,
    tpu.vector_store %arg24[%swap3A_715], %add3A_713 {strides = array<i32>} : memref<32xf32, #tpu.memory_space<vmem>>, vector<16xf32>,
    %mul3A_717 = arith.constant 32 : i32
    %mul3A_718 = arith.muli %mul3A_717, %arg1 : i32
    "tpu.region"() ({
      %run_scoped3A = tpu.sem_alloc : memref<!tpu.dma_semaphore, #tpu.memory_space<semaphore_mem>>
      %dma_start3A_719 = tpu.memref_slice %arg8[%arg0, %mul3A_718] : memref<2x512xf32, #tpu.memory_space<hbm>> -> memref<1x32xf32, #tpu.memory_space<hbm>>
      %dma_start3A_720 = tpu.memref_squeeze %dma_start3A_719 : memref<1x32xf32, #tpu.memory_space<hbm>> -> memref<32xf32, #tpu.memory_space<hbm>>
      %dma_start3A_721 = tpu.memref_slice %arg8[%arg0, %mul3A_718] : memref<2x512xf32, #tpu.memory_space<hbm>> -> memref<1x32xf32, #tpu.memory_space<hbm>>
      %dma_start3A_722 = tpu.memref_squeeze %dma_start3A_721 : memref<1x32xf32, #tpu.memory_space<hbm>> -> memref<32xf32, #tpu.memory_space<hbm>>
      tpu.enqueue_dma source(%arg24 : memref<32xf32, #tpu.memory_space<vmem>>) target(%dma_start3A_722 : memref<32xf32, #tpu.memory_space<hbm>>) target_semaphore(%run_scoped3A : memref<!tpu.dma_semaphore, #tpu.memory_space<semaphore_mem>>)
      %dma_wait3A_723 = tpu.memref_slice %arg8[%arg0, %mul3A_718] : memref<2x512xf32, #tpu.memory_space<hbm>> -> memref<1x32xf32, #tpu.memory_space<hbm>>
      %dma_wait3A_724 = tpu.memref_squeeze %dma_wait3A_723 : memref<1x32xf32, #tpu.memory_space<hbm>> -> memref<32xf32, #tpu.memory_space<hbm>>
      %dma_wait3A_725 = tpu.memref_slice %arg8[%arg0, %mul3A_718] : memref<2x512xf32, #tpu.memory_space<hbm>> -> memref<1x32xf32, #tpu.memory_space<hbm>>
      %dma_wait3A_726 = tpu.memref_squeeze %dma_wait3A_725 : memref<1x32xf32, #tpu.memory_space<hbm>> -> memref<32xf32, #tpu.memory_space<hbm>>
      tpu.wait_dma2 semaphore(%run_scoped3A : memref<!tpu.dma_semaphore, #tpu.memory_space<semaphore_mem>>) src(%arg24 : memref<32xf32, #tpu.memory_space<vmem>>) dst(%dma_wait3A_726 : memref<32xf32, #tpu.memory_space<hbm>>)
      tpu.yield
    }) : () -> ()
    return
  }
}

</mosaic_0001>

<sc_bundles>
// kernel: kernel.3.cloned.1.call-start
scs
__scs_entry_jumppad:
0x0: {  	(pc) =	sbr.rel $0x88, $3  }
0x1: {  	(tag) =	ssettag $0x0;
	lr =	simm.s32 $0x1  }
0x2: {  	[smem:$0x3F9B] =	sst lr;
	_ =	strace $0xD0000000  }
0x3: {  	_ = 	snop  }
0x4: {  	_ = 	snop  }
0x5: {  	_ = 	snop  }
0x6: {  	_ = 	snop  }
0x7: {  	_ = 	snop  }
__scs_overlays_trampoline_lowered:
0x8: {  	[smem:$0x3FAA] =	sst s0  }
0x9: {  	[smem:$0x3FAB] =	sst s1  }
0xa: {  	[smem:$0x3FAC] =	sst s2  }
0xb: {  	[smem:$0x3FAD] =	sst s3  }
0xc: {  	[smem:$0x3FAE] =	sst s4  }
0xd: {  	[smem:$0x3FAF] =	sst s5  }
0xe: {  	[smem:$0x3FB0] =	sst s6  }
0xf: {  	[smem:$0x3FB1] =	sst s7  }
0x10: {  	[smem:$0x3FB2] =	sst s8  }
0x11: {  	[smem:$0x3FB3] =	sst s9;
	s0 =	simm.s32 @!p0 $0x0  }
0x12: {  	s1 =	sld [smem:$0x3F99];
	s0 =	simm.s32 @p0 $0x1  }
0x13: {  	[smem:$0x3FB4] =	sst s0;
	s0 =	simm.s32 @!p1 $0x0  }
0x14: {  	s2 =	sld [smem:$0x3F98];
	s0 =	simm.s32 @p1 $0x1  }
0x15: {  	[smem:$0x3FB5] =	sst s0;
	s0 =	simm.s32 @!p2 $0x0  }
0x16: {  	s3 =	sld [smem:$0x3FDB];
	s0 =	simm.s32 @p2 $0x1  }
0x17: {  	s4 =	simm.s32 $0x1BF5;
	[smem:$0x3FB7] =	sst s0  }
0x18: {  	s0 =	sld [smem:$0x3F9A];
	_ =	swait.ge [sflag:s4], $0x0  }
0x19: {  	s7 =	sld [smem:$0x3F9B]  }
0x1a: {  	s8 =	sadd.s32 $0xFFFFE003, lr  }
0x1b: {  	s9 =	sadd.s32 $0xFFFFFEF7, lr;
	s5 =	simm.s32 $0xFFFFFFFF;
	p2 =	slt.u32 s8, $0xFFFFF086  }
0x1c: {  	p1 =	slt.u32 s9, $0xF7A;
	s5 =	simm.s32 @!p2 $0x0  }
0x1d: {  	s5 =	simm.s32 @p1 $0x1;
	p0 =	seq.s32 s7, s2  }
0x1e: {  	s7 =	smul.u32 @!p0 $0xF7A, s2;
	p2 =	seq.s32 @!p0 s5, $0x0  }
0x1f: {  	s9 =	smul.u32 $0xF7A, s1;
	s8 =	simm.s32 @!p0 $0x1BF5;
	p2 =	por !p2, p0  }
0x20: {  	[sflag:s8] =	ssyncset.s32 @!p0 $0xFFFFF086;
	s6 =	sadd.s32 @!p0 s3, s7;
	s7 =	simm.s32 @!p0 $0x108  }
0x21: {  	s3 =	sadd.s32 s3, s9;
	s6 =	sadd.s32 @!p0 $0x88, s6;
	s7 =	simm.s32 @p2 $0x1082  }
0x22: {  	[simem:s7], [sflag:s8] =	dma.local @!p0 [hbm:s6], $0xF7A  }
0x23: {  	s9 =	sor.u32 $0xD0000000, s2;
	s6 =	simm.s32 $0x108;
	_ =	swait.ge @!p0 [sflag:s8], $0x0  }
0x24: {  	s3 =	sadd.s32 $0x88, s3;
	s6 =	simm.s32 @!p1 $0x1082;
	[sflag:s4] =	ssyncset.s32 $0xFFFFF086  }
0x25: {  	[simem:s6], [sflag:s4] =	dma.local [hbm:s3], $0xF7A  }
0x26: {  	[smem:$0x3F9B] =	sst s1;
	(tag) =	ssettag s2;
	_ =	strace s9  }
0x27: {  	s1 =	sld [smem:$0x3FAB]  }
0x28: {  	s2 =	sld [smem:$0x3FAC]  }
0x29: {  	s4 =	sld [smem:$0x3FAE]  }
0x2a: {  	p0 =	seq.s32 s5, $0x0;
	s5 =	sld [smem:$0x3FAF]  }
0x2b: {  	s6 =	sld [smem:$0x3FB0]  }
0x2c: {  	s7 =	sld [smem:$0x3FB1]  }
0x2d: {  	s3 =	simm.s32 $0x108;
	s8 =	sld [smem:$0x3FB2]  }
0x2e: {  	s3 =	simm.s32 @!p0 $0x1082;
	s9 =	sld [smem:$0x3FB3]  }
0x2f: {  	lr =	sadd.s32 s0, s3;
	s0 =	sld [smem:$0x3FAA]  }
0x30: {  	s3 =	sld [smem:$0x3FAD]  }
0x31: {  	[smem:$0x3FB6] =	sst s10  }
0x32: {  	s10 =	sld [smem:$0x3FB4];
	_ =	sdelay $0x3  }
0x33: {  	p0 =	seq.s32 s10, $0x1;
	s10 =	sld [smem:$0x3FB6];
	_ =	sdelay $0x3  }
0x34: {  	[smem:$0x3FB6] =	sst s10  }
0x35: {  	s10 =	sld [smem:$0x3FB5];
	_ =	sdelay $0x3  }
0x36: {  	p1 =	seq.s32 s10, $0x1;
	s10 =	sld [smem:$0x3FB6];
	_ =	sdelay $0x3  }
0x37: {  	[smem:$0x3FB6] =	sst s10  }
0x38: {  	s10 =	sld [smem:$0x3FB7]  }
0x39: {  	_ = 	snop;
	(pc) =	sbr.ind lr, $3  }
0x3a: {  	_ = 	snop  }
0x3b: {  	_ = 	snop  }
0x3c: {  	p2 =	seq.s32 s10, $0x1;
	s10 =	sld [smem:$0x3FB6]  }
0x3d: {  	_ =	shalt  }
0x3e: {  	_ =	shalt  }
0x3f: {  	_ =	shalt  }
0x40: {  	_ =	shalt  }
0x41: {  	_ =	shalt  }
0x42: {  	_ =	shalt  }
0x43: {  	_ =	shalt  }
0x44: {  	_ =	shalt  }
0x45: {  	_ =	shalt  }
0x46: {  	_ =	shalt  }
0x47: {  	_ =	shalt  }
0x48: {  	_ =	shalt  }
0x49: {  	_ =	shalt  }
0x4a: {  	_ =	shalt  }
0x4b: {  	_ =	shalt  }
0x4c: {  	_ =	shalt  }
0x4d: {  	_ =	shalt  }
0x4e: {  	_ =	shalt  }
0x4f: {  	_ =	shalt  }
0x50: {  	_ =	shalt  }
0x51: {  	_ =	shalt  }
0x52: {  	_ =	shalt  }
0x53: {  	_ =	shalt  }
0x54: {  	_ =	shalt  }
0x55: {  	_ =	shalt  }
0x56: {  	_ =	shalt  }
0x57: {  	_ =	shalt  }
0x58: {  	_ =	shalt  }
0x59: {  	_ =	shalt  }
0x5a: {  	_ =	shalt  }
0x5b: {  	_ =	shalt  }
0x5c: {  	_ =	shalt  }
0x5d: {  	_ =	shalt  }
0x5e: {  	_ =	shalt  }
0x5f: {  	_ =	shalt  }
0x60: {  	_ =	shalt  }
0x61: {  	_ =	shalt  }
0x62: {  	_ =	shalt  }
0x63: {  	_ =	shalt  }
0x64: {  	_ =	shalt  }
0x65: {  	_ =	shalt  }
0x66: {  	_ =	shalt  }
0x67: {  	_ =	shalt  }
0x68: {  	_ =	shalt  }
0x69: {  	_ =	shalt  }
0x6a: {  	_ =	shalt  }
0x6b: {  	_ =	shalt  }
0x6c: {  	_ =	shalt  }
0x6d: {  	_ =	shalt  }
0x6e: {  	_ =	shalt  }
0x6f: {  	_ =	shalt  }
0x70: {  	_ =	shalt  }
0x71: {  	_ =	shalt  }
0x72: {  	_ =	shalt  }
0x73: {  	_ =	shalt  }
0x74: {  	_ =	shalt  }
0x75: {  	_ =	shalt  }
0x76: {  	_ =	shalt  }
0x77: {  	_ =	shalt  }
0x78: {  	_ =	shalt  }
0x79: {  	_ =	shalt  }
0x7a: {  	_ =	shalt  }
0x7b: {  	_ =	shalt  }
0x7c: {  	_ =	shalt  }
0x7d: {  	_ =	shalt  }
0x7e: {  	_ =	shalt  }
0x7f: {  	_ =	shalt  }
0x80: {  	_ =	shalt  }
0x81: {  	_ =	shalt  }
0x82: {  	_ =	shalt  }
0x83: {  	_ =	shalt  }
0x84: {  	_ =	shalt  }
0x85: {  	_ =	shalt  }
0x86: {  	_ =	shalt  }
0x87: {  	_ =	shalt  }
.Lfunc_end0:
.L_simem_size_0:
called_computation_lowered:
.L_overlay_start_0:
0x88: {  	s2 =	sld [smem:$0x3FD9]  }
0x89: {  	s3 =	sld [smem:$0x3FFE];
	_ =	sdelay $0x1  }
0x8a: {  	s1 =	srdreg.scid  }
0x8b: {  	s0 =	sand.u32 $0x1, s1  }
0x8c: {  	s17 =	sshll.u32 s0, $0xA;
	s2 =	sadd.s32 s3, s2  }
0x8d: {  	s2 =	sadd.s32 s2, s17  }
0x8e: {  	[smem:$0x3FC2] =	sst s2  }
0x8f: {  	_ = 	snop  }
0x90: {  	s2 =	sld [smem:$0x3FC9]  }
0x91: {  	s18 =	sld [smem:$0x3FC8]  }
0x92: {  	s4 =	sld [smem:$0x3FC7]  }
0x93: {  	s5 =	sld [smem:$0x3FC5]  }
0x94: {  	s6 =	sld [smem:$0x3FC4]  }
0x95: {  	s7 =	sld [smem:$0x3FD0];
	(tm) =	ssettm $0x1  }
0x96: {  	s8 =	sld [smem:$0x3FFB];
	_ =	sdelay $0x3  }
0x97: {  	_ =	strace s8  }
0x98: {  	s8 =	sld [smem:$0x3FFC];
	_ =	sdelay $0x3  }
0x99: {  	_ =	strace s8  }
0x9a: {  	s8 =	sld [smem:$0x3FFD];
	_ =	sdelay $0x3  }
0x9b: {  	_ =	strace s8  }
0x9c: {  	_ =	strace $0x8FFFFFFF  }
0x9d: {  	s19 =	sld [smem:$0x3FDB];
	_ =	sdelay $0x1  }
0x9e: {  	s9 =	simm.s32 $_scs_section_size  }
0x9f: {  	s10 =	simm.s32 $_size__tile_overlayer_lowered;
	s11 =	simm.s32 $_tile_overlayer_lowered  }
0xa0: {  	s22 =	simm.s32 $0x1BFF;
	s21 =	sshll.u32 s11, $0x1;
	s8 =	sadd.s32 s9, s19  }
0xa1: {  	s12 =	simm.s32 $0x0;
	s20 =	sshll.u32 s10, $0x1;
	s10 =	sadd.s32 s21, s8  }
0xa2: {  	[timem:s12], [sflag:s22] =	dma.local [hbm:s10], s20  }
0xa3: {  	_ =	swait.ge [sflag:s22], s20  }
0xa4: {  	s9 =	ssub.s32 $0x0, s20;
	[sflag:s22] =	ssyncset.done $0x0  }
0xa5: {  	[sflag:s22] =	ssyncadd.s32 s9;
	_ =	sdelay $0x1  }
0xa6: {  	s23 =	simm.s32 $0x1B8B  }
0xa7: {  	_ =	swait.ge [sflag:s23], $0x1  }
0xa8: {  	[sflag:s23] =	ssyncset.done $0x0  }
0xa9: {  	s25 =	simm.s32 $0x1B8E;
	s24 =	sld [smem:$0x3FFE];
	[sflag:s23] =	ssyncadd.s32 $0xFFFFFFFF  }
0xaa: {  	s26 =	simm.s32 $execute0_lowered;
	[smem:$0x3FD2] =	sst s25  }
0xab: {  	s10 =	sshll.u32 s26, $0x1;
	_ =	strace $0x80000046;
	[dreg:$0x1] =	wrdreg $0xFFFFFFFF  }
0xac: {  	s28 =	simm.s32 $_size_execute0_lowered;
	s8 =	sadd.s32 s8, s10;
	[dreg:$0x0] =	wrdreg $0x0  }
0xad: {  	s10 =	sshll.u32 s28, $0x1;
	[dreg:$0x2] =	wrdreg s8  }
0xae: {  	[dreg:$0x3] =	wrdreg s10  }
0xaf: {  	[dreg:$0x4] =	wrdreg $0xC0  }
0xb0: {  	_ =	task [dreg:s12], $0x5FFFF  }
0xb1: {  	[dreg:$0x1] =	wrdreg $0xFFFFFFFF  }
0xb2: {  	[dreg:$0x0] =	wrdreg $0x60  }
0xb3: {  	[dreg:$0x2] =	wrdreg s2  }
0xb4: {  	[dreg:$0x3] =	wrdreg s18  }
0xb5: {  	[dreg:$0x4] =	wrdreg s4  }
0xb6: {  	[dreg:$0x5] =	wrdreg s7  }
0xb7: {  	[dreg:$0x6] =	wrdreg s5  }
0xb8: {  	[dreg:$0x7] =	wrdreg s6  }
0xb9: {  	[dreg:$0x8] =	wrdreg s24  }
0xba: {  	[dreg:$0x9] =	wrdreg $0x1A5800  }
0xbb: {  	[dreg:$0xa] =	wrdreg $0x9  }
0xbc: {  	_ =	task.clear_ibuf [dreg:s12], $0xBFFFF;
	_ =	strace $0x90000046  }
0xbd: {  	s29 =	simm.s32 $0x9;
	_ =	strace $0x80000048  }
0xbe: {  	_ =	swait.ge [sflag:s29], $0x1  }
0xbf: {  	[sflag:s29] =	ssyncadd.s32 $0xFFFFFFFF  }
0xc0: {  	_ =	strace $0x90000048  }
0xc1: {  	_ =	sfence  }
0xc2: {  	s30 =	sld [smem:$0x0];
	_ =	sdelay $0x2  }
0xc3: {  	s31 =	sshll.u32 s1, $0xD;
	s1 =	sshrl.u32 s1, $0x2  }
0xc4: {  	s3 =	sand.u32 $0x4000, s31;
	s1 =	sadd.s32 s1, s30  }
0xc5: {  	s0 =	sor.u32 s3, s0;
	s1 =	sshll.u32 s1, $0x11  }
0xc6: {  	s0 =	sor.u32 s1, s0  }
0xc7: {  	s0 =	sadd.s32 $0x8F2B, s0  }
0xc8: {  	[sflag:s0] =	ssyncadd.remote.s32 $0x1  }
0xc9: {  	_ =	sfence.sel $0xFFFF  }
0xca: {  	[dreg:$0x0] =	wrdreg $0xFFFFFFFF;
	(pc) =	sbr.abs _section_cstart, $3  }
0xcb: {  	[dreg:$0x1] =	wrdreg $0xFFFFFFFF  }
0xcc: {  	_ =	task.clear_ibuf [dreg:s12], $0x2FFFF;
	_ =	strace $0x9FFFFFFF  }
0xcd: {  	(tm) =	ssettm $0x7FFFFFFF  }
tec
execute0_lowered:
.L_overlay_start_1:
0x0: {  	(tag) =	ssettag $0x1  }
0x1: {  	s0 =	rddreg [dreg:$0x0]  }
0x2: {  	s1 =	rddreg [dreg:$0x1]  }
0x3: {  	s2 =	rddreg [dreg:$0x2];
	s3 =	srdreg.scid  }
0x4: {  	s4 =	rddreg [dreg:$0x6];
	s12 =	stileid.u32  }
0x5: {  	s30 =	simm.s32 $0x2780;
	s3 =	sand.u32 $0x1, s3;
	s5 =	sshll.u32 s12, $0x5  }
0x6: {  	s6 =	sshrl.u32 s12, $0x2;
	s15 =	sshll.u32 s12, $0x9;
	s7 =	sshll.u32 s3, $0x4  }
0x7: {  	s17 =	sshll.u32 s12, $0x7;
	s8 =	sshll.u32 s6, $0x8;
	s7 =	sor.u32 s12, s7  }
0x8: {  	s9 =	sshll.u32 s3, $0x7;
	s5 =	sand.u32 $0x60, s5;
	s7 =	smul.u32 $0xC350, s7  }
0x9: {  	s10 =	ssub.s32 $0x2, s3;
	s18 =	sshll.u32 s6, $0xA;
	p0 =	seq.s32 s3, $0x0  }
0xa: {  	s8 =	sor.u32 s9, s8;
	s9 =	rddreg [dreg:$0x7];
	s7 =	sshrl.u32 s7, $0x3  }
0xb: {  	s11 =	sshrl.u32 s10, $0x1;
	s8 =	sor.u32 s5, s8;
	s19 =	sadd.s32 s0, s7  }
0xc: {  	s8 =	sshrl.u32 s8, $0x3;
	s20 =	sadd.s32 s1, s7;
	[dreg:$0x9] =	wrdreg s19  }
0xd: {  	s21 =	sadd.s32 s2, s7;
	s22 =	sadd.s32 $0x4E2, s7;
	[dreg:$0xa] =	wrdreg s20  }
0xe: {  	s4 =	sadd.s32 s8, s4;
	[dreg:$0xb] =	wrdreg s21;
	s23 =	sadd.s32 s0, s22  }
0xf: {  	s8 =	ssub.s32 s10, s11;
	s24 =	sadd.s32 s1, s22;
	[dreg:$0xc] =	wrdreg s23  }
0x10: {  	s25 =	sadd.s32 $0x9C4, s7;
	s10 =	sadd.s32 s2, s22;
	[dreg:$0xd] =	wrdreg s24  }
0x11: {  	s12 =	simm.s32 $0x15480;
	s26 =	sadd.s32 s0, s25;
	[dreg:$0xe] =	wrdreg s10  }
0x12: {  	s28 =	sadd.s32 $0xEA6, s7;
	s13 =	sadd.s32 s1, s25;
	[dreg:$0xf] =	wrdreg s26  }
0x13: {  	s7 =	sadd.s32 $0x1388, s7;
	s11 =	sadd.s32 s2, s25;
	[dreg:$0x10] =	wrdreg s13  }
0x14: {  	s29 =	sadd.s32 s0, s28;
	s0 =	sadd.s32 s0, s7;
	[dreg:$0x11] =	wrdreg s11  }
0x15: {  	s14 =	sadd.s32 s1, s7;
	s16 =	sadd.s32 s2, s7;
	[dreg:$0x12] =	wrdreg s29  }
0x16: {  	s19 =	sadd.s32 s18, s9;
	s22 =	simm.s32 $0x0;
	[dreg:$0x15] =	wrdreg s0  }
0x17: {  	s20 =	sadd.s32 $0x400, s4;
	s13 =	sadd.s32 s1, s28;
	[dreg:$0x16] =	wrdreg s14  }
0x18: {  	s10 =	sadd.s32 s2, s28;
	[dreg:$0x17] =	wrdreg s16;
	s0 =	sand.u32 $0x1000, s15  }
0x19: {  	s1 =	sand.u32 $0x380, s17;
	s21 =	sadd.s32 s5, s19;
	[smem:$0x7FF] =	sst s22  }
0x1a: {  	s23 =	simm.f32 $1.000000000e+00;
	s24 =	smax.u32 s8, $0x1;
	s8 =	simm.s32 $0x4F00  }
0x1b: {  	s11 =	simm.s32 $0x4;
	s15 =	simm.s32 $0x1;
	s16 =	simm.s32 $0xED00  }
0x1c: {  	s17 =	simm.s32 $0x10F80;
	s19 =	simm.s32 $0x13200;
	[dreg:$0x13] =	wrdreg s13  }
0x1d: {  	s14 =	simm.s32 $0x0;
	[dreg:$0x14] =	wrdreg s10;
	s0 =	sadd.s32 s0, s9  }
0x1e: {  	s23 =	simm.s32 @!p0 $0x0;
	s25 =	sadd.s32 $0x80, s21;
	s26 =	sadd.s32 $0x100, s21  }
0x1f: {  	s28 =	sadd.s32 $0x180, s21;
	s29 =	sadd.s32 $0x200, s21;
	s0 =	sadd.s32 s1, s0  }
0x20: {  	s31 =	sadd.s32 $0x280, s21;
	s18 =	sadd.s32 $0x300, s21;
	[dreg:$0x18] =	wrdreg s0  }
0x21: {  	s2 =	sadd.s32 $0x1080, s21;
	_ =	strace $0x80000047;
	[dreg:$0x19] =	wrdreg s20  }
0x22: {  	s3 =	sadd.s32 $0x1180, s21;
	s4 =	sadd.s32 $0x1200, s21;
	[dreg:$0x1a] =	wrdreg s24  }
0x23: {  	s5 =	sadd.s32 $0x1280, s21;
	s6 =	sadd.s32 $0x1300, s21;
	[dreg:$0x1b] =	wrdreg s25  }
0x24: {  	s7 =	sadd.s32 $0x1380, s21;
	s9 =	simm.s32 $0x9E00;
	[dreg:$0x1c] =	wrdreg s26  }
0x25: {  	v0 =	vlaneseq.u32;
	s10 =	simm.s32 $0x19B80;
	s13 =	simm.s32 $0x2;
	[dreg:$0x1d] =	wrdreg s28  }
0x26: {  	v2 =	vmul.u32 $0x11, v0;
	s1 =	sadd.s32 $0x1000, s21;
	s0 =	sadd.s32 $0x380, s21;
	[dreg:$0x1e] =	wrdreg s29  }
0x27: {  	v1 =	vimm.f32 $0.0e+00;
	s20 =	sadd.s32 $0x1100, s21;
	s24 =	simm.s32 $0x17700;
	s25 =	simm.s32 $0x3  }
.LBB2_1:
0x28: {  	s26 =	rddreg [dreg:$0x9]  }
0x29: {  	[tilespmem:s22], [sflag:$0x1] =	stream.linear.gather [hbm4b:s26+s22], $0x2710, $0x38;
	[tilespmem:$0x1A780] =	vst v63  }
0x2a: {  	s29 =	rddreg [dreg:$0xa]  }
0x2b: {  	[tilespmem:s8], [sflag:$0x1] =	stream.linear.gather [hbm4b:s29+s22], $0x2710, $0x38;
	[tilespmem:$0x1A780] =	vst v63  }
0x2c: {  	s29 =	rddreg [dreg:$0xb]  }
0x2d: {  	[tilespmem:s9], [sflag:$0x1] =	stream.linear.gather [hbm4b:s29+s22], $0x2710, $0x38;
	[tilespmem:$0x1A780] =	vst v63  }
0x2e: {  	s29 =	rddreg [dreg:$0x3]  }
0x2f: {  	[tilespmem:s10], [sflag:$0x4] =	stream.linear.gather [hbm4b:s29+s22], $0x80, $0x38;
	[tilespmem:$0x1A780] =	vst v63  }
0x30: {  	_ =	swait.ge [sflag:s11], $0x80  }
0x31: {  	[sflag:s11] =	ssyncset.done $0x0  }
0x32: {  	[sflag:s11] =	ssyncadd.s32 $0xFFFFFF80  }
0x33: {  	s28 =	simm.s32 $0x19C00;
	s29 =	rddreg [dreg:$0x4]  }
0x34: {  	[tilespmem:s28], [sflag:$0x4] =	stream.linear.gather [hbm4b:s29+s22], $0x1, $0x38;
	[tilespmem:$0x1A780] =	vst v63  }
0x35: {  	_ =	swait.ge [sflag:s11], $0x1  }
0x36: {  	[sflag:s11] =	ssyncset.done $0x0  }
0x37: {  	[sflag:s11] =	ssyncadd.s32 $0xFFFFFFFF  }
0x38: {  	s28 =	simm.s32 $0x19C80;
	s29 =	rddreg [dreg:$0x5]  }
0x39: {  	[tilespmem:s28], [sflag:$0x4] =	stream.linear.gather [hbm4b:s29+s22], $0x1, $0x38;
	[tilespmem:$0x1A780] =	vst v63  }
0x3a: {  	_ =	swait.ge [sflag:s11], $0x1  }
0x3b: {  	[sflag:s11] =	ssyncset.done $0x0  }
0x3c: {  	s26 =	simm.s32 $0x0;
	s28 =	simm.s32 $0x40;
	[sflag:s11] =	ssyncadd.s32 $0xFFFFFFFF  }
.LBB2_2:
0x3d: {  	p0 =	sne.s32 s28, $0x8800;
	[tilespmem:s26+$0x17700] =	vst v1;
	s29 =	smov.u32 s28;
	s28 =	sadd.s32 $0x40, s28  }
.Ltmp0:
0x3e: {  	[tilespmem:s26+$0x15480] =	vst v1;
	(pc) =	sbr.rel @p0 .LBB2_2-.Ltmp0, $4  }
0x3f: {  	[tilespmem:s26+$0x13200] =	vst v1  }
0x40: {  	[tilespmem:s26+$0xED00] =	vst v1  }
0x41: {  	[tilespmem:s26+$0x10F80] =	vst v1  }
0x42: {  	s26 =	sshra.s32 s29, $0x2  }
0x43: {  	[tilespmem:s26+$0x17700] =	vst v1  }
0x44: {  	[tilespmem:s26+$0x15480] =	vst v1  }
0x45: {  	[tilespmem:s26+$0x13200] =	vst v1  }
0x46: {  	[tilespmem:s26+$0xED00] =	vst v1  }
0x47: {  	[tilespmem:s26+$0x10F80] =	vst v1;
	s26 =	simm.s32 $0x0;
	s28 =	rddreg [dreg:$0xc]  }
0x48: {  	v3 =	vld.msk [tilespmem:$0x19C00 ss:$0x0], $0xffff;
	[tilespmem:s30], [sflag:$0x2] =	stream.linear.gather [hbm4b:s28+s26], $0x2710, $0x38  }
0x49: {  	s29 =	simm.s32 $0x7680;
	s28 =	rddreg [dreg:$0xd]  }
0x4a: {  	[tilespmem:s29], [sflag:$0x2] =	stream.linear.gather [hbm4b:s28+s26], $0x2710, $0x38;
	[tilespmem:$0x1A780] =	vst v63  }
0x4b: {  	s28 =	rddreg [dreg:$0xe];
	s29 =	simm.s32 $0xC580  }
0x4c: {  	[tilespmem:s29], [sflag:$0x2] =	stream.linear.gather [hbm4b:s28+s26], $0x2710, $0x38;
	[tilespmem:$0x1A780] =	vst v63  }
0x4d: {  	_ =	swait.ge [sflag:s15], $0x2710  }
0x4e: {  	[sflag:s15] =	ssyncset.done $0x0  }
0x4f: {  	[sflag:s15] =	ssyncadd.s32 $0xFFFFD8F0  }
0x50: {  	_ =	swait.ge [sflag:s15], $0x2710  }
0x51: {  	[sflag:s15] =	ssyncset.done $0x0  }
0x52: {  	[sflag:s15] =	ssyncadd.s32 $0xFFFFD8F0  }
0x53: {  	_ =	swait.ge [sflag:s15], $0x2710  }
0x54: {  	[sflag:s15] =	ssyncset.done $0x0  }
0x55: {  	[sflag:s15] =	ssyncadd.s32 $0xFFFFD8F0  }
.LBB2_4:
0x56: {  	s28 =	sshra.s32 s26, $0x2  }
0x57: {  	v4 =	vld [tilespmem:s28+$0x4F00];
	_ =	sdelay $0x2  }
0x58: {  	v5 =	vld [tilespmem:s28+$0x9E00];
	_ =	sdelay $0x2  }
0x59: {  	v6 =	vld [tilespmem:s28+$0x0];
	_ =	sdelay $0x1  }
0x5a: {  	v5 =	vmul.u32 $0x11, v5;
	v4 =	vld.idx.msk [tilespmem:v4+s10+$0x0], $0xffff;
	_ =	sdelay $0x1  }
0x5b: {  	v5 =	vadd.s32 v0, v5  }
0x5c: {  	v6 =	vmul.f32 v6, v3;
	_ =	sdelay $0x1  }
0x5d: {  	v4 =	vadd.f32 v4, v6;
	_ =	sdelay $0x1  }
0x5e: {  	[tilespmem:v5+s16+$0x0] =	vst.idx.add.f32.msk $0xffff, v4  }
0x5f: {  	v4 =	vld [tilespmem:s28+$0x4F10];
	_ =	sdelay $0x2  }
0x60: {  	v5 =	vld [tilespmem:s28+$0x9E10];
	_ =	sdelay $0x2  }
0x61: {  	v60 =	vld [tilespmem:s28+$0x10];
	_ =	sdelay $0x1  }
0x62: {  	v5 =	vmul.u32 $0x11, v5;
	v4 =	vld.idx.msk [tilespmem:v4+s10+$0x0], $0xffff;
	_ =	sdelay $0x1  }
0x63: {  	v5 =	vadd.s32 v0, v5  }
0x64: {  	v6 =	vmul.f32 v60, v3;
	_ =	sdelay $0x1  }
0x65: {  	v4 =	vadd.f32 v4, v6;
	_ =	sdelay $0x1  }
0x66: {  	[tilespmem:v5+s17+$0x0] =	vst.idx.add.f32.msk $0xffff, v4  }
0x67: {  	v4 =	vld [tilespmem:s28+$0x4F20];
	_ =	sdelay $0x2  }
0x68: {  	v5 =	vld [tilespmem:s28+$0x9E20];
	_ =	sdelay $0x2  }
0x69: {  	v61 =	vld [tilespmem:s28+$0x20];
	_ =	sdelay $0x1  }
0x6a: {  	v5 =	vmul.u32 $0x11, v5;
	v4 =	vld.idx.msk [tilespmem:v4+s10+$0x0], $0xffff;
	_ =	sdelay $0x1  }
0x6b: {  	v5 =	vadd.s32 v0, v5  }
0x6c: {  	v6 =	vmul.f32 v61, v3;
	_ =	sdelay $0x1  }
0x6d: {  	v4 =	vadd.f32 v4, v6;
	_ =	sdelay $0x1  }
0x6e: {  	[tilespmem:v5+s19+$0x0] =	vst.idx.add.f32.msk $0xffff, v4  }
0x6f: {  	v4 =	vld [tilespmem:s28+$0x4F30];
	_ =	sdelay $0x2  }
0x70: {  	v5 =	vld [tilespmem:s28+$0x9E30];
	_ =	sdelay $0x2  }
0x71: {  	v62 =	vld [tilespmem:s28+$0x30];
	_ =	sdelay $0x1  }
0x72: {  	v5 =	vmul.u32 $0x11, v5;
	v4 =	vld.idx.msk [tilespmem:v4+s10+$0x0], $0xffff;
	_ =	sdelay $0x1  }
0x73: {  	v5 =	vadd.s32 v0, v5  }
0x74: {  	v6 =	vmul.f32 v62, v3;
	_ =	sdelay $0x1  }
0x75: {  	v4 =	vadd.f32 v4, v6;
	_ =	sdelay $0x1  }
0x76: {  	[tilespmem:v5+s12+$0x0] =	vst.idx.add.f32.msk $0xffff, v4  }
0x77: {  	v4 =	vld [tilespmem:s28+$0x4F40];
	_ =	sdelay $0x2  }
0x78: {  	v5 =	vld [tilespmem:s28+$0x9E40];
	_ =	sdelay $0x2  }
0x79: {  	v63 =	vld [tilespmem:s28+$0x40];
	_ =	sdelay $0x1  }
0x7a: {  	v5 =	vmul.u32 $0x11, v5;
	v4 =	vld.idx.msk [tilespmem:v4+s10+$0x0], $0xffff;
	_ =	sdelay $0x1  }
0x7b: {  	p0 =	sne.s32 s26, $0x9B00;
	v5 =	vadd.s32 v0, v5  }
.Ltmp1:
0x7c: {  	v6 =	vmul.f32 v63, v3;
	(pc) =	sbr.rel @p0 .LBB2_4-.Ltmp1, $3  }
0x7d: {  	_ = 	snop  }
0x7e: {  	v4 =	vadd.f32 v4, v6;
	_ =	sdelay $0x1  }
0x7f: {  	s26 =	sadd.s32 $0x140, s26;
	[tilespmem:v5+s24+$0x0] =	vst.idx.add.f32.msk $0xffff, v4  }
0x80: {  	s26 =	simm.s32 $0x0;
	s28 =	rddreg [dreg:$0xf]  }
0x81: {  	[tilespmem:s26], [sflag:$0x1] =	stream.linear.gather [hbm4b:s28+s26], $0x2710, $0x38;
	[tilespmem:$0x1A780] =	vst v63  }
0x82: {  	s29 =	rddreg [dreg:$0x10]  }
0x83: {  	[tilespmem:s8], [sflag:$0x1] =	stream.linear.gather [hbm4b:s29+s26], $0x2710, $0x38;
	[tilespmem:$0x1A780] =	vst v63  }
0x84: {  	s29 =	rddreg [dreg:$0x11]  }
0x85: {  	[tilespmem:s9], [sflag:$0x1] =	stream.linear.gather [hbm4b:s29+s26], $0x2710, $0x38;
	[tilespmem:$0x1A780] =	vst v63  }
0x86: {  	_ =	swait.ge [sflag:s13], $0x2710  }
0x87: {  	[sflag:s13] =	ssyncset.done $0x0  }
0x88: {  	[sflag:s13] =	ssyncadd.s32 $0xFFFFD8F0  }
0x89: {  	_ =	swait.ge [sflag:s13], $0x2710  }
0x8a: {  	[sflag:s13] =	ssyncset.done $0x0  }
0x8b: {  	[sflag:s13] =	ssyncadd.s32 $0xFFFFD8F0  }
0x8c: {  	_ =	swait.ge [sflag:s13], $0x2710  }
0x8d: {  	[sflag:s13] =	ssyncset.done $0x0  }
0x8e: {  	[sflag:s13] =	ssyncadd.s32 $0xFFFFD8F0  }
.LBB2_6:
0x8f: {  	s28 =	sshra.s32 s26, $0x2  }
0x90: {  	v4 =	vld [tilespmem:s28+$0x7680];
	_ =	sdelay $0x2  }
0x91: {  	v5 =	vld [tilespmem:s28+$0xC580];
	_ =	sdelay $0x2  }
0x92: {  	v6 =	vld [tilespmem:s28+$0x2780];
	_ =	sdelay $0x1  }
0x93: {  	v5 =	vmul.u32 $0x11, v5;
	v4 =	vld.idx.msk [tilespmem:v4+s10+$0x0], $0xffff;
	_ =	sdelay $0x1  }
0x94: {  	v5 =	vadd.s32 v0, v5  }
0x95: {  	v6 =	vmul.f32 v6, v3;
	_ =	sdelay $0x1  }
0x96: {  	v4 =	vadd.f32 v4, v6;
	_ =	sdelay $0x1  }
0x97: {  	[tilespmem:v5+s16+$0x0] =	vst.idx.add.f32.msk $0xffff, v4  }
0x98: {  	v4 =	vld [tilespmem:s28+$0x7690];
	_ =	sdelay $0x2  }
0x99: {  	v5 =	vld [tilespmem:s28+$0xC590];
	_ =	sdelay $0x2  }
0x9a: {  	v60 =	vld [tilespmem:s28+$0x2790];
	_ =	sdelay $0x1  }
0x9b: {  	v5 =	vmul.u32 $0x11, v5;
	v4 =	vld.idx.msk [tilespmem:v4+s10+$0x0], $0xffff;
	_ =	sdelay $0x1  }
0x9c: {  	v5 =	vadd.s32 v0, v5  }
0x9d: {  	v6 =	vmul.f32 v60, v3;
	_ =	sdelay $0x1  }
0x9e: {  	v4 =	vadd.f32 v4, v6;
	_ =	sdelay $0x1  }
0x9f: {  	[tilespmem:v5+s17+$0x0] =	vst.idx.add.f32.msk $0xffff, v4  }
0xa0: {  	v4 =	vld [tilespmem:s28+$0x76A0];
	_ =	sdelay $0x2  }
0xa1: {  	v5 =	vld [tilespmem:s28+$0xC5A0];
	_ =	sdelay $0x2  }
0xa2: {  	v61 =	vld [tilespmem:s28+$0x27A0];
	_ =	sdelay $0x1  }
0xa3: {  	v5 =	vmul.u32 $0x11, v5;
	v4 =	vld.idx.msk [tilespmem:v4+s10+$0x0], $0xffff;
	_ =	sdelay $0x1  }
0xa4: {  	v5 =	vadd.s32 v0, v5  }
0xa5: {  	v6 =	vmul.f32 v61, v3;
	_ =	sdelay $0x1  }
0xa6: {  	v4 =	vadd.f32 v4, v6;
	_ =	sdelay $0x1  }
0xa7: {  	[tilespmem:v5+s19+$0x0] =	vst.idx.add.f32.msk $0xffff, v4  }
0xa8: {  	v4 =	vld [tilespmem:s28+$0x76B0];
	_ =	sdelay $0x2  }
0xa9: {  	v5 =	vld [tilespmem:s28+$0xC5B0];
	_ =	sdelay $0x2  }
0xaa: {  	v62 =	vld [tilespmem:s28+$0x27B0];
	_ =	sdelay $0x1  }
0xab: {  	v5 =	vmul.u32 $0x11, v5;
	v4 =	vld.idx.msk [tilespmem:v4+s10+$0x0], $0xffff;
	_ =	sdelay $0x1  }
0xac: {  	v5 =	vadd.s32 v0, v5  }
0xad: {  	v6 =	vmul.f32 v62, v3;
	_ =	sdelay $0x1  }
0xae: {  	v4 =	vadd.f32 v4, v6;
	_ =	sdelay $0x1  }
0xaf: {  	[tilespmem:v5+s12+$0x0] =	vst.idx.add.f32.msk $0xffff, v4  }
0xb0: {  	v4 =	vld [tilespmem:s28+$0x76C0];
	_ =	sdelay $0x2  }
0xb1: {  	v5 =	vld [tilespmem:s28+$0xC5C0];
	_ =	sdelay $0x2  }
0xb2: {  	v63 =	vld [tilespmem:s28+$0x27C0];
	_ =	sdelay $0x1  }
0xb3: {  	v5 =	vmul.u32 $0x11, v5;
	v4 =	vld.idx.msk [tilespmem:v4+s10+$0x0], $0xffff;
	_ =	sdelay $0x1  }
0xb4: {  	p0 =	sne.s32 s26, $0x9B00;
	v5 =	vadd.s32 v0, v5  }
.Ltmp2:
0xb5: {  	v6 =	vmul.f32 v63, v3;
	(pc) =	sbr.rel @p0 .LBB2_6-.Ltmp2, $3  }
0xb6: {  	_ = 	snop  }
0xb7: {  	v4 =	vadd.f32 v4, v6;
	_ =	sdelay $0x1  }
0xb8: {  	s26 =	sadd.s32 $0x140, s26;
	[tilespmem:v5+s24+$0x0] =	vst.idx.add.f32.msk $0xffff, v4  }
0xb9: {  	s26 =	simm.s32 $0x0;
	s28 =	rddreg [dreg:$0x12]  }
0xba: {  	[tilespmem:s30], [sflag:$0x2] =	stream.linear.gather [hbm4b:s28+s26], $0x2710, $0x38;
	[tilespmem:$0x1A780] =	vst v63  }
0xbb: {  	s29 =	simm.s32 $0x7680;
	s30 =	rddreg [dreg:$0x13]  }
0xbc: {  	[tilespmem:s29], [sflag:$0x2] =	stream.linear.gather [hbm4b:s30+s26], $0x2710, $0x38;
	[tilespmem:$0x1A780] =	vst v63  }
0xbd: {  	s28 =	rddreg [dreg:$0x14];
	s30 =	simm.s32 $0xC580  }
0xbe: {  	[tilespmem:s30], [sflag:$0x2] =	stream.linear.gather [hbm4b:s28+s26], $0x2710, $0x38;
	[tilespmem:$0x1A780] =	vst v63  }
0xbf: {  	_ =	swait.ge [sflag:s15], $0x2710  }
0xc0: {  	[sflag:s15] =	ssyncset.done $0x0  }
0xc1: {  	[sflag:s15] =	ssyncadd.s32 $0xFFFFD8F0  }
0xc2: {  	_ =	swait.ge [sflag:s15], $0x2710  }
0xc3: {  	[sflag:s15] =	ssyncset.done $0x0  }
0xc4: {  	[sflag:s15] =	ssyncadd.s32 $0xFFFFD8F0  }
0xc5: {  	_ =	swait.ge [sflag:s15], $0x2710  }
0xc6: {  	[sflag:s15] =	ssyncset.done $0x0  }
0xc7: {  	[sflag:s15] =	ssyncadd.s32 $0xFFFFD8F0  }
.LBB2_8:
0xc8: {  	s28 =	sshra.s32 s26, $0x2  }
0xc9: {  	v4 =	vld [tilespmem:s28+$0x4F00];
	_ =	sdelay $0x2  }
0xca: {  	v5 =	vld [tilespmem:s28+$0x9E00];
	_ =	sdelay $0x2  }
0xcb: {  	v6 =	vld [tilespmem:s28+$0x0];
	_ =	sdelay $0x1  }
0xcc: {  	v5 =	vmul.u32 $0x11, v5;
	v4 =	vld.idx.msk [tilespmem:v4+s10+$0x0], $0xffff;
	_ =	sdelay $0x1  }
0xcd: {  	v5 =	vadd.s32 v0, v5  }
0xce: {  	v6 =	vmul.f32 v6, v3;
	_ =	sdelay $0x1  }
0xcf: {  	v4 =	vadd.f32 v4, v6;
	_ =	sdelay $0x1  }
0xd0: {  	[tilespmem:v5+s16+$0x0] =	vst.idx.add.f32.msk $0xffff, v4  }
0xd1: {  	v4 =	vld [tilespmem:s28+$0x4F10];
	_ =	sdelay $0x2  }
0xd2: {  	v5 =	vld [tilespmem:s28+$0x9E10];
	_ =	sdelay $0x2  }
0xd3: {  	v60 =	vld [tilespmem:s28+$0x10];
	_ =	sdelay $0x1  }
0xd4: {  	v5 =	vmul.u32 $0x11, v5;
	v4 =	vld.idx.msk [tilespmem:v4+s10+$0x0], $0xffff;
	_ =	sdelay $0x1  }
0xd5: {  	v5 =	vadd.s32 v0, v5  }
0xd6: {  	v6 =	vmul.f32 v60, v3;
	_ =	sdelay $0x1  }
0xd7: {  	v4 =	vadd.f32 v4, v6;
	_ =	sdelay $0x1  }
0xd8: {  	[tilespmem:v5+s17+$0x0] =	vst.idx.add.f32.msk $0xffff, v4  }
0xd9: {  	v4 =	vld [tilespmem:s28+$0x4F20];
	_ =	sdelay $0x2  }
0xda: {  	v5 =	vld [tilespmem:s28+$0x9E20];
	_ =	sdelay $0x2  }
0xdb: {  	v61 =	vld [tilespmem:s28+$0x20];
	_ =	sdelay $0x1  }
0xdc: {  	v5 =	vmul.u32 $0x11, v5;
	v4 =	vld.idx.msk [tilespmem:v4+s10+$0x0], $0xffff;
	_ =	sdelay $0x1  }
0xdd: {  	v5 =	vadd.s32 v0, v5  }
0xde: {  	v6 =	vmul.f32 v61, v3;
	_ =	sdelay $0x1  }
0xdf: {  	v4 =	vadd.f32 v4, v6;
	_ =	sdelay $0x1  }
0xe0: {  	[tilespmem:v5+s19+$0x0] =	vst.idx.add.f32.msk $0xffff, v4  }
0xe1: {  	v4 =	vld [tilespmem:s28+$0x4F30];
	_ =	sdelay $0x2  }
0xe2: {  	v5 =	vld [tilespmem:s28+$0x9E30];
	_ =	sdelay $0x2  }
0xe3: {  	v62 =	vld [tilespmem:s28+$0x30];
	_ =	sdelay $0x1  }
0xe4: {  	v5 =	vmul.u32 $0x11, v5;
	v4 =	vld.idx.msk [tilespmem:v4+s10+$0x0], $0xffff;
	_ =	sdelay $0x1  }
0xe5: {  	v5 =	vadd.s32 v0, v5  }
0xe6: {  	v6 =	vmul.f32 v62, v3;
	_ =	sdelay $0x1  }
0xe7: {  	v4 =	vadd.f32 v4, v6;
	_ =	sdelay $0x1  }
0xe8: {  	[tilespmem:v5+s12+$0x0] =	vst.idx.add.f32.msk $0xffff, v4  }
0xe9: {  	v4 =	vld [tilespmem:s28+$0x4F40];
	_ =	sdelay $0x2  }
0xea: {  	v5 =	vld [tilespmem:s28+$0x9E40];
	_ =	sdelay $0x2  }
0xeb: {  	v63 =	vld [tilespmem:s28+$0x40];
	_ =	sdelay $0x1  }
0xec: {  	v5 =	vmul.u32 $0x11, v5;
	v4 =	vld.idx.msk [tilespmem:v4+s10+$0x0], $0xffff;
	_ =	sdelay $0x1  }
0xed: {  	p0 =	sne.s32 s26, $0x9B00;
	v5 =	vadd.s32 v0, v5  }
.Ltmp3:
0xee: {  	v6 =	vmul.f32 v63, v3;
	(pc) =	sbr.rel @p0 .LBB2_8-.Ltmp3, $3  }
0xef: {  	_ = 	snop  }
0xf0: {  	v4 =	vadd.f32 v4, v6;
	_ =	sdelay $0x1  }
0xf1: {  	s26 =	sadd.s32 $0x140, s26;
	[tilespmem:v5+s24+$0x0] =	vst.idx.add.f32.msk $0xffff, v4  }
0xf2: {  	s26 =	simm.s32 $0x0;
	s28 =	rddreg [dreg:$0x15]  }
0xf3: {  	[tilespmem:s26], [sflag:$0x1] =	stream.linear.gather [hbm4b:s28+s26], $0x2710, $0x38;
	[tilespmem:$0x1A780] =	vst v63  }
0xf4: {  	s29 =	rddreg [dreg:$0x16]  }
0xf5: {  	[tilespmem:s8], [sflag:$0x1] =	stream.linear.gather [hbm4b:s29+s26], $0x2710, $0x38;
	[tilespmem:$0x1A780] =	vst v63  }
0xf6: {  	s30 =	rddreg [dreg:$0x17]  }
0xf7: {  	[tilespmem:s9], [sflag:$0x1] =	stream.linear.gather [hbm4b:s30+s26], $0x2710, $0x38;
	[tilespmem:$0x1A780] =	vst v63  }
0xf8: {  	_ =	swait.ge [sflag:s13], $0x2710  }
0xf9: {  	[sflag:s13] =	ssyncset.done $0x0  }
0xfa: {  	[sflag:s13] =	ssyncadd.s32 $0xFFFFD8F0  }
0xfb: {  	_ =	swait.ge [sflag:s13], $0x2710  }
0xfc: {  	[sflag:s13] =	ssyncset.done $0x0  }
0xfd: {  	[sflag:s13] =	ssyncadd.s32 $0xFFFFD8F0  }
0xfe: {  	_ =	swait.ge [sflag:s13], $0x2710  }
0xff: {  	[sflag:s13] =	ssyncset.done $0x0  }
0x100: {  	[sflag:s13] =	ssyncadd.s32 $0xFFFFD8F0  }
.LBB2_10:
0x101: {  	s28 =	sshra.s32 s26, $0x2  }
0x102: {  	v4 =	vld [tilespmem:s28+$0x7680];
	_ =	sdelay $0x2  }
0x103: {  	v5 =	vld [tilespmem:s28+$0xC580];
	_ =	sdelay $0x2  }
0x104: {  	v6 =	vld [tilespmem:s28+$0x2780];
	_ =	sdelay $0x1  }
0x105: {  	v5 =	vmul.u32 $0x11, v5;
	v4 =	vld.idx.msk [tilespmem:v4+s10+$0x0], $0xffff;
	_ =	sdelay $0x1  }
0x106: {  	v5 =	vadd.s32 v0, v5  }
0x107: {  	v6 =	vmul.f32 v6, v3;
	_ =	sdelay $0x1  }
0x108: {  	v4 =	vadd.f32 v4, v6;
	_ =	sdelay $0x1  }
0x109: {  	[tilespmem:v5+s16+$0x0] =	vst.idx.add.f32.msk $0xffff, v4  }
0x10a: {  	v4 =	vld [tilespmem:s28+$0x7690];
	_ =	sdelay $0x2  }
0x10b: {  	v5 =	vld [tilespmem:s28+$0xC590];
	_ =	sdelay $0x2  }
0x10c: {  	v60 =	vld [tilespmem:s28+$0x2790];
	_ =	sdelay $0x1  }
0x10d: {  	v5 =	vmul.u32 $0x11, v5;
	v4 =	vld.idx.msk [tilespmem:v4+s10+$0x0], $0xffff;
	_ =	sdelay $0x1  }
0x10e: {  	v5 =	vadd.s32 v0, v5  }
0x10f: {  	v6 =	vmul.f32 v60, v3;
	_ =	sdelay $0x1  }
0x110: {  	v4 =	vadd.f32 v4, v6;
	_ =	sdelay $0x1  }
0x111: {  	[tilespmem:v5+s17+$0x0] =	vst.idx.add.f32.msk $0xffff, v4  }
0x112: {  	v4 =	vld [tilespmem:s28+$0x76A0];
	_ =	sdelay $0x2  }
0x113: {  	v5 =	vld [tilespmem:s28+$0xC5A0];
	_ =	sdelay $0x2  }
0x114: {  	v61 =	vld [tilespmem:s28+$0x27A0];
	_ =	sdelay $0x1  }
0x115: {  	v5 =	vmul.u32 $0x11, v5;
	v4 =	vld.idx.msk [tilespmem:v4+s10+$0x0], $0xffff;
	_ =	sdelay $0x1  }
0x116: {  	v5 =	vadd.s32 v0, v5  }
0x117: {  	v6 =	vmul.f32 v61, v3;
	_ =	sdelay $0x1  }
0x118: {  	v4 =	vadd.f32 v4, v6;
	_ =	sdelay $0x1  }
0x119: {  	[tilespmem:v5+s19+$0x0] =	vst.idx.add.f32.msk $0xffff, v4  }
0x11a: {  	v4 =	vld [tilespmem:s28+$0x76B0];
	_ =	sdelay $0x2  }
0x11b: {  	v5 =	vld [tilespmem:s28+$0xC5B0];
	_ =	sdelay $0x2  }
0x11c: {  	v62 =	vld [tilespmem:s28+$0x27B0];
	_ =	sdelay $0x1  }
0x11d: {  	v5 =	vmul.u32 $0x11, v5;
	v4 =	vld.idx.msk [tilespmem:v4+s10+$0x0], $0xffff;
	_ =	sdelay $0x1  }
0x11e: {  	v5 =	vadd.s32 v0, v5  }
0x11f: {  	v6 =	vmul.f32 v62, v3;
	_ =	sdelay $0x1  }
0x120: {  	v4 =	vadd.f32 v4, v6;
	_ =	sdelay $0x1  }
0x121: {  	[tilespmem:v5+s12+$0x0] =	vst.idx.add.f32.msk $0xffff, v4  }
0x122: {  	v4 =	vld [tilespmem:s28+$0x76C0];
	_ =	sdelay $0x2  }
0x123: {  	v5 =	vld [tilespmem:s28+$0xC5C0];
	_ =	sdelay $0x2  }
0x124: {  	v63 =	vld [tilespmem:s28+$0x27C0];
	_ =	sdelay $0x1  }
0x125: {  	v5 =	vmul.u32 $0x11, v5;
	v4 =	vld.idx.msk [tilespmem:v4+s10+$0x0], $0xffff;
	_ =	sdelay $0x1  }
0x126: {  	p0 =	sne.s32 s26, $0x9B00;
	v5 =	vadd.s32 v0, v5  }
.Ltmp4:
0x127: {  	v6 =	vmul.f32 v63, v3;
	(pc) =	sbr.rel @p0 .LBB2_10-.Ltmp4, $3  }
0x128: {  	_ = 	snop  }
0x129: {  	v4 =	vadd.f32 v4, v6;
	_ =	sdelay $0x1  }
0x12a: {  	s26 =	sadd.s32 $0x140, s26;
	[tilespmem:v5+s24+$0x0] =	vst.idx.add.f32.msk $0xffff, v4  }
0x12b: {  	_ =	swait.ge [sflag:s15], $0x2710  }
0x12c: {  	[sflag:s15] =	ssyncset.done $0x0  }
0x12d: {  	[sflag:s15] =	ssyncadd.s32 $0xFFFFD8F0  }
0x12e: {  	_ =	swait.ge [sflag:s15], $0x2710  }
0x12f: {  	[sflag:s15] =	ssyncset.done $0x0  }
0x130: {  	[sflag:s15] =	ssyncadd.s32 $0xFFFFD8F0  }
0x131: {  	_ =	swait.ge [sflag:s15], $0x2710  }
0x132: {  	[sflag:s15] =	ssyncset.done $0x0  }
0x133: {  	s26 =	simm.s32 $0x0;
	[sflag:s15] =	ssyncadd.s32 $0xFFFFD8F0  }
.LBB2_12:
0x134: {  	s28 =	sshra.s32 s26, $0x2  }
0x135: {  	v4 =	vld [tilespmem:s28+$0x4F00];
	_ =	sdelay $0x2  }
0x136: {  	v5 =	vld [tilespmem:s28+$0x9E00];
	_ =	sdelay $0x2  }
0x137: {  	v6 =	vld [tilespmem:s28+$0x0];
	_ =	sdelay $0x1  }
0x138: {  	v5 =	vmul.u32 $0x11, v5;
	v4 =	vld.idx.msk [tilespmem:v4+s10+$0x0], $0xffff;
	_ =	sdelay $0x1  }
0x139: {  	v5 =	vadd.s32 v0, v5  }
0x13a: {  	v6 =	vmul.f32 v6, v3;
	_ =	sdelay $0x1  }
0x13b: {  	v4 =	vadd.f32 v4, v6;
	_ =	sdelay $0x1  }
0x13c: {  	[tilespmem:v5+s16+$0x0] =	vst.idx.add.f32.msk $0xffff, v4  }
0x13d: {  	v4 =	vld [tilespmem:s28+$0x4F10];
	_ =	sdelay $0x2  }
0x13e: {  	v5 =	vld [tilespmem:s28+$0x9E10];
	_ =	sdelay $0x2  }
0x13f: {  	v60 =	vld [tilespmem:s28+$0x10];
	_ =	sdelay $0x1  }
0x140: {  	v5 =	vmul.u32 $0x11, v5;
	v4 =	vld.idx.msk [tilespmem:v4+s10+$0x0], $0xffff;
	_ =	sdelay $0x1  }
0x141: {  	v5 =	vadd.s32 v0, v5  }
0x142: {  	v6 =	vmul.f32 v60, v3;
	_ =	sdelay $0x1  }
0x143: {  	v4 =	vadd.f32 v4, v6;
	_ =	sdelay $0x1  }
0x144: {  	[tilespmem:v5+s17+$0x0] =	vst.idx.add.f32.msk $0xffff, v4  }
0x145: {  	v4 =	vld [tilespmem:s28+$0x4F20];
	_ =	sdelay $0x2  }
0x146: {  	v5 =	vld [tilespmem:s28+$0x9E20];
	_ =	sdelay $0x2  }
0x147: {  	v61 =	vld [tilespmem:s28+$0x20];
	_ =	sdelay $0x1  }
0x148: {  	v5 =	vmul.u32 $0x11, v5;
	v4 =	vld.idx.msk [tilespmem:v4+s10+$0x0], $0xffff;
	_ =	sdelay $0x1  }
0x149: {  	v5 =	vadd.s32 v0, v5  }
0x14a: {  	v6 =	vmul.f32 v61, v3;
	_ =	sdelay $0x1  }
0x14b: {  	v4 =	vadd.f32 v4, v6;
	_ =	sdelay $0x1  }
0x14c: {  	[tilespmem:v5+s19+$0x0] =	vst.idx.add.f32.msk $0xffff, v4  }
0x14d: {  	v4 =	vld [tilespmem:s28+$0x4F30];
	_ =	sdelay $0x2  }
0x14e: {  	v5 =	vld [tilespmem:s28+$0x9E30];
	_ =	sdelay $0x2  }
0x14f: {  	v62 =	vld [tilespmem:s28+$0x30];
	_ =	sdelay $0x1  }
0x150: {  	v5 =	vmul.u32 $0x11, v5;
	v4 =	vld.idx.msk [tilespmem:v4+s10+$0x0], $0xffff;
	_ =	sdelay $0x1  }
0x151: {  	v5 =	vadd.s32 v0, v5  }
0x152: {  	v6 =	vmul.f32 v62, v3;
	_ =	sdelay $0x1  }
0x153: {  	v4 =	vadd.f32 v4, v6;
	_ =	sdelay $0x1  }
0x154: {  	[tilespmem:v5+s12+$0x0] =	vst.idx.add.f32.msk $0xffff, v4  }
0x155: {  	v4 =	vld [tilespmem:s28+$0x4F40];
	_ =	sdelay $0x2  }
0x156: {  	v5 =	vld [tilespmem:s28+$0x9E40];
	_ =	sdelay $0x2  }
0x157: {  	v63 =	vld [tilespmem:s28+$0x40];
	_ =	sdelay $0x1  }
0x158: {  	v5 =	vmul.u32 $0x11, v5;
	v4 =	vld.idx.msk [tilespmem:v4+s10+$0x0], $0xffff;
	_ =	sdelay $0x1  }
0x159: {  	p0 =	sne.s32 s26, $0x9B00;
	v5 =	vadd.s32 v0, v5  }
.Ltmp5:
0x15a: {  	v6 =	vmul.f32 v63, v3;
	(pc) =	sbr.rel @p0 .LBB2_12-.Ltmp5, $3  }
0x15b: {  	_ = 	snop  }
0x15c: {  	v4 =	vadd.f32 v4, v6;
	_ =	sdelay $0x1  }
0x15d: {  	s26 =	sadd.s32 $0x140, s26;
	[tilespmem:v5+s24+$0x0] =	vst.idx.add.f32.msk $0xffff, v4  }
0x15e: {  	s26 =	simm.s32 $0x0  }
0x15f: {  	v3 =	vadd.s32 s26, v2  }
0x160: {  	s26 =	simm.s32 $0x1  }
0x161: {  	v4 =	vadd.s32 s26, v2  }
0x162: {  	s26 =	simm.s32 $0x2  }
0x163: {  	v5 =	vadd.s32 s26, v2  }
0x164: {  	s26 =	simm.s32 $0x3;
	v9 =	vld.idx.msk [tilespmem:v3+s16+$0x0], $0xffff  }
0x165: {  	v6 =	vadd.s32 s26, v2  }
0x166: {  	s26 =	simm.s32 $0x4;
	v10 =	vld.idx.msk [tilespmem:v4+s16+$0x0], $0xffff  }
0x167: {  	v7 =	vadd.s32 s26, v2  }
0x168: {  	s26 =	simm.s32 $0x5;
	v11 =	vld.idx.msk [tilespmem:v5+s16+$0x0], $0xffff  }
0x169: {  	v8 =	vadd.s32 s26, v2;
	v12 =	vadd.f32 $0.0e+00, v9  }
0x16a: {  	s26 =	simm.s32 $0x6;
	v13 =	vld.idx.msk [tilespmem:v6+s16+$0x0], $0xffff  }
0x16b: {  	v9 =	vadd.s32 s26, v2;
	v12 =	vadd.f32 v10, v12  }
0x16c: {  	v14 =	vld.idx.msk [tilespmem:v7+s16+$0x0], $0xffff;
	s26 =	simm.s32 $0x7  }
0x16d: {  	v10 =	vadd.s32 s26, v2;
	v12 =	vadd.f32 v11, v12  }
0x16e: {  	v15 =	vld.idx.msk [tilespmem:v8+s16+$0x0], $0xffff;
	s26 =	simm.s32 $0x8  }
0x16f: {  	v11 =	vadd.s32 s26, v2;
	v13 =	vadd.f32 v13, v12  }
0x170: {  	s26 =	simm.s32 $0x9;
	v16 =	vld.idx.msk [tilespmem:v9+s16+$0x0], $0xffff  }
0x171: {  	v12 =	vadd.s32 s26, v2;
	v14 =	vadd.f32 v14, v13  }
0x172: {  	s26 =	simm.s32 $0xA;
	v17 =	vld.idx.msk [tilespmem:v10+s16+$0x0], $0xffff  }
0x173: {  	v13 =	vadd.s32 s26, v2;
	v15 =	vadd.f32 v15, v14  }
0x174: {  	s26 =	simm.s32 $0xB;
	v18 =	vld.idx.msk [tilespmem:v11+s16+$0x0], $0xffff  }
0x175: {  	v14 =	vadd.s32 s26, v2;
	v16 =	vadd.f32 v16, v15  }
0x176: {  	s26 =	simm.s32 $0xC;
	v19 =	vld.idx.msk [tilespmem:v12+s16+$0x0], $0xffff  }
0x177: {  	v15 =	vadd.s32 s26, v2;
	v17 =	vadd.f32 v17, v16  }
0x178: {  	s26 =	simm.s32 $0xD;
	v20 =	vld.idx.msk [tilespmem:v13+s16+$0x0], $0xffff  }
0x179: {  	v16 =	vadd.s32 s26, v2;
	v18 =	vadd.f32 v18, v17  }
0x17a: {  	s26 =	simm.s32 $0xE;
	v21 =	vld.idx.msk [tilespmem:v14+s16+$0x0], $0xffff  }
0x17b: {  	v17 =	vadd.s32 s26, v2;
	v19 =	vadd.f32 v19, v18  }
0x17c: {  	s26 =	simm.s32 $0xF;
	v22 =	vld.idx.msk [tilespmem:v15+s16+$0x0], $0xffff  }
0x17d: {  	v18 =	vadd.s32 s26, v2;
	v19 =	vadd.f32 v20, v19  }
0x17e: {  	v28 =	vld.idx.msk [tilespmem:v16+s16+$0x0], $0xffff  }
0x17f: {  	v19 =	vadd.f32 v21, v19  }
0x180: {  	v29 =	vld.idx.msk [tilespmem:v17+s16+$0x0], $0xffff  }
0x181: {  	v19 =	vadd.f32 v22, v19  }
0x182: {  	v30 =	vld.idx.msk [tilespmem:v18+s16+$0x0], $0xffff  }
0x183: {  	v19 =	vadd.f32 v28, v19  }
0x184: {  	v31 =	vld.idx.msk [tilespmem:v3+s17+$0x0], $0xffff  }
0x185: {  	v19 =	vadd.f32 v29, v19  }
0x186: {  	v32 =	vld.idx.msk [tilespmem:v4+s17+$0x0], $0xffff  }
0x187: {  	v19 =	vadd.f32 v30, v19  }
0x188: {  	v33 =	vld.idx.msk [tilespmem:v5+s17+$0x0], $0xffff  }
0x189: {  	v19 =	vadd.f32 v31, v19  }
0x18a: {  	v34 =	vld.idx.msk [tilespmem:v6+s17+$0x0], $0xffff  }
0x18b: {  	v19 =	vadd.f32 v32, v19  }
0x18c: {  	v35 =	vld.idx.msk [tilespmem:v7+s17+$0x0], $0xffff  }
0x18d: {  	v19 =	vadd.f32 v33, v19  }
0x18e: {  	v36 =	vld.idx.msk [tilespmem:v8+s17+$0x0], $0xffff  }
0x18f: {  	v19 =	vadd.f32 v34, v19  }
0x190: {  	v37 =	vld.idx.msk [tilespmem:v9+s17+$0x0], $0xffff  }
0x191: {  	v19 =	vadd.f32 v35, v19  }
0x192: {  	v38 =	vld.idx.msk [tilespmem:v10+s17+$0x0], $0xffff  }
0x193: {  	v19 =	vadd.f32 v36, v19  }
0x194: {  	v39 =	vld.idx.msk [tilespmem:v11+s17+$0x0], $0xffff  }
0x195: {  	v19 =	vadd.f32 v37, v19  }
0x196: {  	v40 =	vld.idx.msk [tilespmem:v12+s17+$0x0], $0xffff  }
0x197: {  	v19 =	vadd.f32 v38, v19  }
0x198: {  	v41 =	vld.idx.msk [tilespmem:v13+s17+$0x0], $0xffff  }
0x199: {  	v19 =	vadd.f32 v39, v19  }
0x19a: {  	v42 =	vld.idx.msk [tilespmem:v14+s17+$0x0], $0xffff  }
0x19b: {  	v19 =	vadd.f32 v40, v19  }
0x19c: {  	v43 =	vld.idx.msk [tilespmem:v15+s17+$0x0], $0xffff  }
0x19d: {  	v19 =	vadd.f32 v41, v19  }
0x19e: {  	v44 =	vld.idx.msk [tilespmem:v16+s17+$0x0], $0xffff  }
0x19f: {  	v19 =	vadd.f32 v42, v19  }
0x1a0: {  	v45 =	vld.idx.msk [tilespmem:v17+s17+$0x0], $0xffff  }
0x1a1: {  	v19 =	vadd.f32 v43, v19  }
0x1a2: {  	v46 =	vld.idx.msk [tilespmem:v18+s17+$0x0], $0xffff  }
0x1a3: {  	v19 =	vadd.f32 v44, v19  }
0x1a4: {  	v47 =	vld.idx.msk [tilespmem:v3+s19+$0x0], $0xffff  }
0x1a5: {  	v19 =	vadd.f32 v45, v19  }
0x1a6: {  	v48 =	vld.idx.msk [tilespmem:v4+s19+$0x0], $0xffff  }
0x1a7: {  	v19 =	vadd.f32 v46, v19  }
0x1a8: {  	v49 =	vld.idx.msk [tilespmem:v5+s19+$0x0], $0xffff  }
0x1a9: {  	v19 =	vadd.f32 v47, v19  }
0x1aa: {  	v50 =	vld.idx.msk [tilespmem:v6+s19+$0x0], $0xffff  }
0x1ab: {  	v19 =	vadd.f32 v48, v19  }
0x1ac: {  	v51 =	vld.idx.msk [tilespmem:v7+s19+$0x0], $0xffff  }
0x1ad: {  	v19 =	vadd.f32 v49, v19  }
0x1ae: {  	v52 =	vld.idx.msk [tilespmem:v8+s19+$0x0], $0xffff  }
0x1af: {  	v19 =	vadd.f32 v50, v19  }
0x1b0: {  	v53 =	vld.idx.msk [tilespmem:v9+s19+$0x0], $0xffff  }
0x1b1: {  	v19 =	vadd.f32 v51, v19  }
0x1b2: {  	v54 =	vld.idx.msk [tilespmem:v10+s19+$0x0], $0xffff  }
0x1b3: {  	v19 =	vadd.f32 v52, v19  }
0x1b4: {  	v55 =	vld.idx.msk [tilespmem:v11+s19+$0x0], $0xffff  }
0x1b5: {  	v19 =	vadd.f32 v53, v19  }
0x1b6: {  	v56 =	vld.idx.msk [tilespmem:v12+s19+$0x0], $0xffff  }
0x1b7: {  	v19 =	vadd.f32 v54, v19  }
0x1b8: {  	v57 =	vld.idx.msk [tilespmem:v13+s19+$0x0], $0xffff  }
0x1b9: {  	v19 =	vadd.f32 v55, v19  }
0x1ba: {  	v58 =	vld.idx.msk [tilespmem:v14+s19+$0x0], $0xffff  }
0x1bb: {  	v19 =	vadd.f32 v56, v19  }
0x1bc: {  	v59 =	vld.idx.msk [tilespmem:v15+s19+$0x0], $0xffff  }
0x1bd: {  	v19 =	vadd.f32 v57, v19  }
0x1be: {  	v60 =	vld.idx.msk [tilespmem:v16+s19+$0x0], $0xffff  }
0x1bf: {  	v19 =	vadd.f32 v58, v19  }
0x1c0: {  	v61 =	vld.idx.msk [tilespmem:v17+s19+$0x0], $0xffff  }
0x1c1: {  	v19 =	vadd.f32 v59, v19  }
0x1c2: {  	v62 =	vld.idx.msk [tilespmem:v18+s19+$0x0], $0xffff  }
0x1c3: {  	v19 =	vadd.f32 v60, v19  }
0x1c4: {  	v63 =	vld.idx.msk [tilespmem:v3+s12+$0x0], $0xffff  }
0x1c5: {  	v19 =	vadd.f32 v61, v19  }
0x1c6: {  	v24 =	vld.idx.msk [tilespmem:v4+s12+$0x0], $0xffff  }
0x1c7: {  	v19 =	vadd.f32 v62, v19  }
0x1c8: {  	v25 =	vld.idx.msk [tilespmem:v5+s12+$0x0], $0xffff  }
0x1c9: {  	v19 =	vadd.f32 v63, v19  }
0x1ca: {  	v26 =	vld.idx.msk [tilespmem:v6+s12+$0x0], $0xffff  }
0x1cb: {  	v19 =	vadd.f32 v24, v19  }
0x1cc: {  	v27 =	vld.idx.msk [tilespmem:v7+s12+$0x0], $0xffff  }
0x1cd: {  	v19 =	vadd.f32 v25, v19  }
0x1ce: {  	v28 =	vld.idx.msk [tilespmem:v8+s12+$0x0], $0xffff  }
0x1cf: {  	v19 =	vadd.f32 v26, v19  }
0x1d0: {  	v29 =	vld.idx.msk [tilespmem:v9+s12+$0x0], $0xffff  }
0x1d1: {  	v19 =	vadd.f32 v27, v19  }
0x1d2: {  	v30 =	vld.idx.msk [tilespmem:v10+s12+$0x0], $0xffff  }
0x1d3: {  	v19 =	vadd.f32 v28, v19  }
0x1d4: {  	v31 =	vld.idx.msk [tilespmem:v11+s12+$0x0], $0xffff  }
0x1d5: {  	v19 =	vadd.f32 v29, v19  }
0x1d6: {  	v32 =	vld.idx.msk [tilespmem:v12+s12+$0x0], $0xffff  }
0x1d7: {  	v19 =	vadd.f32 v30, v19  }
0x1d8: {  	v33 =	vld.idx.msk [tilespmem:v13+s12+$0x0], $0xffff  }
0x1d9: {  	v19 =	vadd.f32 v31, v19  }
0x1da: {  	v34 =	vld.idx.msk [tilespmem:v14+s12+$0x0], $0xffff  }
0x1db: {  	v19 =	vadd.f32 v32, v19  }
0x1dc: {  	v35 =	vld.idx.msk [tilespmem:v15+s12+$0x0], $0xffff  }
0x1dd: {  	v19 =	vadd.f32 v33, v19  }
0x1de: {  	v36 =	vld.idx.msk [tilespmem:v16+s12+$0x0], $0xffff  }
0x1df: {  	v19 =	vadd.f32 v34, v19  }
0x1e0: {  	v37 =	vld.idx.msk [tilespmem:v17+s12+$0x0], $0xffff  }
0x1e1: {  	v19 =	vadd.f32 v35, v19  }
0x1e2: {  	v38 =	vld.idx.msk [tilespmem:v18+s12+$0x0], $0xffff  }
0x1e3: {  	v19 =	vadd.f32 v36, v19  }
0x1e4: {  	v3 =	vld.idx.msk [tilespmem:v3+s24+$0x0], $0xffff  }
0x1e5: {  	v19 =	vadd.f32 v37, v19  }
0x1e6: {  	v4 =	vld.idx.msk [tilespmem:v4+s24+$0x0], $0xffff  }
0x1e7: {  	v19 =	vadd.f32 v38, v19  }
0x1e8: {  	v5 =	vld.idx.msk [tilespmem:v5+s24+$0x0], $0xffff  }
0x1e9: {  	v3 =	vadd.f32 v3, v19  }
0x1ea: {  	v6 =	vld.idx.msk [tilespmem:v6+s24+$0x0], $0xffff  }
0x1eb: {  	v3 =	vadd.f32 v4, v3  }
0x1ec: {  	v4 =	vld.idx.msk [tilespmem:v7+s24+$0x0], $0xffff  }
0x1ed: {  	v3 =	vadd.f32 v5, v3  }
0x1ee: {  	v5 =	vld.idx.msk [tilespmem:v8+s24+$0x0], $0xffff  }
0x1ef: {  	v3 =	vadd.f32 v6, v3  }
0x1f0: {  	v6 =	vld.idx.msk [tilespmem:v9+s24+$0x0], $0xffff  }
0x1f1: {  	v3 =	vadd.f32 v4, v3  }
0x1f2: {  	v4 =	vld.idx.msk [tilespmem:v10+s24+$0x0], $0xffff  }
0x1f3: {  	v3 =	vadd.f32 v5, v3  }
0x1f4: {  	v5 =	vld.idx.msk [tilespmem:v11+s24+$0x0], $0xffff  }
0x1f5: {  	v3 =	vadd.f32 v6, v3  }
0x1f6: {  	v6 =	vld.idx.msk [tilespmem:v12+s24+$0x0], $0xffff  }
0x1f7: {  	v3 =	vadd.f32 v4, v3  }
0x1f8: {  	v4 =	vld.idx.msk [tilespmem:v13+s24+$0x0], $0xffff  }
0x1f9: {  	v3 =	vadd.f32 v5, v3  }
0x1fa: {  	v5 =	vld.idx.msk [tilespmem:v14+s24+$0x0], $0xffff  }
0x1fb: {  	v3 =	vadd.f32 v6, v3  }
0x1fc: {  	v6 =	vld.idx.msk [tilespmem:v15+s24+$0x0], $0xffff  }
0x1fd: {  	v3 =	vadd.f32 v4, v3  }
0x1fe: {  	v4 =	vld.idx.msk [tilespmem:v16+s24+$0x0], $0xffff  }
0x1ff: {  	v3 =	vadd.f32 v5, v3  }
0x200: {  	v5 =	vld.idx.msk [tilespmem:v17+s24+$0x0], $0xffff  }
0x201: {  	v3 =	vadd.f32 v6, v3  }
0x202: {  	v6 =	vld.idx.msk [tilespmem:v18+s24+$0x0], $0xffff  }
0x203: {  	v4 =	vadd.f32 v4, v3  }
0x204: {  	s26 =	simm.s32 $0x110  }
0x205: {  	v3 =	vadd.s32 s26, v2;
	v5 =	vadd.f32 v5, v4  }
0x206: {  	s26 =	simm.s32 $0x111  }
0x207: {  	v4 =	vadd.s32 s26, v2;
	v6 =	vadd.f32 v6, v5  }
0x208: {  	s28 =	simm.s32 $0x112;
	s26 =	simm.s32 $0x19980  }
0x209: {  	v5 =	vadd.s32 s28, v2;
	[tilespmem:s26+$0x0] =	vst v6  }
0x20a: {  	s28 =	simm.s32 $0x113;
	v39 =	vld.idx.msk [tilespmem:v3+s16+$0x0], $0xffff  }
0x20b: {  	v6 =	vadd.s32 s28, v2  }
0x20c: {  	s28 =	simm.s32 $0x114;
	v40 =	vld.idx.msk [tilespmem:v4+s16+$0x0], $0xffff  }
0x20d: {  	v7 =	vadd.s32 s28, v2  }
0x20e: {  	s28 =	simm.s32 $0x115;
	v41 =	vld.idx.msk [tilespmem:v5+s16+$0x0], $0xffff  }
0x20f: {  	v8 =	vadd.s32 s28, v2;
	v42 =	vadd.f32 $0.0e+00, v39  }
0x210: {  	s28 =	simm.s32 $0x116;
	v43 =	vld.idx.msk [tilespmem:v6+s16+$0x0], $0xffff  }
0x211: {  	v9 =	vadd.s32 s28, v2;
	v12 =	vadd.f32 v40, v42  }
0x212: {  	s28 =	simm.s32 $0x117;
	v44 =	vld.idx.msk [tilespmem:v7+s16+$0x0], $0xffff  }
0x213: {  	v10 =	vadd.s32 s28, v2;
	v12 =	vadd.f32 v41, v12  }
0x214: {  	s28 =	simm.s32 $0x118;
	v45 =	vld.idx.msk [tilespmem:v8+s16+$0x0], $0xffff  }
0x215: {  	v11 =	vadd.s32 s28, v2;
	v13 =	vadd.f32 v43, v12  }
0x216: {  	s28 =	simm.s32 $0x119;
	v46 =	vld.idx.msk [tilespmem:v9+s16+$0x0], $0xffff  }
0x217: {  	v12 =	vadd.s32 s28, v2;
	v14 =	vadd.f32 v44, v13  }
0x218: {  	v47 =	vld.idx.msk [tilespmem:v10+s16+$0x0], $0xffff;
	s28 =	simm.s32 $0x11A  }
0x219: {  	v13 =	vadd.s32 s28, v2;
	v15 =	vadd.f32 v45, v14  }
0x21a: {  	v48 =	vld.idx.msk [tilespmem:v11+s16+$0x0], $0xffff;
	s28 =	simm.s32 $0x11B  }
0x21b: {  	v14 =	vadd.s32 s28, v2;
	v16 =	vadd.f32 v46, v15  }
0x21c: {  	s28 =	simm.s32 $0x11C;
	v49 =	vld.idx.msk [tilespmem:v12+s16+$0x0], $0xffff  }
0x21d: {  	v15 =	vadd.s32 s28, v2;
	v17 =	vadd.f32 v47, v16  }
0x21e: {  	s28 =	simm.s32 $0x11D;
	v50 =	vld.idx.msk [tilespmem:v13+s16+$0x0], $0xffff  }
0x21f: {  	v16 =	vadd.s32 s28, v2;
	v18 =	vadd.f32 v48, v17  }
0x220: {  	s28 =	simm.s32 $0x11E;
	v51 =	vld.idx.msk [tilespmem:v14+s16+$0x0], $0xffff  }
0x221: {  	v17 =	vadd.s32 s28, v2;
	v19 =	vadd.f32 v49, v18  }
0x222: {  	s28 =	simm.s32 $0x11F;
	v52 =	vld.idx.msk [tilespmem:v15+s16+$0x0], $0xffff  }
0x223: {  	v18 =	vadd.s32 s28, v2;
	v19 =	vadd.f32 v50, v19  }
0x224: {  	v53 =	vld.idx.msk [tilespmem:v16+s16+$0x0], $0xffff  }
0x225: {  	v19 =	vadd.f32 v51, v19  }
0x226: {  	v54 =	vld.idx.msk [tilespmem:v17+s16+$0x0], $0xffff  }
0x227: {  	v19 =	vadd.f32 v52, v19  }
0x228: {  	v55 =	vld.idx.msk [tilespmem:v18+s16+$0x0], $0xffff  }
0x229: {  	v19 =	vadd.f32 v53, v19  }
0x22a: {  	v56 =	vld.idx.msk [tilespmem:v3+s17+$0x0], $0xffff  }
0x22b: {  	v19 =	vadd.f32 v54, v19  }
0x22c: {  	v57 =	vld.idx.msk [tilespmem:v4+s17+$0x0], $0xffff  }
0x22d: {  	v19 =	vadd.f32 v55, v19  }
0x22e: {  	v58 =	vld.idx.msk [tilespmem:v5+s17+$0x0], $0xffff  }
0x22f: {  	v19 =	vadd.f32 v56, v19  }
0x230: {  	v59 =	vld.idx.msk [tilespmem:v6+s17+$0x0], $0xffff  }
0x231: {  	v19 =	vadd.f32 v57, v19  }
0x232: {  	v60 =	vld.idx.msk [tilespmem:v7+s17+$0x0], $0xffff  }
0x233: {  	v19 =	vadd.f32 v58, v19  }
0x234: {  	v61 =	vld.idx.msk [tilespmem:v8+s17+$0x0], $0xffff  }
0x235: {  	v19 =	vadd.f32 v59, v19  }
0x236: {  	v62 =	vld.idx.msk [tilespmem:v9+s17+$0x0], $0xffff  }
0x237: {  	v19 =	vadd.f32 v60, v19  }
0x238: {  	v63 =	vld.idx.msk [tilespmem:v10+s17+$0x0], $0xffff  }
0x239: {  	v19 =	vadd.f32 v61, v19  }
0x23a: {  	v24 =	vld.idx.msk [tilespmem:v11+s17+$0x0], $0xffff  }
0x23b: {  	v19 =	vadd.f32 v62, v19  }
0x23c: {  	v25 =	vld.idx.msk [tilespmem:v12+s17+$0x0], $0xffff  }
0x23d: {  	v19 =	vadd.f32 v63, v19  }
0x23e: {  	v26 =	vld.idx.msk [tilespmem:v13+s17+$0x0], $0xffff  }
0x23f: {  	v19 =	vadd.f32 v24, v19  }
0x240: {  	v27 =	vld.idx.msk [tilespmem:v14+s17+$0x0], $0xffff  }
0x241: {  	v19 =	vadd.f32 v25, v19  }
0x242: {  	v28 =	vld.idx.msk [tilespmem:v15+s17+$0x0], $0xffff  }
0x243: {  	v19 =	vadd.f32 v26, v19  }
0x244: {  	v29 =	vld.idx.msk [tilespmem:v16+s17+$0x0], $0xffff  }
0x245: {  	v19 =	vadd.f32 v27, v19  }
0x246: {  	v30 =	vld.idx.msk [tilespmem:v17+s17+$0x0], $0xffff  }
0x247: {  	v19 =	vadd.f32 v28, v19  }
0x248: {  	v31 =	vld.idx.msk [tilespmem:v18+s17+$0x0], $0xffff  }
0x249: {  	v19 =	vadd.f32 v29, v19  }
0x24a: {  	v32 =	vld.idx.msk [tilespmem:v3+s19+$0x0], $0xffff  }
0x24b: {  	v19 =	vadd.f32 v30, v19  }
0x24c: {  	v33 =	vld.idx.msk [tilespmem:v4+s19+$0x0], $0xffff  }
0x24d: {  	v19 =	vadd.f32 v31, v19  }
0x24e: {  	v34 =	vld.idx.msk [tilespmem:v5+s19+$0x0], $0xffff  }
0x24f: {  	v19 =	vadd.f32 v32, v19  }
0x250: {  	v35 =	vld.idx.msk [tilespmem:v6+s19+$0x0], $0xffff  }
0x251: {  	v19 =	vadd.f32 v33, v19  }
0x252: {  	v36 =	vld.idx.msk [tilespmem:v7+s19+$0x0], $0xffff  }
0x253: {  	v19 =	vadd.f32 v34, v19  }
0x254: {  	v37 =	vld.idx.msk [tilespmem:v8+s19+$0x0], $0xffff  }
0x255: {  	v19 =	vadd.f32 v35, v19  }
0x256: {  	v38 =	vld.idx.msk [tilespmem:v9+s19+$0x0], $0xffff  }
0x257: {  	v19 =	vadd.f32 v36, v19  }
0x258: {  	v39 =	vld.idx.msk [tilespmem:v10+s19+$0x0], $0xffff  }
0x259: {  	v19 =	vadd.f32 v37, v19  }
0x25a: {  	v40 =	vld.idx.msk [tilespmem:v11+s19+$0x0], $0xffff  }
0x25b: {  	v19 =	vadd.f32 v38, v19  }
0x25c: {  	v41 =	vld.idx.msk [tilespmem:v12+s19+$0x0], $0xffff  }
0x25d: {  	v19 =	vadd.f32 v39, v19  }
0x25e: {  	v42 =	vld.idx.msk [tilespmem:v13+s19+$0x0], $0xffff  }
0x25f: {  	v19 =	vadd.f32 v40, v19  }
0x260: {  	v43 =	vld.idx.msk [tilespmem:v14+s19+$0x0], $0xffff  }
0x261: {  	v19 =	vadd.f32 v41, v19  }
0x262: {  	v44 =	vld.idx.msk [tilespmem:v15+s19+$0x0], $0xffff  }
0x263: {  	v19 =	vadd.f32 v42, v19  }
0x264: {  	v45 =	vld.idx.msk [tilespmem:v16+s19+$0x0], $0xffff  }
0x265: {  	v19 =	vadd.f32 v43, v19  }
0x266: {  	v46 =	vld.idx.msk [tilespmem:v17+s19+$0x0], $0xffff  }
0x267: {  	v19 =	vadd.f32 v44, v19  }
0x268: {  	v47 =	vld.idx.msk [tilespmem:v18+s19+$0x0], $0xffff  }
0x269: {  	v19 =	vadd.f32 v45, v19  }
0x26a: {  	v48 =	vld.idx.msk [tilespmem:v3+s12+$0x0], $0xffff  }
0x26b: {  	v19 =	vadd.f32 v46, v19  }
0x26c: {  	v49 =	vld.idx.msk [tilespmem:v4+s12+$0x0], $0xffff  }
0x26d: {  	v19 =	vadd.f32 v47, v19  }
0x26e: {  	v50 =	vld.idx.msk [tilespmem:v5+s12+$0x0], $0xffff  }
0x26f: {  	v19 =	vadd.f32 v48, v19  }
0x270: {  	v51 =	vld.idx.msk [tilespmem:v6+s12+$0x0], $0xffff  }
0x271: {  	v19 =	vadd.f32 v49, v19  }
0x272: {  	v52 =	vld.idx.msk [tilespmem:v7+s12+$0x0], $0xffff  }
0x273: {  	v19 =	vadd.f32 v50, v19  }
0x274: {  	v53 =	vld.idx.msk [tilespmem:v8+s12+$0x0], $0xffff  }
0x275: {  	v19 =	vadd.f32 v51, v19  }
0x276: {  	v54 =	vld.idx.msk [tilespmem:v9+s12+$0x0], $0xffff  }
0x277: {  	v19 =	vadd.f32 v52, v19  }
0x278: {  	v55 =	vld.idx.msk [tilespmem:v10+s12+$0x0], $0xffff  }
0x279: {  	v19 =	vadd.f32 v53, v19  }
0x27a: {  	v56 =	vld.idx.msk [tilespmem:v11+s12+$0x0], $0xffff  }
0x27b: {  	v19 =	vadd.f32 v54, v19  }
0x27c: {  	v57 =	vld.idx.msk [tilespmem:v12+s12+$0x0], $0xffff  }
0x27d: {  	v19 =	vadd.f32 v55, v19  }
0x27e: {  	v58 =	vld.idx.msk [tilespmem:v13+s12+$0x0], $0xffff  }
0x27f: {  	v19 =	vadd.f32 v56, v19  }
0x280: {  	v59 =	vld.idx.msk [tilespmem:v14+s12+$0x0], $0xffff  }
0x281: {  	v19 =	vadd.f32 v57, v19  }
0x282: {  	v60 =	vld.idx.msk [tilespmem:v15+s12+$0x0], $0xffff  }
0x283: {  	v19 =	vadd.f32 v58, v19  }
0x284: {  	v61 =	vld.idx.msk [tilespmem:v16+s12+$0x0], $0xffff  }
0x285: {  	v19 =	vadd.f32 v59, v19  }
0x286: {  	v62 =	vld.idx.msk [tilespmem:v17+s12+$0x0], $0xffff  }
0x287: {  	v19 =	vadd.f32 v60, v19  }
0x288: {  	v63 =	vld.idx.msk [tilespmem:v18+s12+$0x0], $0xffff  }
0x289: {  	v19 =	vadd.f32 v61, v19  }
0x28a: {  	v3 =	vld.idx.msk [tilespmem:v3+s24+$0x0], $0xffff  }
0x28b: {  	v19 =	vadd.f32 v62, v19  }
0x28c: {  	v4 =	vld.idx.msk [tilespmem:v4+s24+$0x0], $0xffff  }
0x28d: {  	v19 =	vadd.f32 v63, v19  }
0x28e: {  	v5 =	vld.idx.msk [tilespmem:v5+s24+$0x0], $0xffff  }
0x28f: {  	v3 =	vadd.f32 v3, v19  }
0x290: {  	v6 =	vld.idx.msk [tilespmem:v6+s24+$0x0], $0xffff  }
0x291: {  	v3 =	vadd.f32 v4, v3  }
0x292: {  	v4 =	vld.idx.msk [tilespmem:v7+s24+$0x0], $0xffff  }
0x293: {  	v3 =	vadd.f32 v5, v3  }
0x294: {  	v5 =	vld.idx.msk [tilespmem:v8+s24+$0x0], $0xffff  }
0x295: {  	v3 =	vadd.f32 v6, v3  }
0x296: {  	v6 =	vld.idx.msk [tilespmem:v9+s24+$0x0], $0xffff  }
0x297: {  	v3 =	vadd.f32 v4, v3  }
0x298: {  	v4 =	vld.idx.msk [tilespmem:v10+s24+$0x0], $0xffff  }
0x299: {  	v3 =	vadd.f32 v5, v3  }
0x29a: {  	v5 =	vld.idx.msk [tilespmem:v11+s24+$0x0], $0xffff  }
0x29b: {  	v3 =	vadd.f32 v6, v3  }
0x29c: {  	v6 =	vld.idx.msk [tilespmem:v12+s24+$0x0], $0xffff  }
0x29d: {  	v3 =	vadd.f32 v4, v3  }
0x29e: {  	v4 =	vld.idx.msk [tilespmem:v13+s24+$0x0], $0xffff  }
0x29f: {  	v3 =	vadd.f32 v5, v3  }
0x2a0: {  	v5 =	vld.idx.msk [tilespmem:v14+s24+$0x0], $0xffff  }
0x2a1: {  	v3 =	vadd.f32 v6, v3  }
0x2a2: {  	v6 =	vld.idx.msk [tilespmem:v15+s24+$0x0], $0xffff  }
0x2a3: {  	v3 =	vadd.f32 v4, v3  }
0x2a4: {  	v7 =	vld.idx.msk [tilespmem:v16+s24+$0x0], $0xffff  }
0x2a5: {  	v3 =	vadd.f32 v5, v3  }
0x2a6: {  	v4 =	vld.idx.msk [tilespmem:v17+s24+$0x0], $0xffff  }
0x2a7: {  	v3 =	vadd.f32 v6, v3  }
0x2a8: {  	v5 =	vld.idx.msk [tilespmem:v18+s24+$0x0], $0xffff  }
0x2a9: {  	v6 =	vadd.f32 v7, v3  }
0x2aa: {  	s30 =	simm.s32 $0x220;
	s29 =	simm.s32 $0x33F;
	s28 =	simm.s32 $0x22F  }
.LBB2_14:
0x2ab: {  	p0 =	sne.s32 s29, $0x20FF;
	v3 =	vadd.s32 s30, v2;
	v6 =	vadd.f32 v4, v6  }
0x2ac: {  	s30 =	sadd.s32 $0xFFFFFFF2, s28  }
0x2ad: {  	v4 =	vadd.s32 s30, v2;
	v6 =	vadd.f32 v5, v6  }
0x2ae: {  	s26 =	sadd.s32 $0x10, s26;
	s30 =	sadd.s32 $0xFFFFFFF3, s28  }
0x2af: {  	v5 =	vadd.s32 s30, v2;
	[tilespmem:s26+$0x0] =	vst v6  }
0x2b0: {  	s30 =	sadd.s32 $0xFFFFFFF4, s28;
	v9 =	vld.idx.msk [tilespmem:v3+s16+$0x0], $0xffff  }
0x2b1: {  	v6 =	vadd.s32 s30, v2  }
0x2b2: {  	s30 =	sadd.s32 $0xFFFFFFF5, s28;
	v10 =	vld.idx.msk [tilespmem:v4+s16+$0x0], $0xffff  }
0x2b3: {  	v7 =	vadd.s32 s30, v2  }
0x2b4: {  	s30 =	sadd.s32 $0xFFFFFFF6, s28;
	v11 =	vld.idx.msk [tilespmem:v5+s16+$0x0], $0xffff  }
0x2b5: {  	v8 =	vadd.s32 s30, v2  }
0x2b6: {  	s30 =	sadd.s32 $0xFFFFFFF7, s28;
	v12 =	vadd.f32 $0.0e+00, v9;
	v13 =	vld.idx.msk [tilespmem:v6+s16+$0x0], $0xffff  }
0x2b7: {  	v9 =	vadd.s32 s30, v2  }
0x2b8: {  	s30 =	sadd.s32 $0xFFFFFFF8, s28;
	v12 =	vadd.f32 v10, v12;
	v14 =	vld.idx.msk [tilespmem:v7+s16+$0x0], $0xffff  }
0x2b9: {  	v10 =	vadd.s32 s30, v2  }
0x2ba: {  	s30 =	sadd.s32 $0xFFFFFFF9, s28;
	v12 =	vadd.f32 v11, v12;
	v15 =	vld.idx.msk [tilespmem:v8+s16+$0x0], $0xffff  }
0x2bb: {  	v11 =	vadd.s32 s30, v2  }
0x2bc: {  	s30 =	sadd.s32 $0xFFFFFFFA, s28;
	v13 =	vadd.f32 v13, v12;
	v16 =	vld.idx.msk [tilespmem:v9+s16+$0x0], $0xffff  }
0x2bd: {  	v12 =	vadd.s32 s30, v2  }
0x2be: {  	s30 =	sadd.s32 $0xFFFFFFFB, s28;
	v14 =	vadd.f32 v14, v13;
	v17 =	vld.idx.msk [tilespmem:v10+s16+$0x0], $0xffff  }
0x2bf: {  	v13 =	vadd.s32 s30, v2  }
0x2c0: {  	s30 =	sadd.s32 $0xFFFFFFFC, s28;
	v15 =	vadd.f32 v15, v14;
	v18 =	vld.idx.msk [tilespmem:v11+s16+$0x0], $0xffff  }
0x2c1: {  	v14 =	vadd.s32 s30, v2  }
0x2c2: {  	s30 =	sadd.s32 $0xFFFFFFFD, s28;
	v16 =	vadd.f32 v16, v15;
	v19 =	vld.idx.msk [tilespmem:v12+s16+$0x0], $0xffff  }
0x2c3: {  	v15 =	vadd.s32 s30, v2  }
0x2c4: {  	s30 =	sadd.s32 $0xFFFFFFFE, s28;
	v17 =	vadd.f32 v17, v16;
	v20 =	vld.idx.msk [tilespmem:v13+s16+$0x0], $0xffff  }
0x2c5: {  	v16 =	vadd.s32 s30, v2  }
0x2c6: {  	s30 =	sadd.s32 $0xFFFFFFFF, s28;
	v18 =	vadd.f32 v18, v17;
	v21 =	vld.idx.msk [tilespmem:v14+s16+$0x0], $0xffff  }
0x2c7: {  	v17 =	vadd.s32 s30, v2  }
0x2c8: {  	v19 =	vadd.f32 v19, v18;
	v22 =	vld.idx.msk [tilespmem:v15+s16+$0x0], $0xffff  }
0x2c9: {  	v18 =	vadd.s32 s28, v2;
	s28 =	smov.u32 s29  }
0x2ca: {  	v19 =	vadd.f32 v20, v19;
	v20 =	vld.idx.msk [tilespmem:v16+s16+$0x0], $0xffff;
	_ =	sdelay $0x1  }
0x2cb: {  	v19 =	vadd.f32 v21, v19;
	v21 =	vld.idx.msk [tilespmem:v17+s16+$0x0], $0xffff;
	_ =	sdelay $0x1  }
0x2cc: {  	v19 =	vadd.f32 v22, v19;
	v22 =	vld.idx.msk [tilespmem:v18+s16+$0x0], $0xffff;
	_ =	sdelay $0x1  }
0x2cd: {  	v19 =	vadd.f32 v20, v19;
	v20 =	vld.idx.msk [tilespmem:v3+s17+$0x0], $0xffff;
	_ =	sdelay $0x1  }
0x2ce: {  	v19 =	vadd.f32 v21, v19;
	v21 =	vld.idx.msk [tilespmem:v4+s17+$0x0], $0xffff;
	_ =	sdelay $0x1  }
0x2cf: {  	v19 =	vadd.f32 v22, v19;
	v22 =	vld.idx.msk [tilespmem:v5+s17+$0x0], $0xffff;
	_ =	sdelay $0x1  }
0x2d0: {  	v19 =	vadd.f32 v20, v19;
	v20 =	vld.idx.msk [tilespmem:v6+s17+$0x0], $0xffff;
	_ =	sdelay $0x1  }
0x2d1: {  	v19 =	vadd.f32 v21, v19;
	v21 =	vld.idx.msk [tilespmem:v7+s17+$0x0], $0xffff;
	_ =	sdelay $0x1  }
0x2d2: {  	v19 =	vadd.f32 v22, v19;
	v22 =	vld.idx.msk [tilespmem:v8+s17+$0x0], $0xffff;
	_ =	sdelay $0x1  }
0x2d3: {  	v19 =	vadd.f32 v20, v19;
	v20 =	vld.idx.msk [tilespmem:v9+s17+$0x0], $0xffff;
	_ =	sdelay $0x1  }
0x2d4: {  	v19 =	vadd.f32 v21, v19;
	v21 =	vld.idx.msk [tilespmem:v10+s17+$0x0], $0xffff;
	_ =	sdelay $0x1  }
0x2d5: {  	v19 =	vadd.f32 v22, v19;
	v22 =	vld.idx.msk [tilespmem:v11+s17+$0x0], $0xffff;
	_ =	sdelay $0x1  }
0x2d6: {  	v19 =	vadd.f32 v20, v19;
	v20 =	vld.idx.msk [tilespmem:v12+s17+$0x0], $0xffff;
	_ =	sdelay $0x1  }
0x2d7: {  	v19 =	vadd.f32 v21, v19;
	v21 =	vld.idx.msk [tilespmem:v13+s17+$0x0], $0xffff;
	_ =	sdelay $0x1  }
0x2d8: {  	v19 =	vadd.f32 v22, v19;
	v22 =	vld.idx.msk [tilespmem:v14+s17+$0x0], $0xffff;
	_ =	sdelay $0x1  }
0x2d9: {  	v19 =	vadd.f32 v20, v19;
	v20 =	vld.idx.msk [tilespmem:v15+s17+$0x0], $0xffff;
	_ =	sdelay $0x1  }
0x2da: {  	v19 =	vadd.f32 v21, v19;
	v21 =	vld.idx.msk [tilespmem:v16+s17+$0x0], $0xffff;
	_ =	sdelay $0x1  }
0x2db: {  	v19 =	vadd.f32 v22, v19;
	v22 =	vld.idx.msk [tilespmem:v17+s17+$0x0], $0xffff;
	_ =	sdelay $0x1  }
0x2dc: {  	v19 =	vadd.f32 v20, v19;
	v20 =	vld.idx.msk [tilespmem:v18+s17+$0x0], $0xffff;
	_ =	sdelay $0x1  }
0x2dd: {  	v19 =	vadd.f32 v21, v19;
	v21 =	vld.idx.msk [tilespmem:v3+s19+$0x0], $0xffff;
	_ =	sdelay $0x1  }
0x2de: {  	v19 =	vadd.f32 v22, v19;
	v22 =	vld.idx.msk [tilespmem:v4+s19+$0x0], $0xffff;
	_ =	sdelay $0x1  }
0x2df: {  	v19 =	vadd.f32 v20, v19;
	v20 =	vld.idx.msk [tilespmem:v5+s19+$0x0], $0xffff;
	_ =	sdelay $0x1  }
0x2e0: {  	v19 =	vadd.f32 v21, v19;
	v21 =	vld.idx.msk [tilespmem:v6+s19+$0x0], $0xffff;
	_ =	sdelay $0x1  }
0x2e1: {  	v19 =	vadd.f32 v22, v19;
	v22 =	vld.idx.msk [tilespmem:v7+s19+$0x0], $0xffff;
	_ =	sdelay $0x1  }
0x2e2: {  	v19 =	vadd.f32 v20, v19;
	v20 =	vld.idx.msk [tilespmem:v8+s19+$0x0], $0xffff;
	_ =	sdelay $0x1  }
0x2e3: {  	v19 =	vadd.f32 v21, v19;
	v21 =	vld.idx.msk [tilespmem:v9+s19+$0x0], $0xffff;
	_ =	sdelay $0x1  }
0x2e4: {  	v19 =	vadd.f32 v22, v19;
	v22 =	vld.idx.msk [tilespmem:v10+s19+$0x0], $0xffff;
	_ =	sdelay $0x1  }
0x2e5: {  	v19 =	vadd.f32 v20, v19;
	v20 =	vld.idx.msk [tilespmem:v11+s19+$0x0], $0xffff;
	_ =	sdelay $0x1  }
0x2e6: {  	v19 =	vadd.f32 v21, v19;
	v21 =	vld.idx.msk [tilespmem:v12+s19+$0x0], $0xffff;
	_ =	sdelay $0x1  }
0x2e7: {  	v19 =	vadd.f32 v22, v19;
	v22 =	vld.idx.msk [tilespmem:v13+s19+$0x0], $0xffff;
	_ =	sdelay $0x1  }
0x2e8: {  	v19 =	vadd.f32 v20, v19;
	v20 =	vld.idx.msk [tilespmem:v14+s19+$0x0], $0xffff;
	_ =	sdelay $0x1  }
0x2e9: {  	v19 =	vadd.f32 v21, v19;
	v21 =	vld.idx.msk [tilespmem:v15+s19+$0x0], $0xffff;
	_ =	sdelay $0x1  }
0x2ea: {  	v19 =	vadd.f32 v22, v19;
	v22 =	vld.idx.msk [tilespmem:v16+s19+$0x0], $0xffff;
	_ =	sdelay $0x1  }
0x2eb: {  	v19 =	vadd.f32 v20, v19;
	v20 =	vld.idx.msk [tilespmem:v17+s19+$0x0], $0xffff;
	_ =	sdelay $0x1  }
0x2ec: {  	v19 =	vadd.f32 v21, v19;
	v21 =	vld.idx.msk [tilespmem:v18+s19+$0x0], $0xffff;
	_ =	sdelay $0x1  }
0x2ed: {  	v19 =	vadd.f32 v22, v19;
	v22 =	vld.idx.msk [tilespmem:v3+s12+$0x0], $0xffff;
	_ =	sdelay $0x1  }
0x2ee: {  	v19 =	vadd.f32 v20, v19;
	v20 =	vld.idx.msk [tilespmem:v4+s12+$0x0], $0xffff;
	_ =	sdelay $0x1  }
0x2ef: {  	v19 =	vadd.f32 v21, v19;
	v21 =	vld.idx.msk [tilespmem:v5+s12+$0x0], $0xffff;
	_ =	sdelay $0x1  }
0x2f0: {  	v19 =	vadd.f32 v22, v19;
	v22 =	vld.idx.msk [tilespmem:v6+s12+$0x0], $0xffff;
	_ =	sdelay $0x1  }
0x2f1: {  	v19 =	vadd.f32 v20, v19;
	v20 =	vld.idx.msk [tilespmem:v7+s12+$0x0], $0xffff;
	_ =	sdelay $0x1  }
0x2f2: {  	v19 =	vadd.f32 v21, v19;
	v21 =	vld.idx.msk [tilespmem:v8+s12+$0x0], $0xffff;
	_ =	sdelay $0x1  }
0x2f3: {  	v19 =	vadd.f32 v22, v19;
	v22 =	vld.idx.msk [tilespmem:v9+s12+$0x0], $0xffff;
	_ =	sdelay $0x1  }
0x2f4: {  	v19 =	vadd.f32 v20, v19;
	v20 =	vld.idx.msk [tilespmem:v10+s12+$0x0], $0xffff;
	_ =	sdelay $0x1  }
0x2f5: {  	v19 =	vadd.f32 v21, v19;
	v21 =	vld.idx.msk [tilespmem:v11+s12+$0x0], $0xffff;
	_ =	sdelay $0x1  }
0x2f6: {  	v19 =	vadd.f32 v22, v19;
	v22 =	vld.idx.msk [tilespmem:v12+s12+$0x0], $0xffff;
	_ =	sdelay $0x1  }
0x2f7: {  	v19 =	vadd.f32 v20, v19;
	v20 =	vld.idx.msk [tilespmem:v13+s12+$0x0], $0xffff;
	_ =	sdelay $0x1  }
0x2f8: {  	v19 =	vadd.f32 v21, v19;
	v21 =	vld.idx.msk [tilespmem:v14+s12+$0x0], $0xffff;
	_ =	sdelay $0x1  }
0x2f9: {  	v19 =	vadd.f32 v22, v19;
	v22 =	vld.idx.msk [tilespmem:v15+s12+$0x0], $0xffff;
	_ =	sdelay $0x1  }
0x2fa: {  	v19 =	vadd.f32 v20, v19;
	v20 =	vld.idx.msk [tilespmem:v16+s12+$0x0], $0xffff;
	_ =	sdelay $0x1  }
0x2fb: {  	v19 =	vadd.f32 v21, v19;
	v21 =	vld.idx.msk [tilespmem:v17+s12+$0x0], $0xffff;
	_ =	sdelay $0x1  }
0x2fc: {  	v19 =	vadd.f32 v22, v19;
	v22 =	vld.idx.msk [tilespmem:v18+s12+$0x0], $0xffff;
	_ =	sdelay $0x1  }
0x2fd: {  	v19 =	vadd.f32 v20, v19;
	v3 =	vld.idx.msk [tilespmem:v3+s24+$0x0], $0xffff;
	_ =	sdelay $0x1  }
0x2fe: {  	v19 =	vadd.f32 v21, v19;
	v4 =	vld.idx.msk [tilespmem:v4+s24+$0x0], $0xffff;
	_ =	sdelay $0x1  }
0x2ff: {  	v19 =	vadd.f32 v22, v19;
	v5 =	vld.idx.msk [tilespmem:v5+s24+$0x0], $0xffff;
	_ =	sdelay $0x1  }
0x300: {  	v3 =	vadd.f32 v3, v19;
	v6 =	vld.idx.msk [tilespmem:v6+s24+$0x0], $0xffff;
	_ =	sdelay $0x1  }
0x301: {  	v3 =	vadd.f32 v4, v3;
	v4 =	vld.idx.msk [tilespmem:v7+s24+$0x0], $0xffff;
	_ =	sdelay $0x1  }
0x302: {  	v3 =	vadd.f32 v5, v3;
	v5 =	vld.idx.msk [tilespmem:v8+s24+$0x0], $0xffff;
	_ =	sdelay $0x1  }
0x303: {  	v3 =	vadd.f32 v6, v3;
	v6 =	vld.idx.msk [tilespmem:v9+s24+$0x0], $0xffff;
	_ =	sdelay $0x1  }
0x304: {  	v3 =	vadd.f32 v4, v3;
	v4 =	vld.idx.msk [tilespmem:v10+s24+$0x0], $0xffff;
	_ =	sdelay $0x1  }
0x305: {  	v3 =	vadd.f32 v5, v3;
	v5 =	vld.idx.msk [tilespmem:v11+s24+$0x0], $0xffff;
	_ =	sdelay $0x1  }
0x306: {  	v3 =	vadd.f32 v6, v3;
	v6 =	vld.idx.msk [tilespmem:v12+s24+$0x0], $0xffff;
	_ =	sdelay $0x1  }
0x307: {  	v3 =	vadd.f32 v4, v3;
	v4 =	vld.idx.msk [tilespmem:v13+s24+$0x0], $0xffff;
	_ =	sdelay $0x1  }
0x308: {  	v3 =	vadd.f32 v5, v3;
	v5 =	vld.idx.msk [tilespmem:v14+s24+$0x0], $0xffff;
	_ =	sdelay $0x1  }
0x309: {  	v3 =	vadd.f32 v6, v3;
	v6 =	vld.idx.msk [tilespmem:v15+s24+$0x0], $0xffff;
	_ =	sdelay $0x1  }
0x30a: {  	v3 =	vadd.f32 v4, v3;
	v7 =	vld.idx.msk [tilespmem:v16+s24+$0x0], $0xffff;
	_ =	sdelay $0x1  }
0x30b: {  	v3 =	vadd.f32 v5, v3;
	v4 =	vld.idx.msk [tilespmem:v17+s24+$0x0], $0xffff  }
.Ltmp6:
0x30c: {  	(pc) =	sbr.rel @p0 .LBB2_14-.Ltmp6, $3  }
0x30d: {  	v3 =	vadd.f32 v6, v3;
	v5 =	vld.idx.msk [tilespmem:v18+s24+$0x0], $0xffff;
	_ =	sdelay $0x1  }
0x30e: {  	v6 =	vadd.f32 v7, v3  }
0x30f: {  	s29 =	sadd.s32 $0x110, s29;
	s30 =	sadd.s32 $0xFFFFFFF1, s28  }
0x310: {  	v3 =	vadd.s32 s30, v2;
	v6 =	vadd.f32 v4, v6  }
0x311: {  	s29 =	sadd.s32 $0xFFFFFFF2, s28  }
0x312: {  	v4 =	vadd.s32 s29, v2;
	v6 =	vadd.f32 v5, v6  }
0x313: {  	s26 =	sadd.s32 $0x10, s26;
	s29 =	sadd.s32 $0xFFFFFFF3, s28  }
0x314: {  	v5 =	vadd.s32 s29, v2;
	[tilespmem:s26+$0x0] =	vst v6  }
0x315: {  	s29 =	sadd.s32 $0xFFFFFFF4, s28;
	v9 =	vld.idx.msk [tilespmem:v3+s16+$0x0], $0xffff  }
0x316: {  	v6 =	vadd.s32 s29, v2  }
0x317: {  	s29 =	sadd.s32 $0xFFFFFFF5, s28;
	v10 =	vld.idx.msk [tilespmem:v4+s16+$0x0], $0xffff  }
0x318: {  	v7 =	vadd.s32 s29, v2  }
0x319: {  	s29 =	sadd.s32 $0xFFFFFFF6, s28;
	v11 =	vld.idx.msk [tilespmem:v5+s16+$0x0], $0xffff  }
0x31a: {  	v8 =	vadd.s32 s29, v2;
	v12 =	vadd.f32 $0.0e+00, v9  }
0x31b: {  	s29 =	sadd.s32 $0xFFFFFFF7, s28;
	v13 =	vld.idx.msk [tilespmem:v6+s16+$0x0], $0xffff  }
0x31c: {  	v9 =	vadd.s32 s29, v2;
	v12 =	vadd.f32 v10, v12  }
0x31d: {  	v14 =	vld.idx.msk [tilespmem:v7+s16+$0x0], $0xffff;
	s29 =	sadd.s32 $0xFFFFFFF8, s28  }
0x31e: {  	v10 =	vadd.s32 s29, v2;
	v12 =	vadd.f32 v11, v12  }
0x31f: {  	v15 =	vld.idx.msk [tilespmem:v8+s16+$0x0], $0xffff;
	s29 =	sadd.s32 $0xFFFFFFF9, s28  }
0x320: {  	v11 =	vadd.s32 s29, v2;
	v13 =	vadd.f32 v13, v12  }
0x321: {  	s29 =	sadd.s32 $0xFFFFFFFA, s28;
	v16 =	vld.idx.msk [tilespmem:v9+s16+$0x0], $0xffff  }
0x322: {  	v12 =	vadd.s32 s29, v2;
	v14 =	vadd.f32 v14, v13  }
0x323: {  	s29 =	sadd.s32 $0xFFFFFFFB, s28;
	v17 =	vld.idx.msk [tilespmem:v10+s16+$0x0], $0xffff  }
0x324: {  	v13 =	vadd.s32 s29, v2;
	v15 =	vadd.f32 v15, v14  }
0x325: {  	s29 =	sadd.s32 $0xFFFFFFFC, s28;
	v18 =	vld.idx.msk [tilespmem:v11+s16+$0x0], $0xffff  }
0x326: {  	v14 =	vadd.s32 s29, v2;
	v16 =	vadd.f32 v16, v15  }
0x327: {  	s29 =	sadd.s32 $0xFFFFFFFD, s28;
	v19 =	vld.idx.msk [tilespmem:v12+s16+$0x0], $0xffff  }
0x328: {  	v15 =	vadd.s32 s29, v2;
	v17 =	vadd.f32 v17, v16  }
0x329: {  	s29 =	sadd.s32 $0xFFFFFFFE, s28;
	v20 =	vld.idx.msk [tilespmem:v13+s16+$0x0], $0xffff  }
0x32a: {  	v16 =	vadd.s32 s29, v2;
	v18 =	vadd.f32 v18, v17  }
0x32b: {  	s29 =	sadd.s32 $0xFFFFFFFF, s28;
	v21 =	vld.idx.msk [tilespmem:v14+s16+$0x0], $0xffff  }
0x32c: {  	v17 =	vadd.s32 s29, v2;
	v19 =	vadd.f32 v19, v18  }
0x32d: {  	v22 =	vld.idx.msk [tilespmem:v15+s16+$0x0], $0xffff  }
0x32e: {  	v18 =	vadd.s32 s28, v2;
	v19 =	vadd.f32 v20, v19  }
0x32f: {  	v53 =	vld.idx.msk [tilespmem:v16+s16+$0x0], $0xffff  }
0x330: {  	v19 =	vadd.f32 v21, v19  }
0x331: {  	v54 =	vld.idx.msk [tilespmem:v17+s16+$0x0], $0xffff  }
0x332: {  	v19 =	vadd.f32 v22, v19  }
0x333: {  	v55 =	vld.idx.msk [tilespmem:v18+s16+$0x0], $0xffff  }
0x334: {  	v19 =	vadd.f32 v53, v19  }
0x335: {  	v56 =	vld.idx.msk [tilespmem:v3+s17+$0x0], $0xffff  }
0x336: {  	v19 =	vadd.f32 v54, v19  }
0x337: {  	v57 =	vld.idx.msk [tilespmem:v4+s17+$0x0], $0xffff  }
0x338: {  	v19 =	vadd.f32 v55, v19  }
0x339: {  	v58 =	vld.idx.msk [tilespmem:v5+s17+$0x0], $0xffff  }
0x33a: {  	v19 =	vadd.f32 v56, v19  }
0x33b: {  	v59 =	vld.idx.msk [tilespmem:v6+s17+$0x0], $0xffff  }
0x33c: {  	v19 =	vadd.f32 v57, v19  }
0x33d: {  	v60 =	vld.idx.msk [tilespmem:v7+s17+$0x0], $0xffff  }
0x33e: {  	v19 =	vadd.f32 v58, v19  }
0x33f: {  	v61 =	vld.idx.msk [tilespmem:v8+s17+$0x0], $0xffff  }
0x340: {  	v19 =	vadd.f32 v59, v19  }
0x341: {  	v62 =	vld.idx.msk [tilespmem:v9+s17+$0x0], $0xffff  }
0x342: {  	v19 =	vadd.f32 v60, v19  }
0x343: {  	v63 =	vld.idx.msk [tilespmem:v10+s17+$0x0], $0xffff  }
0x344: {  	v19 =	vadd.f32 v61, v19  }
0x345: {  	v24 =	vld.idx.msk [tilespmem:v11+s17+$0x0], $0xffff  }
0x346: {  	v19 =	vadd.f32 v62, v19  }
0x347: {  	v25 =	vld.idx.msk [tilespmem:v12+s17+$0x0], $0xffff  }
0x348: {  	v19 =	vadd.f32 v63, v19  }
0x349: {  	v26 =	vld.idx.msk [tilespmem:v13+s17+$0x0], $0xffff  }
0x34a: {  	v19 =	vadd.f32 v24, v19  }
0x34b: {  	v27 =	vld.idx.msk [tilespmem:v14+s17+$0x0], $0xffff  }
0x34c: {  	v19 =	vadd.f32 v25, v19  }
0x34d: {  	v28 =	vld.idx.msk [tilespmem:v15+s17+$0x0], $0xffff  }
0x34e: {  	v19 =	vadd.f32 v26, v19  }
0x34f: {  	v29 =	vld.idx.msk [tilespmem:v16+s17+$0x0], $0xffff  }
0x350: {  	v19 =	vadd.f32 v27, v19  }
0x351: {  	v30 =	vld.idx.msk [tilespmem:v17+s17+$0x0], $0xffff  }
0x352: {  	v19 =	vadd.f32 v28, v19  }
0x353: {  	v31 =	vld.idx.msk [tilespmem:v18+s17+$0x0], $0xffff  }
0x354: {  	v19 =	vadd.f32 v29, v19  }
0x355: {  	v32 =	vld.idx.msk [tilespmem:v3+s19+$0x0], $0xffff  }
0x356: {  	v19 =	vadd.f32 v30, v19  }
0x357: {  	v33 =	vld.idx.msk [tilespmem:v4+s19+$0x0], $0xffff  }
0x358: {  	v19 =	vadd.f32 v31, v19  }
0x359: {  	v34 =	vld.idx.msk [tilespmem:v5+s19+$0x0], $0xffff  }
0x35a: {  	v19 =	vadd.f32 v32, v19  }
0x35b: {  	v35 =	vld.idx.msk [tilespmem:v6+s19+$0x0], $0xffff  }
0x35c: {  	v19 =	vadd.f32 v33, v19  }
0x35d: {  	v36 =	vld.idx.msk [tilespmem:v7+s19+$0x0], $0xffff  }
0x35e: {  	v19 =	vadd.f32 v34, v19  }
0x35f: {  	v37 =	vld.idx.msk [tilespmem:v8+s19+$0x0], $0xffff  }
0x360: {  	v19 =	vadd.f32 v35, v19  }
0x361: {  	v38 =	vld.idx.msk [tilespmem:v9+s19+$0x0], $0xffff  }
0x362: {  	v19 =	vadd.f32 v36, v19  }
0x363: {  	v39 =	vld.idx.msk [tilespmem:v10+s19+$0x0], $0xffff  }
0x364: {  	v19 =	vadd.f32 v37, v19  }
0x365: {  	v40 =	vld.idx.msk [tilespmem:v11+s19+$0x0], $0xffff  }
0x366: {  	v19 =	vadd.f32 v38, v19  }
0x367: {  	v41 =	vld.idx.msk [tilespmem:v12+s19+$0x0], $0xffff  }
0x368: {  	v19 =	vadd.f32 v39, v19  }
0x369: {  	v42 =	vld.idx.msk [tilespmem:v13+s19+$0x0], $0xffff  }
0x36a: {  	v19 =	vadd.f32 v40, v19  }
0x36b: {  	v43 =	vld.idx.msk [tilespmem:v14+s19+$0x0], $0xffff  }
0x36c: {  	v19 =	vadd.f32 v41, v19  }
0x36d: {  	v44 =	vld.idx.msk [tilespmem:v15+s19+$0x0], $0xffff  }
0x36e: {  	v19 =	vadd.f32 v42, v19  }
0x36f: {  	v45 =	vld.idx.msk [tilespmem:v16+s19+$0x0], $0xffff  }
0x370: {  	v19 =	vadd.f32 v43, v19  }
0x371: {  	v46 =	vld.idx.msk [tilespmem:v17+s19+$0x0], $0xffff  }
0x372: {  	v19 =	vadd.f32 v44, v19  }
0x373: {  	v47 =	vld.idx.msk [tilespmem:v18+s19+$0x0], $0xffff  }
0x374: {  	v19 =	vadd.f32 v45, v19  }
0x375: {  	v48 =	vld.idx.msk [tilespmem:v3+s12+$0x0], $0xffff  }
0x376: {  	v19 =	vadd.f32 v46, v19  }
0x377: {  	v49 =	vld.idx.msk [tilespmem:v4+s12+$0x0], $0xffff  }
0x378: {  	v19 =	vadd.f32 v47, v19  }
0x379: {  	v50 =	vld.idx.msk [tilespmem:v5+s12+$0x0], $0xffff  }
0x37a: {  	v19 =	vadd.f32 v48, v19  }
0x37b: {  	v51 =	vld.idx.msk [tilespmem:v6+s12+$0x0], $0xffff  }
0x37c: {  	v19 =	vadd.f32 v49, v19  }
0x37d: {  	v52 =	vld.idx.msk [tilespmem:v7+s12+$0x0], $0xffff  }
0x37e: {  	v19 =	vadd.f32 v50, v19  }
0x37f: {  	v53 =	vld.idx.msk [tilespmem:v8+s12+$0x0], $0xffff  }
0x380: {  	v19 =	vadd.f32 v51, v19  }
0x381: {  	v54 =	vld.idx.msk [tilespmem:v9+s12+$0x0], $0xffff  }
0x382: {  	v19 =	vadd.f32 v52, v19  }
0x383: {  	v55 =	vld.idx.msk [tilespmem:v10+s12+$0x0], $0xffff  }
0x384: {  	v19 =	vadd.f32 v53, v19  }
0x385: {  	v56 =	vld.idx.msk [tilespmem:v11+s12+$0x0], $0xffff  }
0x386: {  	v19 =	vadd.f32 v54, v19  }
0x387: {  	v57 =	vld.idx.msk [tilespmem:v12+s12+$0x0], $0xffff  }
0x388: {  	v19 =	vadd.f32 v55, v19  }
0x389: {  	v58 =	vld.idx.msk [tilespmem:v13+s12+$0x0], $0xffff  }
0x38a: {  	v19 =	vadd.f32 v56, v19  }
0x38b: {  	v59 =	vld.idx.msk [tilespmem:v14+s12+$0x0], $0xffff  }
0x38c: {  	v19 =	vadd.f32 v57, v19  }
0x38d: {  	v60 =	vld.idx.msk [tilespmem:v15+s12+$0x0], $0xffff  }
0x38e: {  	v19 =	vadd.f32 v58, v19  }
0x38f: {  	v61 =	vld.idx.msk [tilespmem:v16+s12+$0x0], $0xffff  }
0x390: {  	v19 =	vadd.f32 v59, v19  }
0x391: {  	v62 =	vld.idx.msk [tilespmem:v17+s12+$0x0], $0xffff  }
0x392: {  	v19 =	vadd.f32 v60, v19  }
0x393: {  	v63 =	vld.idx.msk [tilespmem:v18+s12+$0x0], $0xffff  }
0x394: {  	v19 =	vadd.f32 v61, v19  }
0x395: {  	v3 =	vld.idx.msk [tilespmem:v3+s24+$0x0], $0xffff  }
0x396: {  	v19 =	vadd.f32 v62, v19  }
0x397: {  	v4 =	vld.idx.msk [tilespmem:v4+s24+$0x0], $0xffff  }
0x398: {  	v19 =	vadd.f32 v63, v19  }
0x399: {  	v5 =	vld.idx.msk [tilespmem:v5+s24+$0x0], $0xffff  }
0x39a: {  	v3 =	vadd.f32 v3, v19  }
0x39b: {  	v6 =	vld.idx.msk [tilespmem:v6+s24+$0x0], $0xffff  }
0x39c: {  	v3 =	vadd.f32 v4, v3  }
0x39d: {  	v20 =	vld.idx.msk [tilespmem:v7+s24+$0x0], $0xffff  }
0x39e: {  	v3 =	vadd.f32 v5, v3  }
0x39f: {  	v21 =	vld.idx.msk [tilespmem:v8+s24+$0x0], $0xffff  }
0x3a0: {  	v3 =	vadd.f32 v6, v3  }
0x3a1: {  	v22 =	vld.idx.msk [tilespmem:v9+s24+$0x0], $0xffff  }
0x3a2: {  	v3 =	vadd.f32 v20, v3  }
0x3a3: {  	v23 =	vld.idx.msk [tilespmem:v10+s24+$0x0], $0xffff  }
0x3a4: {  	v3 =	vadd.f32 v21, v3  }
0x3a5: {  	v24 =	vld.idx.msk [tilespmem:v11+s24+$0x0], $0xffff  }
0x3a6: {  	v3 =	vadd.f32 v22, v3  }
0x3a7: {  	v25 =	vld.idx.msk [tilespmem:v12+s24+$0x0], $0xffff  }
0x3a8: {  	v3 =	vadd.f32 v23, v3  }
0x3a9: {  	v26 =	vld.idx.msk [tilespmem:v13+s24+$0x0], $0xffff  }
0x3aa: {  	v3 =	vadd.f32 v24, v3  }
0x3ab: {  	v27 =	vld.idx.msk [tilespmem:v14+s24+$0x0], $0xffff  }
0x3ac: {  	v3 =	vadd.f32 v25, v3  }
0x3ad: {  	v28 =	vld.idx.msk [tilespmem:v15+s24+$0x0], $0xffff  }
0x3ae: {  	v3 =	vadd.f32 v26, v3  }
0x3af: {  	v29 =	vld.idx.msk [tilespmem:v16+s24+$0x0], $0xffff  }
0x3b0: {  	v3 =	vadd.f32 v27, v3  }
0x3b1: {  	v30 =	vld.idx.msk [tilespmem:v17+s24+$0x0], $0xffff  }
0x3b2: {  	v3 =	vadd.f32 v28, v3  }
0x3b3: {  	v31 =	vld.idx.msk [tilespmem:v18+s24+$0x0], $0xffff  }
0x3b4: {  	v3 =	vadd.f32 v29, v3;
	_ =	sdelay $0x1  }
0x3b5: {  	v3 =	vadd.f32 v30, v3;
	_ =	sdelay $0x1  }
0x3b6: {  	v3 =	vadd.f32 v31, v3  }
0x3b7: {  	s30 =	simm.s32 $0x19980;
	s26 =	sadd.s32 $0x10, s26  }
0x3b8: {  	s29 =	simm.s32 $0x400;
	s28 =	simm.s32 $0x80;
	[tilespmem:s26+$0x0] =	vst v3;
	s26 =	rddreg [dreg:$0x18]  }
0x3b9: {  	[spmem:s26] =	stream.strided.scatter [tilespmem:s30], [sflag:$0x4], $0x200, s29, s28, $0x38;
	[tilespmem:$0x1A780] =	vst v63  }
0x3ba: {  	_ =	swait.ge [sflag:s11], $0x200  }
0x3bb: {  	[sflag:s11] =	ssyncset.done $0x0  }
0x3bc: {  	[sflag:s11] =	ssyncadd.s32 $0xFFFFFE00  }
0x3bd: {  	s28 =	simm.s32 $0x19D80;
	[bflag:$0x0] =	sbarrier.arrive $0xFFFF  }
0x3be: {  	[tilespmem:s28], [sflag:$0x3] =	stream.linear.gather [spmem:s21], $0x20, $0x38;
	[tilespmem:$0x1A780] =	vst v63  }
0x3bf: {  	s29 =	simm.s32 $0x19E00;
	s26 =	rddreg [dreg:$0x1b]  }
0x3c0: {  	[tilespmem:s29], [sflag:$0x3] =	stream.linear.gather [spmem:s26], $0x20, $0x38;
	[tilespmem:$0x1A780] =	vst v63  }
0x3c1: {  	s26 =	rddreg [dreg:$0x1c];
	s29 =	simm.s32 $0x19E80  }
0x3c2: {  	[tilespmem:s29], [sflag:$0x3] =	stream.linear.gather [spmem:s26], $0x20, $0x38;
	[tilespmem:$0x1A780] =	vst v63  }
0x3c3: {  	s26 =	rddreg [dreg:$0x1d];
	s29 =	simm.s32 $0x19F00  }
0x3c4: {  	[tilespmem:s29], [sflag:$0x3] =	stream.linear.gather [spmem:s26], $0x20, $0x38;
	[tilespmem:$0x1A780] =	vst v63  }
0x3c5: {  	s26 =	rddreg [dreg:$0x1e];
	s29 =	simm.s32 $0x19F80  }
0x3c6: {  	[tilespmem:s29], [sflag:$0x3] =	stream.linear.gather [spmem:s26], $0x20, $0x38;
	[tilespmem:$0x1A780] =	vst v63  }
0x3c7: {  	s29 =	simm.s32 $0x1A000  }
0x3c8: {  	[tilespmem:s29], [sflag:$0x3] =	stream.linear.gather [spmem:s31], $0x20, $0x38;
	[tilespmem:$0x1A780] =	vst v63  }
0x3c9: {  	s28 =	simm.s32 $0x1A080  }
0x3ca: {  	[tilespmem:s28], [sflag:$0x3] =	stream.linear.gather [spmem:s18], $0x20, $0x38;
	[tilespmem:$0x1A780] =	vst v63  }
0x3cb: {  	s29 =	simm.s32 $0x1A100  }
0x3cc: {  	[tilespmem:s29], [sflag:$0x3] =	stream.linear.gather [spmem:s0], $0x20, $0x38;
	[tilespmem:$0x1A780] =	vst v63  }
0x3cd: {  	s28 =	simm.s32 $0x1A180  }
0x3ce: {  	[tilespmem:s28], [sflag:$0x3] =	stream.linear.gather [spmem:s1], $0x20, $0x38;
	[tilespmem:$0x1A780] =	vst v63  }
0x3cf: {  	s29 =	simm.s32 $0x1A200  }
0x3d0: {  	[tilespmem:s29], [sflag:$0x3] =	stream.linear.gather [spmem:s2], $0x20, $0x38;
	[tilespmem:$0x1A780] =	vst v63  }
0x3d1: {  	s28 =	simm.s32 $0x1A280  }
0x3d2: {  	[tilespmem:s28], [sflag:$0x3] =	stream.linear.gather [spmem:s20], $0x20, $0x38;
	[tilespmem:$0x1A780] =	vst v63  }
0x3d3: {  	s29 =	simm.s32 $0x1A300  }
0x3d4: {  	[tilespmem:s29], [sflag:$0x3] =	stream.linear.gather [spmem:s3], $0x20, $0x38;
	[tilespmem:$0x1A780] =	vst v63  }
0x3d5: {  	s28 =	simm.s32 $0x1A380  }
0x3d6: {  	[tilespmem:s28], [sflag:$0x3] =	stream.linear.gather [spmem:s4], $0x20, $0x38;
	[tilespmem:$0x1A780] =	vst v63  }
0x3d7: {  	s29 =	simm.s32 $0x1A400  }
0x3d8: {  	[tilespmem:s29], [sflag:$0x3] =	stream.linear.gather [spmem:s5], $0x20, $0x38;
	[tilespmem:$0x1A780] =	vst v63  }
0x3d9: {  	s28 =	simm.s32 $0x1A480  }
0x3da: {  	[tilespmem:s28], [sflag:$0x3] =	stream.linear.gather [spmem:s6], $0x20, $0x38;
	[tilespmem:$0x1A780] =	vst v63  }
0x3db: {  	s29 =	simm.s32 $0x1A500  }
0x3dc: {  	[tilespmem:s29], [sflag:$0x3] =	stream.linear.gather [spmem:s7], $0x20, $0x38;
	[tilespmem:$0x1A780] =	vst v63  }
0x3dd: {  	_ =	swait.ge [sflag:s25], $0x20  }
0x3de: {  	[sflag:s25] =	ssyncset.done $0x0  }
0x3df: {  	[sflag:s25] =	ssyncadd.s32 $0xFFFFFFE0  }
0x3e0: {  	_ =	swait.ge [sflag:s25], $0x20  }
0x3e1: {  	[sflag:s25] =	ssyncset.done $0x0  }
0x3e2: {  	[sflag:s25] =	ssyncadd.s32 $0xFFFFFFE0  }
0x3e3: {  	_ =	swait.ge [sflag:s25], $0x20  }
0x3e4: {  	[sflag:s25] =	ssyncset.done $0x0  }
0x3e5: {  	[sflag:s25] =	ssyncadd.s32 $0xFFFFFFE0  }
0x3e6: {  	_ =	swait.ge [sflag:s25], $0x20  }
0x3e7: {  	[sflag:s25] =	ssyncset.done $0x0  }
0x3e8: {  	[sflag:s25] =	ssyncadd.s32 $0xFFFFFFE0  }
0x3e9: {  	_ =	swait.ge [sflag:s25], $0x20  }
0x3ea: {  	[sflag:s25] =	ssyncset.done $0x0  }
0x3eb: {  	[sflag:s25] =	ssyncadd.s32 $0xFFFFFFE0  }
0x3ec: {  	_ =	swait.ge [sflag:s25], $0x20  }
0x3ed: {  	[sflag:s25] =	ssyncset.done $0x0  }
0x3ee: {  	[sflag:s25] =	ssyncadd.s32 $0xFFFFFFE0  }
0x3ef: {  	_ =	swait.ge [sflag:s25], $0x20  }
0x3f0: {  	[sflag:s25] =	ssyncset.done $0x0  }
0x3f1: {  	[sflag:s25] =	ssyncadd.s32 $0xFFFFFFE0  }
0x3f2: {  	_ =	swait.ge [sflag:s25], $0x20  }
0x3f3: {  	[sflag:s25] =	ssyncset.done $0x0  }
0x3f4: {  	[sflag:s25] =	ssyncadd.s32 $0xFFFFFFE0  }
0x3f5: {  	_ =	swait.ge [sflag:s25], $0x20  }
0x3f6: {  	[sflag:s25] =	ssyncset.done $0x0  }
0x3f7: {  	[sflag:s25] =	ssyncadd.s32 $0xFFFFFFE0  }
0x3f8: {  	_ =	swait.ge [sflag:s25], $0x20  }
0x3f9: {  	[sflag:s25] =	ssyncset.done $0x0  }
0x3fa: {  	[sflag:s25] =	ssyncadd.s32 $0xFFFFFFE0  }
0x3fb: {  	_ =	swait.ge [sflag:s25], $0x20  }
0x3fc: {  	[sflag:s25] =	ssyncset.done $0x0  }
0x3fd: {  	[sflag:s25] =	ssyncadd.s32 $0xFFFFFFE0  }
0x3fe: {  	_ =	swait.ge [sflag:s25], $0x20  }
0x3ff: {  	[sflag:s25] =	ssyncset.done $0x0  }
0x400: {  	[sflag:s25] =	ssyncadd.s32 $0xFFFFFFE0  }
0x401: {  	_ =	swait.ge [sflag:s25], $0x20  }
0x402: {  	[sflag:s25] =	ssyncset.done $0x0  }
0x403: {  	[sflag:s25] =	ssyncadd.s32 $0xFFFFFFE0  }
0x404: {  	_ =	swait.ge [sflag:s25], $0x20  }
0x405: {  	[sflag:s25] =	ssyncset.done $0x0  }
0x406: {  	[sflag:s25] =	ssyncadd.s32 $0xFFFFFFE0  }
0x407: {  	_ =	swait.ge [sflag:s25], $0x20  }
0x408: {  	[sflag:s25] =	ssyncset.done $0x0  }
0x409: {  	[sflag:s25] =	ssyncadd.s32 $0xFFFFFFE0  }
0x40a: {  	_ =	swait.ge [sflag:s25], $0x20  }
0x40b: {  	[sflag:s25] =	ssyncset.done $0x0  }
0x40c: {  	[sflag:s25] =	ssyncadd.s32 $0xFFFFFFE0  }
0x40d: {  	v3 =	vld [tilespmem:$0x19C80];
	_ =	sdelay $0x4  }
0x40e: {  	(v2sf) =	vpush v3, $0x0;
	_ =	sdelay $0xe  }
0x40f: {  	s28 =	spop (v2sf)  }
0x410: {  	s26 =	smul.f32 s28, s23;
	_ =	sdelay $0x1  }
0x411: {  	v32 =	vld [tilespmem:$0x19D80];
	v3 =	vmov s26  }
0x412: {  	v33 =	vld [tilespmem:$0x19D90];
	v3 =	vadd.f32 $0.0e+00, v3  }
0x413: {  	v34 =	vld [tilespmem:$0x19E00]  }
0x414: {  	v35 =	vld [tilespmem:$0x19E10];
	v3 =	vbroadcast v3, $0x0  }
0x415: {  	v36 =	vld [tilespmem:$0x19E80]  }
0x416: {  	v37 =	vld [tilespmem:$0x19E90];
	v4 =	vadd.f32 v3, v32  }
0x417: {  	v38 =	vld [tilespmem:$0x19F00];
	v3 =	vadd.f32 v3, v33  }
0x418: {  	v39 =	vld [tilespmem:$0x19F10];
	v4 =	vadd.f32 v4, v34  }
0x419: {  	v40 =	vld [tilespmem:$0x19F80];
	v3 =	vadd.f32 v3, v35  }
0x41a: {  	v41 =	vld [tilespmem:$0x19F90];
	v4 =	vadd.f32 v4, v36  }
0x41b: {  	v42 =	vld [tilespmem:$0x1A000];
	v3 =	vadd.f32 v3, v37  }
0x41c: {  	v43 =	vld [tilespmem:$0x1A010];
	v4 =	vadd.f32 v4, v38  }
0x41d: {  	v44 =	vld [tilespmem:$0x1A080];
	v3 =	vadd.f32 v39, v3  }
0x41e: {  	v45 =	vld [tilespmem:$0x1A090];
	v4 =	vadd.f32 v40, v4  }
0x41f: {  	v46 =	vld [tilespmem:$0x1A100];
	v3 =	vadd.f32 v41, v3  }
0x420: {  	v47 =	vld [tilespmem:$0x1A110];
	v4 =	vadd.f32 v42, v4  }
0x421: {  	v48 =	vld [tilespmem:$0x1A180];
	v3 =	vadd.f32 v43, v3  }
0x422: {  	v49 =	vld [tilespmem:$0x1A190];
	v4 =	vadd.f32 v44, v4  }
0x423: {  	v50 =	vld [tilespmem:$0x1A200];
	v3 =	vadd.f32 v45, v3  }
0x424: {  	v51 =	vld [tilespmem:$0x1A210];
	v4 =	vadd.f32 v46, v4  }
0x425: {  	v52 =	vld [tilespmem:$0x1A280];
	v3 =	vadd.f32 v47, v3  }
0x426: {  	v53 =	vld [tilespmem:$0x1A290];
	v4 =	vadd.f32 v48, v4  }
0x427: {  	v54 =	vld [tilespmem:$0x1A300];
	v3 =	vadd.f32 v49, v3  }
0x428: {  	v55 =	vld [tilespmem:$0x1A310];
	v4 =	vadd.f32 v50, v4  }
0x429: {  	v56 =	vld [tilespmem:$0x1A380];
	v3 =	vadd.f32 v51, v3  }
0x42a: {  	v57 =	vld [tilespmem:$0x1A390];
	v4 =	vadd.f32 v52, v4  }
0x42b: {  	v58 =	vld [tilespmem:$0x1A400];
	v3 =	vadd.f32 v53, v3  }
0x42c: {  	v59 =	vld [tilespmem:$0x1A410];
	v4 =	vadd.f32 v54, v4  }
0x42d: {  	v60 =	vld [tilespmem:$0x1A480];
	v3 =	vadd.f32 v55, v3  }
0x42e: {  	v61 =	vld [tilespmem:$0x1A490];
	v4 =	vadd.f32 v56, v4  }
0x42f: {  	v62 =	vld [tilespmem:$0x1A500];
	v3 =	vadd.f32 v57, v3  }
0x430: {  	v63 =	vld [tilespmem:$0x1A510];
	v4 =	vadd.f32 v58, v4  }
0x431: {  	v3 =	vadd.f32 v59, v3  }
0x432: {  	v4 =	vadd.f32 v60, v4  }
0x433: {  	v3 =	vadd.f32 v61, v3  }
0x434: {  	v4 =	vadd.f32 v62, v4  }
0x435: {  	v3 =	vadd.f32 v63, v3  }
0x436: {  	[tilespmem:$0x19D00] =	vst v4  }
0x437: {  	s29 =	simm.s32 $0x19D00;
	s26 =	rddreg [dreg:$0x19];
	[tilespmem:$0x19D10] =	vst v3  }
0x438: {  	[hbm4b:s26+s22] =	stream.linear.scatter [tilespmem:s29], [sflag:$0x4], $0x20, $0x38;
	[tilespmem:$0x1A780] =	vst v63  }
0x439: {  	_ =	swait.ge [sflag:s11], $0x20  }
0x43a: {  	s14 =	sadd.s32 $0x1, s14;
	s29 =	rddreg [dreg:$0x1a]  }
0x43b: {  	p0 =	sne.s32 s14, s29  }
.Ltmp7:
0x43c: {  	_ = 	snop;
	(pc) =	sbr.rel @p0 .LBB2_1-.Ltmp7, $3  }
0x43d: {  	_ =	sdelay $0x1  }
0x43e: {  	[sflag:s11] =	ssyncset.done $0x0  }
0x43f: {  	s30 =	simm.s32 $0x2780;
	[sflag:s11] =	ssyncadd.s32 $0xFFFFFFE0  }
0x440: {  	_ =	sfence.sel $0x180000  }
0x441: {  	[bflag:$0x0] =	sbarrier.arrive $0xFFFF  }
0x442: {  	_ =	strace $0x90000047  }
0x443: {  	s0 =	stileid.u32;
	[bflag:$0x2] =	sbarrier.arrive $0xFFFF  }
0x444: {  	p0 =	sne.s32 s0, $0x0;
	s0 =	rddreg [dreg:$0x8]  }
0x445: {  	s0 =	sadd.s32 @!p0 $0x100000, s0  }
0x446: {  	[sflag:s0] =	ssyncadd.tile.s32 @!p0 $0x1;
	_ =	shalt  }
.Lfunc_end2:
_tile_overlayer_lowered:
.L_overlay_start_2:
0x447: {  	(tag) =	ssettag $0x2  }
0x448: {  	s0 =	rddreg [dreg:$0x0];
	s2 =	stileid.u32  }
0x449: {  	s1 =	rddreg [dreg:$0x1];
	p0 =	sne.s32 s2, $0x0  }
0x44a: {  	s3 =	rddreg [dreg:$0x2];
	[bflag:$0x3] =	sbarrier.arrive $0xFFFF;
	s2 =	simm.s32 @!p0 $0x1C04  }
0x44b: {  	[timem:s3], [sflag:s2] =	dma.local @!p0 [hbm:s0], s1  }
0x44c: {  	s0 =	simm.s32 @!p0 $0x4  }
0x44d: {  	_ =	swait.ge @!p0 [sflag:s0], s1  }
0x44e: {  	s1 =	ssub.s32 @!p0 $0x0, s1;
	[sflag:s0] =	ssyncset.done @!p0 $0x0  }
0x44f: {  	[sflag:s0] =	ssyncadd.s32 @!p0 s1  }
0x450: {  	[bflag:$0x3] =	sbarrier.arrive $0xFFFF  }
0x451: {  	_ =	shalt  }

</sc_bundles>
